<compile_context>
chip_gen: v7x
topology: tpu7x:2x2x1
jax: 0.10.2.dev20260603
libtpu: 0.0.44.dev20260713+nightly
codegen_flags: <defaults>
</compile_context>

<pallas_src>
import functools

import jax
import jax.numpy as jnp
import numpy as np
from jax.experimental import pallas as pl
from jax.experimental.pallas import tpu as pltpu
from jax.experimental.pallas import tpu_sc as plsc

_B = 2
_N = 4096
_KP = 9
_NPT = _B * _N
_M = _NPT * _KP

_QT = 256
_NT = _N // _QT

_NC, _NS = 2, 16
_NW = _NC * _NS
_PER_W = _M // _NW
_CH = 128
_NCH = _PER_W // _CH


def _topk_body(xq_ref, xkt_ref, out_ref):
    b = pl.program_id(0)
    xq = xq_ref[0]
    xkt = xkt_ref[0]
    qsq = jnp.sum(xq * xq, axis=1, keepdims=True)
    ksq = jnp.sum(xkt * xkt, axis=0, keepdims=True)
    prod = jax.lax.dot_general(
        xq.astype(jnp.bfloat16), xkt.astype(jnp.bfloat16),
        (((1,), (0,)), ((), ())),
        preferred_element_type=jnp.float32)
    dist = (-qsq - ksq) + 2.0 * prod
    col = jax.lax.broadcasted_iota(jnp.int32, (_QT, _N), 1)
    neg = jnp.float32(-3.0e38)
    outs = []
    for j in range(_KP + 1):
        m = jnp.max(dist, axis=1, keepdims=True)
        cand = jnp.where(dist == m, col, _N)
        amin = jnp.min(cand, axis=1, keepdims=True)
        if j > 0:
            outs.append(amin)
        dist = jnp.where(col == amin, neg, dist)
    idx = jnp.concatenate(outs, axis=1) + b * _N
    out_ref[0] = idx


def _sc_gather_body(table_hbm, idx_hbm, out_hbm, idx_v, rows_v, sem):
    wid = jax.lax.axis_index("s") * _NC + jax.lax.axis_index("c")
    base = wid * _PER_W
    pltpu.sync_copy(idx_hbm.at[wid], idx_v)
    copies = [
        pltpu.async_copy(table_hbm.at[idx_v.at[j]],
                         rows_v.at[pl.ds(j * _CH, _CH)], sem)
        for j in range(_NCH)
    ]
    for c in copies:
        c.wait()
    pltpu.sync_copy(rows_v, out_hbm.at[pl.ds(base, _PER_W)])


def _mlp_body(xnt_ref, xt_ref, w1_ref, g1_ref, be1_ref, w2_ref, b2_ref,
              g2_ref, be2_ref, w3_ref, b3_ref, out_ref):
    cxb = xt_ref[0:1, :]
    cyb = xt_ref[1:2, :]
    czb = xt_ref[2:3, :]
    rx = xnt_ref[0] - cxb
    ry = xnt_ref[1] - cyb
    rz = xnt_ref[2] - czb

    phi = jnp.arctan2(ry, rx) / (2.0 * np.pi) + 0.5

    riot = jax.lax.broadcasted_iota(jnp.int32, (_KP, _NPT), 0)
    pw = phi
    sx, sy, sz = [], [], []
    big = jnp.float32(1e9)
    for _ in range(_KP):
        m = jnp.min(pw, axis=0, keepdims=True)
        eq = pw == m
        cand = jnp.where(eq, riot, _KP)
        amin = jnp.min(cand, axis=0, keepdims=True)
        oh = riot == amin
        ohf = oh.astype(jnp.float32)
        sx.append(jnp.sum(ohf * rx, axis=0, keepdims=True))
        sy.append(jnp.sum(ohf * ry, axis=0, keepdims=True))
        sz.append(jnp.sum(ohf * rz, axis=0, keepdims=True))
        pw = jnp.where(oh, big, pw)
    px = jnp.concatenate(sx, axis=0)
    py = jnp.concatenate(sy, axis=0)
    pz = jnp.concatenate(sz, axis=0)
    qx = jnp.concatenate([px[1:], px[:1]], axis=0)
    qy = jnp.concatenate([py[1:], py[:1]], axis=0)
    qz = jnp.concatenate([pz[1:], pz[:1]], axis=0)

    cxx = (px + qx) * 0.5
    cyy = (py + qy) * 0.5
    czz = (pz + qz) * 0.5
    nx = py * qz - pz * qy + 1e-5
    ny = pz * qx - px * qz + 1e-5
    nz = px * qy - py * qx + 1e-5
    nrm = jnp.sqrt(nx * nx + ny * ny + nz * nz)
    nx = nx / nrm
    ny = ny / nrm
    nz = nz / nrm
    s = jnp.where(nx[0:1, :] > 0, jnp.float32(1.0), jnp.float32(-1.0))
    nx = nx * s
    ny = ny * s
    nz = nz * s
    pos = (cxx * nx + cyy * ny + czz * nz) / np.sqrt(3.0)

    feats = [cxx, cyy, czz, nx, ny, nz, pos]

    def dense(fin, w_ref, b_ref=None):
        out = []
        for o in range(7):
            acc = fin[0] * w_ref[0, o * 7 + 0]
            for c in range(1, 7):
                acc = acc + fin[c] * w_ref[0, o * 7 + c]
            if b_ref is not None:
                acc = acc + b_ref[0, o]
            out.append(acc)
        return out

    def bn_relu(fin, g_ref, b_ref):
        out = []
        for o in range(7):
            f = fin[o]
            m = jnp.mean(f)
            v = jnp.mean((f - m) ** 2)
            h = g_ref[0, o] * (f - m) / jnp.sqrt(v + 1e-5) + b_ref[0, o]
            out.append(jnp.maximum(h, 0.0))
        return out

    f1 = bn_relu(dense(feats, w1_ref), g1_ref, be1_ref)
    f2 = bn_relu(dense(f1, w2_ref, b2_ref), g2_ref, be2_ref)
    f3 = dense(f2, w3_ref, b3_ref)
    rows = [jnp.max(f3[o], axis=0, keepdims=True) for o in range(7)]
    out_ref[...] = jnp.concatenate(rows, axis=0)


def _sc_gather_call(table, idx3):
    call = pl.kernel(
        _sc_gather_body,
        out_type=jax.ShapeDtypeStruct((_M, 16), jnp.float32),
        mesh=plsc.VectorSubcoreMesh(core_axis_name="c", subcore_axis_name="s",
                                    num_cores=_NC, num_subcores=_NS),
        scratch_types=[
            pltpu.VMEM((_NCH, _CH), jnp.int32),
            pltpu.VMEM((_PER_W, 16), jnp.float32),
            pltpu.SemaphoreType.DMA,
        ],
        compiler_params=pltpu.CompilerParams(use_tc_tiling_on_sc=False),
    )
    return call(table, idx3)


def kernel(x, w1, bn1_g, bn1_b, w2, b2, bn2_g, bn2_b, w3, b3):
    f32 = jnp.float32
    x_pad = jnp.zeros((_B, _N, 8), f32).at[..., :3].set(x)
    x_t = jnp.transpose(x_pad, (0, 2, 1))

    idx = pl.pallas_call(
        _topk_body,
        grid=(_B, _NT),
        in_specs=[
            pl.BlockSpec((1, _QT, 8), lambda b, t: (b, t, 0)),
            pl.BlockSpec((1, 8, _N), lambda b, t: (b, 0, 0)),
        ],
        out_specs=pl.BlockSpec((1, _QT, _KP), lambda b, t: (b, t, 0)),
        out_shape=jax.ShapeDtypeStruct((_B, _N, _KP), jnp.int32),
    )(x_pad, x_t)

    table = jnp.zeros((_NPT, 16), f32).at[:, :3].set(x.reshape(_NPT, 3))
    idx3 = idx.reshape(_NW, _NCH, _CH)
    neigh = _sc_gather_call(table, idx3)

    xnt = neigh[:, :3].reshape(_NPT, _KP, 3).transpose(2, 1, 0)
    xt = x.reshape(_NPT, 3).T

    smem = pl.BlockSpec(memory_space=pltpu.SMEM)
    vmem = pl.BlockSpec(memory_space=pltpu.VMEM)
    fout = pl.pallas_call(
        _mlp_body,
        in_specs=[vmem, vmem] + [smem] * 9,
        out_specs=vmem,
        out_shape=jax.ShapeDtypeStruct((7, _NPT), f32),
    )(xnt, xt,
      w1.reshape(1, 49), bn1_g.reshape(1, 7), bn1_b.reshape(1, 7),
      w2.reshape(1, 49), b2.reshape(1, 7), bn2_g.reshape(1, 7),
      bn2_b.reshape(1, 7), w3.reshape(1, 49), b3.reshape(1, 7))

    f = fout.T.reshape(_B, _N, 7)
    return jnp.concatenate([x, f], axis=-1)

# --- scband reference (transcript-rebuilt; emitter-appended) ---
"""Pipeline reference for scband-umbrella-repsurf-43052752175168 (READ-ONLY COPY).

The authoritative reference and input builder live on the scoring server;
editing this copy changes nothing except your own understanding.
"""

import jax, jax.numpy as jnp
import numpy as np

K = 9


def setup_inputs(seed: int = 0) -> dict:
    key = jax.random.key(seed)
    ks = jax.random.split(key, 8)
    x = jax.random.normal(ks[0], (2, 4096, 3), dtype=jnp.float32)
    s = 1.0 / np.sqrt(7.0)
    w1 = jax.random.normal(ks[1], (7, 7), dtype=jnp.float32) * s
    bn1_g = jnp.ones((7,), dtype=jnp.float32)
    bn1_b = jnp.zeros((7,), dtype=jnp.float32)
    w2 = jax.random.normal(ks[2], (7, 7), dtype=jnp.float32) * s
    b2 = jnp.zeros((7,), dtype=jnp.float32)
    bn2_g = jnp.ones((7,), dtype=jnp.float32)
    bn2_b = jnp.zeros((7,), dtype=jnp.float32)
    w3 = jax.random.normal(ks[3], (7, 7), dtype=jnp.float32) * s
    b3 = jnp.zeros((7,), dtype=jnp.float32)
    return {"x": x, "w1": w1, "bn1_g": bn1_g, "bn1_b": bn1_b, "w2": w2, "b2": b2,
            "bn2_g": bn2_g, "bn2_b": bn2_b, "w3": w3, "b3": b3}


def _bn(f, g, b, eps=1e-5):
    # BatchNorm2d in train mode: batch statistics over (B, H, W) per channel.
    m = jnp.mean(f, axis=(0, 1, 2), keepdims=True)
    v = jnp.var(f, axis=(0, 1, 2), keepdims=True)
    return g * (f - m) / jnp.sqrt(v + eps) + b


def _xyz2sphere(xyz):
    rho = jnp.sqrt(jnp.sum(xyz ** 2, axis=-1, keepdims=True))
    rho = jnp.maximum(rho, 0.0)
    safe = jnp.where(rho == 0, 1.0, rho)
    theta = jnp.arccos(jnp.clip(xyz[..., 2:3] / safe, -1.0, 1.0))
    theta = jnp.where(rho == 0, 0.0, theta)
    phi = jnp.arctan2(xyz[..., 1:2], xyz[..., 0:1])
    theta = theta / np.pi
    phi = phi / (2.0 * np.pi) + 0.5
    return jnp.concatenate([rho, theta, phi], axis=-1)


def reference(x, w1, bn1_g, bn1_b, w2, b2, bn2_g, bn2_b, w3, b3):
    B, N, _ = x.shape
    # knn: dense pairwise (negative squared) distance + top-(k+1)
    xsqu = jnp.sum(x ** 2, axis=-1)
    dist = -xsqu[:, :, None] - xsqu[:, None, :] + 2.0 * jnp.einsum('bnc,bmc->bnm', x, x)
    _, idx = jax.lax.top_k(dist, K + 1)  # [B, N, K+1]
    # gather neighbor coordinates
    neigh = x[jnp.arange(B)[:, None, None], idx]  # [B, N, K+1, 3]
    xn = neigh - x[:, :, None, :]
    xn = xn[:, :, 1:, :]  # drop self neighbor -> [B, N, K, 3]
    sph = _xyz2sphere(xn)
    phi = sph[..., 2]
    order = jnp.argsort(phi, axis=-1)
    pts = jnp.take_along_axis(xn, order[..., None], axis=2)  # resort by phi
    pairs = pts[:, :, :, None, :]
    pairs = jnp.concatenate([pairs, jnp.roll(pairs, -1, axis=2)], axis=3)  # [B,N,K,2,3]
    centroids = jnp.mean(pairs, axis=3)
    v1 = pairs[..., 0, :]
    v2 = pairs[..., 1, :]
    normals = jnp.cross(v1, v2) + 1e-5
    normals = normals / jnp.linalg.norm(normals, axis=-1, keepdims=True)
    pos_mask = (normals[..., 0:1, 0] > 0).astype(jnp.float32) * 2.0 - 1.0  # [B,N,1]
    normals = normals * pos_mask[..., None]
    positions = jnp.sum(centroids * normals, axis=3) / jnp.sqrt(3.0)
    feat = jnp.concatenate([centroids, normals, positions[..., None]], axis=-1)  # [B,N,K,7]
    f = jnp.einsum('bnkc,oc->bnko', feat, w1)
    f = jax.nn.relu(_bn(f, bn1_g, bn1_b))
    f = jnp.einsum('bnkc,oc->bnko', f, w2) + b2
    f = jax.nn.relu(_bn(f, bn2_g, bn2_b))
    f = jnp.einsum('bnkc,oc->bnko', f, w3) + b3
    f = jnp.max(f, axis=2)  # [B, N, 7]
    return jnp.concatenate([x, f], axis=-1)  # [B, N, 10]

if __name__ == "__main__":
    import jax
    _d = setup_inputs()
    print(jax.jit(kernel)(*tuple(_d.values())))

</pallas_src>

<mosaic_0001>
#map = affine_map<(d0, d1) -> (0, 0)>
#map1 = affine_map<(d0, d1) -> (0, 0, 0)>
module attributes {stable_mosaic.version = 14 : i64} {
  func.func @_sc_gather_body(%arg0: i32, %arg1: i32, %arg2: memref<8192x16xf32, #tpu.memory_space<hbm>>, %arg3: memref<32x18x128xi32, #tpu.memory_space<hbm>>, %arg4: memref<73728x16xf32, #tpu.memory_space<hbm>>, %arg5: memref<18x128xi32, #tpu.memory_space<vmem>>, %arg6: memref<2304x16xf32, #tpu.memory_space<vmem>>, %arg7: memref<!tpu.dma_semaphore, #tpu.memory_space<semaphore_mem>>) attributes {dimension_semantics = [#tpu.dimension_semantics<core_parallel>, #tpu.dimension_semantics<subcore_parallel>], iteration_bounds = array<i64: 2, 16>, scalar_prefetch = 0 : i64, scratch_operands = 3 : i64, tpu.core_type = #tpu.core_type<sc_vector_subcore>, window_params = [{transform_indices = #map}, {transform_indices = #map1}, {transform_indices = #map}]} {
    %mul3A = arith.constant 2 : i32
    %mul3A_0 = arith.muli %arg1, %mul3A : i32
    %add3A = arith.addi %mul3A_0, %arg0 : i32
    %mul3A_1 = arith.constant 2304 : i32
    %mul3A_2 = arith.muli %add3A, %mul3A_1 : i32
    "tpu.region"() ({
      %run_scoped3A = tpu.sem_alloc : memref<!tpu.dma_semaphore, #tpu.memory_space<semaphore_mem>>
      %dma_start3A_361 = arith.constant 0 : i32
      %dma_start3A_362 = arith.constant 0 : i32
      %dma_start3A_363 = tpu.memref_slice %arg3[%add3A, %dma_start3A_361, %dma_start3A_362] : memref<32x18x128xi32, #tpu.memory_space<hbm>> -> memref<1x18x128xi32, #tpu.memory_space<hbm>>
      %dma_start3A_364 = tpu.memref_squeeze %dma_start3A_363 : memref<1x18x128xi32, #tpu.memory_space<hbm>> -> memref<18x128xi32, #tpu.memory_space<hbm>>
      %dma_start3A_365 = arith.constant 0 : i32
      %dma_start3A_366 = arith.constant 0 : i32
      %dma_start3A_367 = tpu.memref_slice %arg3[%add3A, %dma_start3A_365, %dma_start3A_366] : memref<32x18x128xi32, #tpu.memory_space<hbm>> -> memref<1x18x128xi32, #tpu.memory_space<hbm>>
      %dma_start3A_368 = tpu.memref_squeeze %dma_start3A_367 : memref<1x18x128xi32, #tpu.memory_space<hbm>> -> memref<18x128xi32, #tpu.memory_space<hbm>>
      tpu.enqueue_dma source(%dma_start3A_368 : memref<18x128xi32, #tpu.memory_space<hbm>>) target(%arg5 : memref<18x128xi32, #tpu.memory_space<vmem>>) target_semaphore(%run_scoped3A : memref<!tpu.dma_semaphore, #tpu.memory_space<semaphore_mem>>)
      %dma_wait3A_369 = arith.constant 0 : i32
      %dma_wait3A_370 = arith.constant 0 : i32
      %dma_wait3A_371 = tpu.memref_slice %arg3[%add3A, %dma_wait3A_369, %dma_wait3A_370] : memref<32x18x128xi32, #tpu.memory_space<hbm>> -> memref<1x18x128xi32, #tpu.memory_space<hbm>>
      %dma_wait3A_372 = tpu.memref_squeeze %dma_wait3A_371 : memref<1x18x128xi32, #tpu.memory_space<hbm>> -> memref<18x128xi32, #tpu.memory_space<hbm>>
      %dma_wait3A_373 = arith.constant 0 : i32
      %dma_wait3A_374 = arith.constant 0 : i32
      %dma_wait3A_375 = tpu.memref_slice %arg3[%add3A, %dma_wait3A_373, %dma_wait3A_374] : memref<32x18x128xi32, #tpu.memory_space<hbm>> -> memref<1x18x128xi32, #tpu.memory_space<hbm>>
      %dma_wait3A_376 = tpu.memref_squeeze %dma_wait3A_375 : memref<1x18x128xi32, #tpu.memory_space<hbm>> -> memref<18x128xi32, #tpu.memory_space<hbm>>
      tpu.wait_dma2 semaphore(%run_scoped3A : memref<!tpu.dma_semaphore, #tpu.memory_space<semaphore_mem>>) src(%dma_wait3A_376 : memref<18x128xi32, #tpu.memory_space<hbm>>) dst(%arg5 : memref<18x128xi32, #tpu.memory_space<vmem>>)
      tpu.yield
    }) : () -> ()
    %dma_start3A = arith.constant 0 : i32
    %dma_start3A_3 = arith.constant 0 : i32
    %dma_start3A_4 = arith.constant 0 : i32
    %dma_start3A_5 = tpu.memref_slice %arg6[%dma_start3A_3, %dma_start3A_4] : memref<2304x16xf32, #tpu.memory_space<vmem>> -> memref<128x16xf32, #tpu.memory_space<vmem>>
    %dma_start3A_6 = arith.constant 0 : i32
    %dma_start3A_7 = tpu.memref_slice %arg5[%dma_start3A, %dma_start3A_6] : memref<18x128xi32, #tpu.memory_space<vmem>> -> memref<1x128xi32, #tpu.memory_space<vmem>>
    %dma_start3A_8 = tpu.memref_squeeze %dma_start3A_7 : memref<1x128xi32, #tpu.memory_space<vmem>> -> memref<128xi32, #tpu.memory_space<vmem>>
    %dma_start3A_9 = arith.constant 0 : i32
    %dma_start3A_10 = arith.constant 0 : i32
    %dma_start3A_11 = tpu.memref_slice %arg2[%dma_start3A_9, %dma_start3A_10] : memref<8192x16xf32, #tpu.memory_space<hbm>> -> memref<8192x16xf32, #tpu.memory_space<hbm>>
    tpu.enqueue_indirect_dma source(%dma_start3A_11 : memref<8192x16xf32, #tpu.memory_space<hbm>>) target(%dma_start3A_5 : memref<128x16xf32, #tpu.memory_space<vmem>>) offsets(%dma_start3A_8 : memref<128xi32, #tpu.memory_space<vmem>>) semaphore(%arg7 : memref<!tpu.dma_semaphore, #tpu.memory_space<semaphore_mem>>)
    %dma_start3A_12 = arith.constant 1 : i32
    %dma_start3A_13 = arith.constant 128 : i32
    %dma_start3A_14 = arith.constant 0 : i32
    %dma_start3A_15 = tpu.memref_slice %arg6[%dma_start3A_13, %dma_start3A_14] : memref<2304x16xf32, #tpu.memory_space<vmem>> -> memref<128x16xf32, #tpu.memory_space<vmem>>
    %dma_start3A_16 = arith.constant 0 : i32
    %dma_start3A_17 = tpu.memref_slice %arg5[%dma_start3A_12, %dma_start3A_16] : memref<18x128xi32, #tpu.memory_space<vmem>> -> memref<1x128xi32, #tpu.memory_space<vmem>>
    %dma_start3A_18 = tpu.memref_squeeze %dma_start3A_17 : memref<1x128xi32, #tpu.memory_space<vmem>> -> memref<128xi32, #tpu.memory_space<vmem>>
    %dma_start3A_19 = arith.constant 0 : i32
    %dma_start3A_20 = arith.constant 0 : i32
    %dma_start3A_21 = tpu.memref_slice %arg2[%dma_start3A_19, %dma_start3A_20] : memref<8192x16xf32, #tpu.memory_space<hbm>> -> memref<8192x16xf32, #tpu.memory_space<hbm>>
    tpu.enqueue_indirect_dma source(%dma_start3A_21 : memref<8192x16xf32, #tpu.memory_space<hbm>>) target(%dma_start3A_15 : memref<128x16xf32, #tpu.memory_space<vmem>>) offsets(%dma_start3A_18 : memref<128xi32, #tpu.memory_space<vmem>>) semaphore(%arg7 : memref<!tpu.dma_semaphore, #tpu.memory_space<semaphore_mem>>)
    %dma_start3A_22 = arith.constant 2 : i32
    %dma_start3A_23 = arith.constant 256 : i32
    %dma_start3A_24 = arith.constant 0 : i32
    %dma_start3A_25 = tpu.memref_slice %arg6[%dma_start3A_23, %dma_start3A_24] : memref<2304x16xf32, #tpu.memory_space<vmem>> -> memref<128x16xf32, #tpu.memory_space<vmem>>
    %dma_start3A_26 = arith.constant 0 : i32
    %dma_start3A_27 = tpu.memref_slice %arg5[%dma_start3A_22, %dma_start3A_26] : memref<18x128xi32, #tpu.memory_space<vmem>> -> memref<1x128xi32, #tpu.memory_space<vmem>>
    %dma_start3A_28 = tpu.memref_squeeze %dma_start3A_27 : memref<1x128xi32, #tpu.memory_space<vmem>> -> memref<128xi32, #tpu.memory_space<vmem>>
    %dma_start3A_29 = arith.constant 0 : i32
    %dma_start3A_30 = arith.constant 0 : i32
    %dma_start3A_31 = tpu.memref_slice %arg2[%dma_start3A_29, %dma_start3A_30] : memref<8192x16xf32, #tpu.memory_space<hbm>> -> memref<8192x16xf32, #tpu.memory_space<hbm>>
    tpu.enqueue_indirect_dma source(%dma_start3A_31 : memref<8192x16xf32, #tpu.memory_space<hbm>>) target(%dma_start3A_25 : memref<128x16xf32, #tpu.memory_space<vmem>>) offsets(%dma_start3A_28 : memref<128xi32, #tpu.memory_space<vmem>>) semaphore(%arg7 : memref<!tpu.dma_semaphore, #tpu.memory_space<semaphore_mem>>)
    %dma_start3A_32 = arith.constant 3 : i32
    %dma_start3A_33 = arith.constant 384 : i32
    %dma_start3A_34 = arith.constant 0 : i32
    %dma_start3A_35 = tpu.memref_slice %arg6[%dma_start3A_33, %dma_start3A_34] : memref<2304x16xf32, #tpu.memory_space<vmem>> -> memref<128x16xf32, #tpu.memory_space<vmem>>
    %dma_start3A_36 = arith.constant 0 : i32
    %dma_start3A_37 = tpu.memref_slice %arg5[%dma_start3A_32, %dma_start3A_36] : memref<18x128xi32, #tpu.memory_space<vmem>> -> memref<1x128xi32, #tpu.memory_space<vmem>>
    %dma_start3A_38 = tpu.memref_squeeze %dma_start3A_37 : memref<1x128xi32, #tpu.memory_space<vmem>> -> memref<128xi32, #tpu.memory_space<vmem>>
    %dma_start3A_39 = arith.constant 0 : i32
    %dma_start3A_40 = arith.constant 0 : i32
    %dma_start3A_41 = tpu.memref_slice %arg2[%dma_start3A_39, %dma_start3A_40] : memref<8192x16xf32, #tpu.memory_space<hbm>> -> memref<8192x16xf32, #tpu.memory_space<hbm>>
    tpu.enqueue_indirect_dma source(%dma_start3A_41 : memref<8192x16xf32, #tpu.memory_space<hbm>>) target(%dma_start3A_35 : memref<128x16xf32, #tpu.memory_space<vmem>>) offsets(%dma_start3A_38 : memref<128xi32, #tpu.memory_space<vmem>>) semaphore(%arg7 : memref<!tpu.dma_semaphore, #tpu.memory_space<semaphore_mem>>)
    %dma_start3A_42 = arith.constant 4 : i32
    %dma_start3A_43 = arith.constant 512 : i32
    %dma_start3A_44 = arith.constant 0 : i32
    %dma_start3A_45 = tpu.memref_slice %arg6[%dma_start3A_43, %dma_start3A_44] : memref<2304x16xf32, #tpu.memory_space<vmem>> -> memref<128x16xf32, #tpu.memory_space<vmem>>
    %dma_start3A_46 = arith.constant 0 : i32
    %dma_start3A_47 = tpu.memref_slice %arg5[%dma_start3A_42, %dma_start3A_46] : memref<18x128xi32, #tpu.memory_space<vmem>> -> memref<1x128xi32, #tpu.memory_space<vmem>>
    %dma_start3A_48 = tpu.memref_squeeze %dma_start3A_47 : memref<1x128xi32, #tpu.memory_space<vmem>> -> memref<128xi32, #tpu.memory_space<vmem>>
    %dma_start3A_49 = arith.constant 0 : i32
    %dma_start3A_50 = arith.constant 0 : i32
    %dma_start3A_51 = tpu.memref_slice %arg2[%dma_start3A_49, %dma_start3A_50] : memref<8192x16xf32, #tpu.memory_space<hbm>> -> memref<8192x16xf32, #tpu.memory_space<hbm>>
    tpu.enqueue_indirect_dma source(%dma_start3A_51 : memref<8192x16xf32, #tpu.memory_space<hbm>>) target(%dma_start3A_45 : memref<128x16xf32, #tpu.memory_space<vmem>>) offsets(%dma_start3A_48 : memref<128xi32, #tpu.memory_space<vmem>>) semaphore(%arg7 : memref<!tpu.dma_semaphore, #tpu.memory_space<semaphore_mem>>)
    %dma_start3A_52 = arith.constant 5 : i32
    %dma_start3A_53 = arith.constant 640 : i32
    %dma_start3A_54 = arith.constant 0 : i32
    %dma_start3A_55 = tpu.memref_slice %arg6[%dma_start3A_53, %dma_start3A_54] : memref<2304x16xf32, #tpu.memory_space<vmem>> -> memref<128x16xf32, #tpu.memory_space<vmem>>
    %dma_start3A_56 = arith.constant 0 : i32
    %dma_start3A_57 = tpu.memref_slice %arg5[%dma_start3A_52, %dma_start3A_56] : memref<18x128xi32, #tpu.memory_space<vmem>> -> memref<1x128xi32, #tpu.memory_space<vmem>>
    %dma_start3A_58 = tpu.memref_squeeze %dma_start3A_57 : memref<1x128xi32, #tpu.memory_space<vmem>> -> memref<128xi32, #tpu.memory_space<vmem>>
    %dma_start3A_59 = arith.constant 0 : i32
    %dma_start3A_60 = arith.constant 0 : i32
    %dma_start3A_61 = tpu.memref_slice %arg2[%dma_start3A_59, %dma_start3A_60] : memref<8192x16xf32, #tpu.memory_space<hbm>> -> memref<8192x16xf32, #tpu.memory_space<hbm>>
    tpu.enqueue_indirect_dma source(%dma_start3A_61 : memref<8192x16xf32, #tpu.memory_space<hbm>>) target(%dma_start3A_55 : memref<128x16xf32, #tpu.memory_space<vmem>>) offsets(%dma_start3A_58 : memref<128xi32, #tpu.memory_space<vmem>>) semaphore(%arg7 : memref<!tpu.dma_semaphore, #tpu.memory_space<semaphore_mem>>)
    %dma_start3A_62 = arith.constant 6 : i32
    %dma_start3A_63 = arith.constant 768 : i32
    %dma_start3A_64 = arith.constant 0 : i32
    %dma_start3A_65 = tpu.memref_slice %arg6[%dma_start3A_63, %dma_start3A_64] : memref<2304x16xf32, #tpu.memory_space<vmem>> -> memref<128x16xf32, #tpu.memory_space<vmem>>
    %dma_start3A_66 = arith.constant 0 : i32
    %dma_start3A_67 = tpu.memref_slice %arg5[%dma_start3A_62, %dma_start3A_66] : memref<18x128xi32, #tpu.memory_space<vmem>> -> memref<1x128xi32, #tpu.memory_space<vmem>>
    %dma_start3A_68 = tpu.memref_squeeze %dma_start3A_67 : memref<1x128xi32, #tpu.memory_space<vmem>> -> memref<128xi32, #tpu.memory_space<vmem>>
    %dma_start3A_69 = arith.constant 0 : i32
    %dma_start3A_70 = arith.constant 0 : i32
    %dma_start3A_71 = tpu.memref_slice %arg2[%dma_start3A_69, %dma_start3A_70] : memref<8192x16xf32, #tpu.memory_space<hbm>> -> memref<8192x16xf32, #tpu.memory_space<hbm>>
    tpu.enqueue_indirect_dma source(%dma_start3A_71 : memref<8192x16xf32, #tpu.memory_space<hbm>>) target(%dma_start3A_65 : memref<128x16xf32, #tpu.memory_space<vmem>>) offsets(%dma_start3A_68 : memref<128xi32, #tpu.memory_space<vmem>>) semaphore(%arg7 : memref<!tpu.dma_semaphore, #tpu.memory_space<semaphore_mem>>)
    %dma_start3A_72 = arith.constant 7 : i32
    %dma_start3A_73 = arith.constant 896 : i32
    %dma_start3A_74 = arith.constant 0 : i32
    %dma_start3A_75 = tpu.memref_slice %arg6[%dma_start3A_73, %dma_start3A_74] : memref<2304x16xf32, #tpu.memory_space<vmem>> -> memref<128x16xf32, #tpu.memory_space<vmem>>
    %dma_start3A_76 = arith.constant 0 : i32
    %dma_start3A_77 = tpu.memref_slice %arg5[%dma_start3A_72, %dma_start3A_76] : memref<18x128xi32, #tpu.memory_space<vmem>> -> memref<1x128xi32, #tpu.memory_space<vmem>>
    %dma_start3A_78 = tpu.memref_squeeze %dma_start3A_77 : memref<1x128xi32, #tpu.memory_space<vmem>> -> memref<128xi32, #tpu.memory_space<vmem>>
    %dma_start3A_79 = arith.constant 0 : i32
    %dma_start3A_80 = arith.constant 0 : i32
    %dma_start3A_81 = tpu.memref_slice %arg2[%dma_start3A_79, %dma_start3A_80] : memref<8192x16xf32, #tpu.memory_space<hbm>> -> memref<8192x16xf32, #tpu.memory_space<hbm>>
    tpu.enqueue_indirect_dma source(%dma_start3A_81 : memref<8192x16xf32, #tpu.memory_space<hbm>>) target(%dma_start3A_75 : memref<128x16xf32, #tpu.memory_space<vmem>>) offsets(%dma_start3A_78 : memref<128xi32, #tpu.memory_space<vmem>>) semaphore(%arg7 : memref<!tpu.dma_semaphore, #tpu.memory_space<semaphore_mem>>)
    %dma_start3A_82 = arith.constant 8 : i32
    %dma_start3A_83 = arith.constant 1024 : i32
    %dma_start3A_84 = arith.constant 0 : i32
    %dma_start3A_85 = tpu.memref_slice %arg6[%dma_start3A_83, %dma_start3A_84] : memref<2304x16xf32, #tpu.memory_space<vmem>> -> memref<128x16xf32, #tpu.memory_space<vmem>>
    %dma_start3A_86 = arith.constant 0 : i32
    %dma_start3A_87 = tpu.memref_slice %arg5[%dma_start3A_82, %dma_start3A_86] : memref<18x128xi32, #tpu.memory_space<vmem>> -> memref<1x128xi32, #tpu.memory_space<vmem>>
    %dma_start3A_88 = tpu.memref_squeeze %dma_start3A_87 : memref<1x128xi32, #tpu.memory_space<vmem>> -> memref<128xi32, #tpu.memory_space<vmem>>
    %dma_start3A_89 = arith.constant 0 : i32
    %dma_start3A_90 = arith.constant 0 : i32
    %dma_start3A_91 = tpu.memref_slice %arg2[%dma_start3A_89, %dma_start3A_90] : memref<8192x16xf32, #tpu.memory_space<hbm>> -> memref<8192x16xf32, #tpu.memory_space<hbm>>
    tpu.enqueue_indirect_dma source(%dma_start3A_91 : memref<8192x16xf32, #tpu.memory_space<hbm>>) target(%dma_start3A_85 : memref<128x16xf32, #tpu.memory_space<vmem>>) offsets(%dma_start3A_88 : memref<128xi32, #tpu.memory_space<vmem>>) semaphore(%arg7 : memref<!tpu.dma_semaphore, #tpu.memory_space<semaphore_mem>>)
    %dma_start3A_92 = arith.constant 9 : i32
    %dma_start3A_93 = arith.constant 1152 : i32
    %dma_start3A_94 = arith.constant 0 : i32
    %dma_start3A_95 = tpu.memref_slice %arg6[%dma_start3A_93, %dma_start3A_94] : memref<2304x16xf32, #tpu.memory_space<vmem>> -> memref<128x16xf32, #tpu.memory_space<vmem>>
    %dma_start3A_96 = arith.constant 0 : i32
    %dma_start3A_97 = tpu.memref_slice %arg5[%dma_start3A_92, %dma_start3A_96] : memref<18x128xi32, #tpu.memory_space<vmem>> -> memref<1x128xi32, #tpu.memory_space<vmem>>
    %dma_start3A_98 = tpu.memref_squeeze %dma_start3A_97 : memref<1x128xi32, #tpu.memory_space<vmem>> -> memref<128xi32, #tpu.memory_space<vmem>>
    %dma_start3A_99 = arith.constant 0 : i32
    %dma_start3A_100 = arith.constant 0 : i32
    %dma_start3A_101 = tpu.memref_slice %arg2[%dma_start3A_99, %dma_start3A_100] : memref<8192x16xf32, #tpu.memory_space<hbm>> -> memref<8192x16xf32, #tpu.memory_space<hbm>>
    tpu.enqueue_indirect_dma source(%dma_start3A_101 : memref<8192x16xf32, #tpu.memory_space<hbm>>) target(%dma_start3A_95 : memref<128x16xf32, #tpu.memory_space<vmem>>) offsets(%dma_start3A_98 : memref<128xi32, #tpu.memory_space<vmem>>) semaphore(%arg7 : memref<!tpu.dma_semaphore, #tpu.memory_space<semaphore_mem>>)
    %dma_start3A_102 = arith.constant 10 : i32
    %dma_start3A_103 = arith.constant 1280 : i32
    %dma_start3A_104 = arith.constant 0 : i32
    %dma_start3A_105 = tpu.memref_slice %arg6[%dma_start3A_103, %dma_start3A_104] : memref<2304x16xf32, #tpu.memory_space<vmem>> -> memref<128x16xf32, #tpu.memory_space<vmem>>
    %dma_start3A_106 = arith.constant 0 : i32
    %dma_start3A_107 = tpu.memref_slice %arg5[%dma_start3A_102, %dma_start3A_106] : memref<18x128xi32, #tpu.memory_space<vmem>> -> memref<1x128xi32, #tpu.memory_space<vmem>>
    %dma_start3A_108 = tpu.memref_squeeze %dma_start3A_107 : memref<1x128xi32, #tpu.memory_space<vmem>> -> memref<128xi32, #tpu.memory_space<vmem>>
    %dma_start3A_109 = arith.constant 0 : i32
    %dma_start3A_110 = arith.constant 0 : i32
    %dma_start3A_111 = tpu.memref_slice %arg2[%dma_start3A_109, %dma_start3A_110] : memref<8192x16xf32, #tpu.memory_space<hbm>> -> memref<8192x16xf32, #tpu.memory_space<hbm>>
    tpu.enqueue_indirect_dma source(%dma_start3A_111 : memref<8192x16xf32, #tpu.memory_space<hbm>>) target(%dma_start3A_105 : memref<128x16xf32, #tpu.memory_space<vmem>>) offsets(%dma_start3A_108 : memref<128xi32, #tpu.memory_space<vmem>>) semaphore(%arg7 : memref<!tpu.dma_semaphore, #tpu.memory_space<semaphore_mem>>)
    %dma_start3A_112 = arith.constant 11 : i32
    %dma_start3A_113 = arith.constant 1408 : i32
    %dma_start3A_114 = arith.constant 0 : i32
    %dma_start3A_115 = tpu.memref_slice %arg6[%dma_start3A_113, %dma_start3A_114] : memref<2304x16xf32, #tpu.memory_space<vmem>> -> memref<128x16xf32, #tpu.memory_space<vmem>>
    %dma_start3A_116 = arith.constant 0 : i32
    %dma_start3A_117 = tpu.memref_slice %arg5[%dma_start3A_112, %dma_start3A_116] : memref<18x128xi32, #tpu.memory_space<vmem>> -> memref<1x128xi32, #tpu.memory_space<vmem>>
    %dma_start3A_118 = tpu.memref_squeeze %dma_start3A_117 : memref<1x128xi32, #tpu.memory_space<vmem>> -> memref<128xi32, #tpu.memory_space<vmem>>
    %dma_start3A_119 = arith.constant 0 : i32
    %dma_start3A_120 = arith.constant 0 : i32
    %dma_start3A_121 = tpu.memref_slice %arg2[%dma_start3A_119, %dma_start3A_120] : memref<8192x16xf32, #tpu.memory_space<hbm>> -> memref<8192x16xf32, #tpu.memory_space<hbm>>
    tpu.enqueue_indirect_dma source(%dma_start3A_121 : memref<8192x16xf32, #tpu.memory_space<hbm>>) target(%dma_start3A_115 : memref<128x16xf32, #tpu.memory_space<vmem>>) offsets(%dma_start3A_118 : memref<128xi32, #tpu.memory_space<vmem>>) semaphore(%arg7 : memref<!tpu.dma_semaphore, #tpu.memory_space<semaphore_mem>>)
    %dma_start3A_122 = arith.constant 12 : i32
    %dma_start3A_123 = arith.constant 1536 : i32
    %dma_start3A_124 = arith.constant 0 : i32
    %dma_start3A_125 = tpu.memref_slice %arg6[%dma_start3A_123, %dma_start3A_124] : memref<2304x16xf32, #tpu.memory_space<vmem>> -> memref<128x16xf32, #tpu.memory_space<vmem>>
    %dma_start3A_126 = arith.constant 0 : i32
    %dma_start3A_127 = tpu.memref_slice %arg5[%dma_start3A_122, %dma_start3A_126] : memref<18x128xi32, #tpu.memory_space<vmem>> -> memref<1x128xi32, #tpu.memory_space<vmem>>
    %dma_start3A_128 = tpu.memref_squeeze %dma_start3A_127 : memref<1x128xi32, #tpu.memory_space<vmem>> -> memref<128xi32, #tpu.memory_space<vmem>>
    %dma_start3A_129 = arith.constant 0 : i32
    %dma_start3A_130 = arith.constant 0 : i32
    %dma_start3A_131 = tpu.memref_slice %arg2[%dma_start3A_129, %dma_start3A_130] : memref<8192x16xf32, #tpu.memory_space<hbm>> -> memref<8192x16xf32, #tpu.memory_space<hbm>>
    tpu.enqueue_indirect_dma source(%dma_start3A_131 : memref<8192x16xf32, #tpu.memory_space<hbm>>) target(%dma_start3A_125 : memref<128x16xf32, #tpu.memory_space<vmem>>) offsets(%dma_start3A_128 : memref<128xi32, #tpu.memory_space<vmem>>) semaphore(%arg7 : memref<!tpu.dma_semaphore, #tpu.memory_space<semaphore_mem>>)
    %dma_start3A_132 = arith.constant 13 : i32
    %dma_start3A_133 = arith.constant 1664 : i32
    %dma_start3A_134 = arith.constant 0 : i32
    %dma_start3A_135 = tpu.memref_slice %arg6[%dma_start3A_133, %dma_start3A_134] : memref<2304x16xf32, #tpu.memory_space<vmem>> -> memref<128x16xf32, #tpu.memory_space<vmem>>
    %dma_start3A_136 = arith.constant 0 : i32
    %dma_start3A_137 = tpu.memref_slice %arg5[%dma_start3A_132, %dma_start3A_136] : memref<18x128xi32, #tpu.memory_space<vmem>> -> memref<1x128xi32, #tpu.memory_space<vmem>>
    %dma_start3A_138 = tpu.memref_squeeze %dma_start3A_137 : memref<1x128xi32, #tpu.memory_space<vmem>> -> memref<128xi32, #tpu.memory_space<vmem>>
    %dma_start3A_139 = arith.constant 0 : i32
    %dma_start3A_140 = arith.constant 0 : i32
    %dma_start3A_141 = tpu.memref_slice %arg2[%dma_start3A_139, %dma_start3A_140] : memref<8192x16xf32, #tpu.memory_space<hbm>> -> memref<8192x16xf32, #tpu.memory_space<hbm>>
    tpu.enqueue_indirect_dma source(%dma_start3A_141 : memref<8192x16xf32, #tpu.memory_space<hbm>>) target(%dma_start3A_135 : memref<128x16xf32, #tpu.memory_space<vmem>>) offsets(%dma_start3A_138 : memref<128xi32, #tpu.memory_space<vmem>>) semaphore(%arg7 : memref<!tpu.dma_semaphore, #tpu.memory_space<semaphore_mem>>)
    %dma_start3A_142 = arith.constant 14 : i32
    %dma_start3A_143 = arith.constant 1792 : i32
    %dma_start3A_144 = arith.constant 0 : i32
    %dma_start3A_145 = tpu.memref_slice %arg6[%dma_start3A_143, %dma_start3A_144] : memref<2304x16xf32, #tpu.memory_space<vmem>> -> memref<128x16xf32, #tpu.memory_space<vmem>>
    %dma_start3A_146 = arith.constant 0 : i32
    %dma_start3A_147 = tpu.memref_slice %arg5[%dma_start3A_142, %dma_start3A_146] : memref<18x128xi32, #tpu.memory_space<vmem>> -> memref<1x128xi32, #tpu.memory_space<vmem>>
    %dma_start3A_148 = tpu.memref_squeeze %dma_start3A_147 : memref<1x128xi32, #tpu.memory_space<vmem>> -> memref<128xi32, #tpu.memory_space<vmem>>
    %dma_start3A_149 = arith.constant 0 : i32
    %dma_start3A_150 = arith.constant 0 : i32
    %dma_start3A_151 = tpu.memref_slice %arg2[%dma_start3A_149, %dma_start3A_150] : memref<8192x16xf32, #tpu.memory_space<hbm>> -> memref<8192x16xf32, #tpu.memory_space<hbm>>
    tpu.enqueue_indirect_dma source(%dma_start3A_151 : memref<8192x16xf32, #tpu.memory_space<hbm>>) target(%dma_start3A_145 : memref<128x16xf32, #tpu.memory_space<vmem>>) offsets(%dma_start3A_148 : memref<128xi32, #tpu.memory_space<vmem>>) semaphore(%arg7 : memref<!tpu.dma_semaphore, #tpu.memory_space<semaphore_mem>>)
    %dma_start3A_152 = arith.constant 15 : i32
    %dma_start3A_153 = arith.constant 1920 : i32
    %dma_start3A_154 = arith.constant 0 : i32
    %dma_start3A_155 = tpu.memref_slice %arg6[%dma_start3A_153, %dma_start3A_154] : memref<2304x16xf32, #tpu.memory_space<vmem>> -> memref<128x16xf32, #tpu.memory_space<vmem>>
    %dma_start3A_156 = arith.constant 0 : i32
    %dma_start3A_157 = tpu.memref_slice %arg5[%dma_start3A_152, %dma_start3A_156] : memref<18x128xi32, #tpu.memory_space<vmem>> -> memref<1x128xi32, #tpu.memory_space<vmem>>
    %dma_start3A_158 = tpu.memref_squeeze %dma_start3A_157 : memref<1x128xi32, #tpu.memory_space<vmem>> -> memref<128xi32, #tpu.memory_space<vmem>>
    %dma_start3A_159 = arith.constant 0 : i32
    %dma_start3A_160 = arith.constant 0 : i32
    %dma_start3A_161 = tpu.memref_slice %arg2[%dma_start3A_159, %dma_start3A_160] : memref<8192x16xf32, #tpu.memory_space<hbm>> -> memref<8192x16xf32, #tpu.memory_space<hbm>>
    tpu.enqueue_indirect_dma source(%dma_start3A_161 : memref<8192x16xf32, #tpu.memory_space<hbm>>) target(%dma_start3A_155 : memref<128x16xf32, #tpu.memory_space<vmem>>) offsets(%dma_start3A_158 : memref<128xi32, #tpu.memory_space<vmem>>) semaphore(%arg7 : memref<!tpu.dma_semaphore, #tpu.memory_space<semaphore_mem>>)
    %dma_start3A_162 = arith.constant 16 : i32
    %dma_start3A_163 = arith.constant 2048 : i32
    %dma_start3A_164 = arith.constant 0 : i32
    %dma_start3A_165 = tpu.memref_slice %arg6[%dma_start3A_163, %dma_start3A_164] : memref<2304x16xf32, #tpu.memory_space<vmem>> -> memref<128x16xf32, #tpu.memory_space<vmem>>
    %dma_start3A_166 = arith.constant 0 : i32
    %dma_start3A_167 = tpu.memref_slice %arg5[%dma_start3A_162, %dma_start3A_166] : memref<18x128xi32, #tpu.memory_space<vmem>> -> memref<1x128xi32, #tpu.memory_space<vmem>>
    %dma_start3A_168 = tpu.memref_squeeze %dma_start3A_167 : memref<1x128xi32, #tpu.memory_space<vmem>> -> memref<128xi32, #tpu.memory_space<vmem>>
    %dma_start3A_169 = arith.constant 0 : i32
    %dma_start3A_170 = arith.constant 0 : i32
    %dma_start3A_171 = tpu.memref_slice %arg2[%dma_start3A_169, %dma_start3A_170] : memref<8192x16xf32, #tpu.memory_space<hbm>> -> memref<8192x16xf32, #tpu.memory_space<hbm>>
    tpu.enqueue_indirect_dma source(%dma_start3A_171 : memref<8192x16xf32, #tpu.memory_space<hbm>>) target(%dma_start3A_165 : memref<128x16xf32, #tpu.memory_space<vmem>>) offsets(%dma_start3A_168 : memref<128xi32, #tpu.memory_space<vmem>>) semaphore(%arg7 : memref<!tpu.dma_semaphore, #tpu.memory_space<semaphore_mem>>)
    %dma_start3A_172 = arith.constant 17 : i32
    %dma_start3A_173 = arith.constant 2176 : i32
    %dma_start3A_174 = arith.constant 0 : i32
    %dma_start3A_175 = tpu.memref_slice %arg6[%dma_start3A_173, %dma_start3A_174] : memref<2304x16xf32, #tpu.memory_space<vmem>> -> memref<128x16xf32, #tpu.memory_space<vmem>>
    %dma_start3A_176 = arith.constant 0 : i32
    %dma_start3A_177 = tpu.memref_slice %arg5[%dma_start3A_172, %dma_start3A_176] : memref<18x128xi32, #tpu.memory_space<vmem>> -> memref<1x128xi32, #tpu.memory_space<vmem>>
    %dma_start3A_178 = tpu.memref_squeeze %dma_start3A_177 : memref<1x128xi32, #tpu.memory_space<vmem>> -> memref<128xi32, #tpu.memory_space<vmem>>
    %dma_start3A_179 = arith.constant 0 : i32
    %dma_start3A_180 = arith.constant 0 : i32
    %dma_start3A_181 = tpu.memref_slice %arg2[%dma_start3A_179, %dma_start3A_180] : memref<8192x16xf32, #tpu.memory_space<hbm>> -> memref<8192x16xf32, #tpu.memory_space<hbm>>
    tpu.enqueue_indirect_dma source(%dma_start3A_181 : memref<8192x16xf32, #tpu.memory_space<hbm>>) target(%dma_start3A_175 : memref<128x16xf32, #tpu.memory_space<vmem>>) offsets(%dma_start3A_178 : memref<128xi32, #tpu.memory_space<vmem>>) semaphore(%arg7 : memref<!tpu.dma_semaphore, #tpu.memory_space<semaphore_mem>>)
    %dma_wait3A = arith.constant 0 : i32
    %dma_wait3A_182 = arith.constant 0 : i32
    %dma_wait3A_183 = arith.constant 0 : i32
    %dma_wait3A_184 = tpu.memref_slice %arg6[%dma_wait3A_182, %dma_wait3A_183] : memref<2304x16xf32, #tpu.memory_space<vmem>> -> memref<128x16xf32, #tpu.memory_space<vmem>>
    %dma_wait3A_185 = arith.constant 0 : i32
    %dma_wait3A_186 = tpu.memref_slice %arg5[%dma_wait3A, %dma_wait3A_185] : memref<18x128xi32, #tpu.memory_space<vmem>> -> memref<1x128xi32, #tpu.memory_space<vmem>>
    %dma_wait3A_187 = tpu.memref_squeeze %dma_wait3A_186 : memref<1x128xi32, #tpu.memory_space<vmem>> -> memref<128xi32, #tpu.memory_space<vmem>>
    %dma_wait3A_188 = arith.constant 0 : i32
    %dma_wait3A_189 = arith.constant 0 : i32
    %dma_wait3A_190 = tpu.memref_slice %arg2[%dma_wait3A_188, %dma_wait3A_189] : memref<8192x16xf32, #tpu.memory_space<hbm>> -> memref<8192x16xf32, #tpu.memory_space<hbm>>
    tpu.wait_indirect_dma semaphore(%arg7 : memref<!tpu.dma_semaphore, #tpu.memory_space<semaphore_mem>>) src(%dma_wait3A_190 : memref<8192x16xf32, #tpu.memory_space<hbm>>) dst(%dma_wait3A_184 : memref<128x16xf32, #tpu.memory_space<vmem>>)
    %dma_wait3A_191 = arith.constant 1 : i32
    %dma_wait3A_192 = arith.constant 128 : i32
    %dma_wait3A_193 = arith.constant 0 : i32
    %dma_wait3A_194 = tpu.memref_slice %arg6[%dma_wait3A_192, %dma_wait3A_193] : memref<2304x16xf32, #tpu.memory_space<vmem>> -> memref<128x16xf32, #tpu.memory_space<vmem>>
    %dma_wait3A_195 = arith.constant 0 : i32
    %dma_wait3A_196 = tpu.memref_slice %arg5[%dma_wait3A_191, %dma_wait3A_195] : memref<18x128xi32, #tpu.memory_space<vmem>> -> memref<1x128xi32, #tpu.memory_space<vmem>>
    %dma_wait3A_197 = tpu.memref_squeeze %dma_wait3A_196 : memref<1x128xi32, #tpu.memory_space<vmem>> -> memref<128xi32, #tpu.memory_space<vmem>>
    %dma_wait3A_198 = arith.constant 0 : i32
    %dma_wait3A_199 = arith.constant 0 : i32
    %dma_wait3A_200 = tpu.memref_slice %arg2[%dma_wait3A_198, %dma_wait3A_199] : memref<8192x16xf32, #tpu.memory_space<hbm>> -> memref<8192x16xf32, #tpu.memory_space<hbm>>
    tpu.wait_indirect_dma semaphore(%arg7 : memref<!tpu.dma_semaphore, #tpu.memory_space<semaphore_mem>>) src(%dma_wait3A_200 : memref<8192x16xf32, #tpu.memory_space<hbm>>) dst(%dma_wait3A_194 : memref<128x16xf32, #tpu.memory_space<vmem>>)
    %dma_wait3A_201 = arith.constant 2 : i32
    %dma_wait3A_202 = arith.constant 256 : i32
    %dma_wait3A_203 = arith.constant 0 : i32
    %dma_wait3A_204 = tpu.memref_slice %arg6[%dma_wait3A_202, %dma_wait3A_203] : memref<2304x16xf32, #tpu.memory_space<vmem>> -> memref<128x16xf32, #tpu.memory_space<vmem>>
    %dma_wait3A_205 = arith.constant 0 : i32
    %dma_wait3A_206 = tpu.memref_slice %arg5[%dma_wait3A_201, %dma_wait3A_205] : memref<18x128xi32, #tpu.memory_space<vmem>> -> memref<1x128xi32, #tpu.memory_space<vmem>>
    %dma_wait3A_207 = tpu.memref_squeeze %dma_wait3A_206 : memref<1x128xi32, #tpu.memory_space<vmem>> -> memref<128xi32, #tpu.memory_space<vmem>>
    %dma_wait3A_208 = arith.constant 0 : i32
    %dma_wait3A_209 = arith.constant 0 : i32
    %dma_wait3A_210 = tpu.memref_slice %arg2[%dma_wait3A_208, %dma_wait3A_209] : memref<8192x16xf32, #tpu.memory_space<hbm>> -> memref<8192x16xf32, #tpu.memory_space<hbm>>
    tpu.wait_indirect_dma semaphore(%arg7 : memref<!tpu.dma_semaphore, #tpu.memory_space<semaphore_mem>>) src(%dma_wait3A_210 : memref<8192x16xf32, #tpu.memory_space<hbm>>) dst(%dma_wait3A_204 : memref<128x16xf32, #tpu.memory_space<vmem>>)
    %dma_wait3A_211 = arith.constant 3 : i32
    %dma_wait3A_212 = arith.constant 384 : i32
    %dma_wait3A_213 = arith.constant 0 : i32
    %dma_wait3A_214 = tpu.memref_slice %arg6[%dma_wait3A_212, %dma_wait3A_213] : memref<2304x16xf32, #tpu.memory_space<vmem>> -> memref<128x16xf32, #tpu.memory_space<vmem>>
    %dma_wait3A_215 = arith.constant 0 : i32
    %dma_wait3A_216 = tpu.memref_slice %arg5[%dma_wait3A_211, %dma_wait3A_215] : memref<18x128xi32, #tpu.memory_space<vmem>> -> memref<1x128xi32, #tpu.memory_space<vmem>>
    %dma_wait3A_217 = tpu.memref_squeeze %dma_wait3A_216 : memref<1x128xi32, #tpu.memory_space<vmem>> -> memref<128xi32, #tpu.memory_space<vmem>>
    %dma_wait3A_218 = arith.constant 0 : i32
    %dma_wait3A_219 = arith.constant 0 : i32
    %dma_wait3A_220 = tpu.memref_slice %arg2[%dma_wait3A_218, %dma_wait3A_219] : memref<8192x16xf32, #tpu.memory_space<hbm>> -> memref<8192x16xf32, #tpu.memory_space<hbm>>
    tpu.wait_indirect_dma semaphore(%arg7 : memref<!tpu.dma_semaphore, #tpu.memory_space<semaphore_mem>>) src(%dma_wait3A_220 : memref<8192x16xf32, #tpu.memory_space<hbm>>) dst(%dma_wait3A_214 : memref<128x16xf32, #tpu.memory_space<vmem>>)
    %dma_wait3A_221 = arith.constant 4 : i32
    %dma_wait3A_222 = arith.constant 512 : i32
    %dma_wait3A_223 = arith.constant 0 : i32
    %dma_wait3A_224 = tpu.memref_slice %arg6[%dma_wait3A_222, %dma_wait3A_223] : memref<2304x16xf32, #tpu.memory_space<vmem>> -> memref<128x16xf32, #tpu.memory_space<vmem>>
    %dma_wait3A_225 = arith.constant 0 : i32
    %dma_wait3A_226 = tpu.memref_slice %arg5[%dma_wait3A_221, %dma_wait3A_225] : memref<18x128xi32, #tpu.memory_space<vmem>> -> memref<1x128xi32, #tpu.memory_space<vmem>>
    %dma_wait3A_227 = tpu.memref_squeeze %dma_wait3A_226 : memref<1x128xi32, #tpu.memory_space<vmem>> -> memref<128xi32, #tpu.memory_space<vmem>>
    %dma_wait3A_228 = arith.constant 0 : i32
    %dma_wait3A_229 = arith.constant 0 : i32
    %dma_wait3A_230 = tpu.memref_slice %arg2[%dma_wait3A_228, %dma_wait3A_229] : memref<8192x16xf32, #tpu.memory_space<hbm>> -> memref<8192x16xf32, #tpu.memory_space<hbm>>
    tpu.wait_indirect_dma semaphore(%arg7 : memref<!tpu.dma_semaphore, #tpu.memory_space<semaphore_mem>>) src(%dma_wait3A_230 : memref<8192x16xf32, #tpu.memory_space<hbm>>) dst(%dma_wait3A_224 : memref<128x16xf32, #tpu.memory_space<vmem>>)
    %dma_wait3A_231 = arith.constant 5 : i32
    %dma_wait3A_232 = arith.constant 640 : i32
    %dma_wait3A_233 = arith.constant 0 : i32
    %dma_wait3A_234 = tpu.memref_slice %arg6[%dma_wait3A_232, %dma_wait3A_233] : memref<2304x16xf32, #tpu.memory_space<vmem>> -> memref<128x16xf32, #tpu.memory_space<vmem>>
    %dma_wait3A_235 = arith.constant 0 : i32
    %dma_wait3A_236 = tpu.memref_slice %arg5[%dma_wait3A_231, %dma_wait3A_235] : memref<18x128xi32, #tpu.memory_space<vmem>> -> memref<1x128xi32, #tpu.memory_space<vmem>>
    %dma_wait3A_237 = tpu.memref_squeeze %dma_wait3A_236 : memref<1x128xi32, #tpu.memory_space<vmem>> -> memref<128xi32, #tpu.memory_space<vmem>>
    %dma_wait3A_238 = arith.constant 0 : i32
    %dma_wait3A_239 = arith.constant 0 : i32
    %dma_wait3A_240 = tpu.memref_slice %arg2[%dma_wait3A_238, %dma_wait3A_239] : memref<8192x16xf32, #tpu.memory_space<hbm>> -> memref<8192x16xf32, #tpu.memory_space<hbm>>
    tpu.wait_indirect_dma semaphore(%arg7 : memref<!tpu.dma_semaphore, #tpu.memory_space<semaphore_mem>>) src(%dma_wait3A_240 : memref<8192x16xf32, #tpu.memory_space<hbm>>) dst(%dma_wait3A_234 : memref<128x16xf32, #tpu.memory_space<vmem>>)
    %dma_wait3A_241 = arith.constant 6 : i32
    %dma_wait3A_242 = arith.constant 768 : i32
    %dma_wait3A_243 = arith.constant 0 : i32
    %dma_wait3A_244 = tpu.memref_slice %arg6[%dma_wait3A_242, %dma_wait3A_243] : memref<2304x16xf32, #tpu.memory_space<vmem>> -> memref<128x16xf32, #tpu.memory_space<vmem>>
    %dma_wait3A_245 = arith.constant 0 : i32
    %dma_wait3A_246 = tpu.memref_slice %arg5[%dma_wait3A_241, %dma_wait3A_245] : memref<18x128xi32, #tpu.memory_space<vmem>> -> memref<1x128xi32, #tpu.memory_space<vmem>>
    %dma_wait3A_247 = tpu.memref_squeeze %dma_wait3A_246 : memref<1x128xi32, #tpu.memory_space<vmem>> -> memref<128xi32, #tpu.memory_space<vmem>>
    %dma_wait3A_248 = arith.constant 0 : i32
    %dma_wait3A_249 = arith.constant 0 : i32
    %dma_wait3A_250 = tpu.memref_slice %arg2[%dma_wait3A_248, %dma_wait3A_249] : memref<8192x16xf32, #tpu.memory_space<hbm>> -> memref<8192x16xf32, #tpu.memory_space<hbm>>
    tpu.wait_indirect_dma semaphore(%arg7 : memref<!tpu.dma_semaphore, #tpu.memory_space<semaphore_mem>>) src(%dma_wait3A_250 : memref<8192x16xf32, #tpu.memory_space<hbm>>) dst(%dma_wait3A_244 : memref<128x16xf32, #tpu.memory_space<vmem>>)
    %dma_wait3A_251 = arith.constant 7 : i32
    %dma_wait3A_252 = arith.constant 896 : i32
    %dma_wait3A_253 = arith.constant 0 : i32
    %dma_wait3A_254 = tpu.memref_slice %arg6[%dma_wait3A_252, %dma_wait3A_253] : memref<2304x16xf32, #tpu.memory_space<vmem>> -> memref<128x16xf32, #tpu.memory_space<vmem>>
    %dma_wait3A_255 = arith.constant 0 : i32
    %dma_wait3A_256 = tpu.memref_slice %arg5[%dma_wait3A_251, %dma_wait3A_255] : memref<18x128xi32, #tpu.memory_space<vmem>> -> memref<1x128xi32, #tpu.memory_space<vmem>>
    %dma_wait3A_257 = tpu.memref_squeeze %dma_wait3A_256 : memref<1x128xi32, #tpu.memory_space<vmem>> -> memref<128xi32, #tpu.memory_space<vmem>>
    %dma_wait3A_258 = arith.constant 0 : i32
    %dma_wait3A_259 = arith.constant 0 : i32
    %dma_wait3A_260 = tpu.memref_slice %arg2[%dma_wait3A_258, %dma_wait3A_259] : memref<8192x16xf32, #tpu.memory_space<hbm>> -> memref<8192x16xf32, #tpu.memory_space<hbm>>
    tpu.wait_indirect_dma semaphore(%arg7 : memref<!tpu.dma_semaphore, #tpu.memory_space<semaphore_mem>>) src(%dma_wait3A_260 : memref<8192x16xf32, #tpu.memory_space<hbm>>) dst(%dma_wait3A_254 : memref<128x16xf32, #tpu.memory_space<vmem>>)
    %dma_wait3A_261 = arith.constant 8 : i32
    %dma_wait3A_262 = arith.constant 1024 : i32
    %dma_wait3A_263 = arith.constant 0 : i32
    %dma_wait3A_264 = tpu.memref_slice %arg6[%dma_wait3A_262, %dma_wait3A_263] : memref<2304x16xf32, #tpu.memory_space<vmem>> -> memref<128x16xf32, #tpu.memory_space<vmem>>
    %dma_wait3A_265 = arith.constant 0 : i32
    %dma_wait3A_266 = tpu.memref_slice %arg5[%dma_wait3A_261, %dma_wait3A_265] : memref<18x128xi32, #tpu.memory_space<vmem>> -> memref<1x128xi32, #tpu.memory_space<vmem>>
    %dma_wait3A_267 = tpu.memref_squeeze %dma_wait3A_266 : memref<1x128xi32, #tpu.memory_space<vmem>> -> memref<128xi32, #tpu.memory_space<vmem>>
    %dma_wait3A_268 = arith.constant 0 : i32
    %dma_wait3A_269 = arith.constant 0 : i32
    %dma_wait3A_270 = tpu.memref_slice %arg2[%dma_wait3A_268, %dma_wait3A_269] : memref<8192x16xf32, #tpu.memory_space<hbm>> -> memref<8192x16xf32, #tpu.memory_space<hbm>>
    tpu.wait_indirect_dma semaphore(%arg7 : memref<!tpu.dma_semaphore, #tpu.memory_space<semaphore_mem>>) src(%dma_wait3A_270 : memref<8192x16xf32, #tpu.memory_space<hbm>>) dst(%dma_wait3A_264 : memref<128x16xf32, #tpu.memory_space<vmem>>)
    %dma_wait3A_271 = arith.constant 9 : i32
    %dma_wait3A_272 = arith.constant 1152 : i32
    %dma_wait3A_273 = arith.constant 0 : i32
    %dma_wait3A_274 = tpu.memref_slice %arg6[%dma_wait3A_272, %dma_wait3A_273] : memref<2304x16xf32, #tpu.memory_space<vmem>> -> memref<128x16xf32, #tpu.memory_space<vmem>>
    %dma_wait3A_275 = arith.constant 0 : i32
    %dma_wait3A_276 = tpu.memref_slice %arg5[%dma_wait3A_271, %dma_wait3A_275] : memref<18x128xi32, #tpu.memory_space<vmem>> -> memref<1x128xi32, #tpu.memory_space<vmem>>
    %dma_wait3A_277 = tpu.memref_squeeze %dma_wait3A_276 : memref<1x128xi32, #tpu.memory_space<vmem>> -> memref<128xi32, #tpu.memory_space<vmem>>
    %dma_wait3A_278 = arith.constant 0 : i32
    %dma_wait3A_279 = arith.constant 0 : i32
    %dma_wait3A_280 = tpu.memref_slice %arg2[%dma_wait3A_278, %dma_wait3A_279] : memref<8192x16xf32, #tpu.memory_space<hbm>> -> memref<8192x16xf32, #tpu.memory_space<hbm>>
    tpu.wait_indirect_dma semaphore(%arg7 : memref<!tpu.dma_semaphore, #tpu.memory_space<semaphore_mem>>) src(%dma_wait3A_280 : memref<8192x16xf32, #tpu.memory_space<hbm>>) dst(%dma_wait3A_274 : memref<128x16xf32, #tpu.memory_space<vmem>>)
    %dma_wait3A_281 = arith.constant 10 : i32
    %dma_wait3A_282 = arith.constant 1280 : i32
    %dma_wait3A_283 = arith.constant 0 : i32
    %dma_wait3A_284 = tpu.memref_slice %arg6[%dma_wait3A_282, %dma_wait3A_283] : memref<2304x16xf32, #tpu.memory_space<vmem>> -> memref<128x16xf32, #tpu.memory_space<vmem>>
    %dma_wait3A_285 = arith.constant 0 : i32
    %dma_wait3A_286 = tpu.memref_slice %arg5[%dma_wait3A_281, %dma_wait3A_285] : memref<18x128xi32, #tpu.memory_space<vmem>> -> memref<1x128xi32, #tpu.memory_space<vmem>>
    %dma_wait3A_287 = tpu.memref_squeeze %dma_wait3A_286 : memref<1x128xi32, #tpu.memory_space<vmem>> -> memref<128xi32, #tpu.memory_space<vmem>>
    %dma_wait3A_288 = arith.constant 0 : i32
    %dma_wait3A_289 = arith.constant 0 : i32
    %dma_wait3A_290 = tpu.memref_slice %arg2[%dma_wait3A_288, %dma_wait3A_289] : memref<8192x16xf32, #tpu.memory_space<hbm>> -> memref<8192x16xf32, #tpu.memory_space<hbm>>
    tpu.wait_indirect_dma semaphore(%arg7 : memref<!tpu.dma_semaphore, #tpu.memory_space<semaphore_mem>>) src(%dma_wait3A_290 : memref<8192x16xf32, #tpu.memory_space<hbm>>) dst(%dma_wait3A_284 : memref<128x16xf32, #tpu.memory_space<vmem>>)
    %dma_wait3A_291 = arith.constant 11 : i32
    %dma_wait3A_292 = arith.constant 1408 : i32
    %dma_wait3A_293 = arith.constant 0 : i32
    %dma_wait3A_294 = tpu.memref_slice %arg6[%dma_wait3A_292, %dma_wait3A_293] : memref<2304x16xf32, #tpu.memory_space<vmem>> -> memref<128x16xf32, #tpu.memory_space<vmem>>
    %dma_wait3A_295 = arith.constant 0 : i32
    %dma_wait3A_296 = tpu.memref_slice %arg5[%dma_wait3A_291, %dma_wait3A_295] : memref<18x128xi32, #tpu.memory_space<vmem>> -> memref<1x128xi32, #tpu.memory_space<vmem>>
    %dma_wait3A_297 = tpu.memref_squeeze %dma_wait3A_296 : memref<1x128xi32, #tpu.memory_space<vmem>> -> memref<128xi32, #tpu.memory_space<vmem>>
    %dma_wait3A_298 = arith.constant 0 : i32
    %dma_wait3A_299 = arith.constant 0 : i32
    %dma_wait3A_300 = tpu.memref_slice %arg2[%dma_wait3A_298, %dma_wait3A_299] : memref<8192x16xf32, #tpu.memory_space<hbm>> -> memref<8192x16xf32, #tpu.memory_space<hbm>>
    tpu.wait_indirect_dma semaphore(%arg7 : memref<!tpu.dma_semaphore, #tpu.memory_space<semaphore_mem>>) src(%dma_wait3A_300 : memref<8192x16xf32, #tpu.memory_space<hbm>>) dst(%dma_wait3A_294 : memref<128x16xf32, #tpu.memory_space<vmem>>)
    %dma_wait3A_301 = arith.constant 12 : i32
    %dma_wait3A_302 = arith.constant 1536 : i32
    %dma_wait3A_303 = arith.constant 0 : i32
    %dma_wait3A_304 = tpu.memref_slice %arg6[%dma_wait3A_302, %dma_wait3A_303] : memref<2304x16xf32, #tpu.memory_space<vmem>> -> memref<128x16xf32, #tpu.memory_space<vmem>>
    %dma_wait3A_305 = arith.constant 0 : i32
    %dma_wait3A_306 = tpu.memref_slice %arg5[%dma_wait3A_301, %dma_wait3A_305] : memref<18x128xi32, #tpu.memory_space<vmem>> -> memref<1x128xi32, #tpu.memory_space<vmem>>
    %dma_wait3A_307 = tpu.memref_squeeze %dma_wait3A_306 : memref<1x128xi32, #tpu.memory_space<vmem>> -> memref<128xi32, #tpu.memory_space<vmem>>
    %dma_wait3A_308 = arith.constant 0 : i32
    %dma_wait3A_309 = arith.constant 0 : i32
    %dma_wait3A_310 = tpu.memref_slice %arg2[%dma_wait3A_308, %dma_wait3A_309] : memref<8192x16xf32, #tpu.memory_space<hbm>> -> memref<8192x16xf32, #tpu.memory_space<hbm>>
    tpu.wait_indirect_dma semaphore(%arg7 : memref<!tpu.dma_semaphore, #tpu.memory_space<semaphore_mem>>) src(%dma_wait3A_310 : memref<8192x16xf32, #tpu.memory_space<hbm>>) dst(%dma_wait3A_304 : memref<128x16xf32, #tpu.memory_space<vmem>>)
    %dma_wait3A_311 = arith.constant 13 : i32
    %dma_wait3A_312 = arith.constant 1664 : i32
    %dma_wait3A_313 = arith.constant 0 : i32
    %dma_wait3A_314 = tpu.memref_slice %arg6[%dma_wait3A_312, %dma_wait3A_313] : memref<2304x16xf32, #tpu.memory_space<vmem>> -> memref<128x16xf32, #tpu.memory_space<vmem>>
    %dma_wait3A_315 = arith.constant 0 : i32
    %dma_wait3A_316 = tpu.memref_slice %arg5[%dma_wait3A_311, %dma_wait3A_315] : memref<18x128xi32, #tpu.memory_space<vmem>> -> memref<1x128xi32, #tpu.memory_space<vmem>>
    %dma_wait3A_317 = tpu.memref_squeeze %dma_wait3A_316 : memref<1x128xi32, #tpu.memory_space<vmem>> -> memref<128xi32, #tpu.memory_space<vmem>>
    %dma_wait3A_318 = arith.constant 0 : i32
    %dma_wait3A_319 = arith.constant 0 : i32
    %dma_wait3A_320 = tpu.memref_slice %arg2[%dma_wait3A_318, %dma_wait3A_319] : memref<8192x16xf32, #tpu.memory_space<hbm>> -> memref<8192x16xf32, #tpu.memory_space<hbm>>
    tpu.wait_indirect_dma semaphore(%arg7 : memref<!tpu.dma_semaphore, #tpu.memory_space<semaphore_mem>>) src(%dma_wait3A_320 : memref<8192x16xf32, #tpu.memory_space<hbm>>) dst(%dma_wait3A_314 : memref<128x16xf32, #tpu.memory_space<vmem>>)
    %dma_wait3A_321 = arith.constant 14 : i32
    %dma_wait3A_322 = arith.constant 1792 : i32
    %dma_wait3A_323 = arith.constant 0 : i32
    %dma_wait3A_324 = tpu.memref_slice %arg6[%dma_wait3A_322, %dma_wait3A_323] : memref<2304x16xf32, #tpu.memory_space<vmem>> -> memref<128x16xf32, #tpu.memory_space<vmem>>
    %dma_wait3A_325 = arith.constant 0 : i32
    %dma_wait3A_326 = tpu.memref_slice %arg5[%dma_wait3A_321, %dma_wait3A_325] : memref<18x128xi32, #tpu.memory_space<vmem>> -> memref<1x128xi32, #tpu.memory_space<vmem>>
    %dma_wait3A_327 = tpu.memref_squeeze %dma_wait3A_326 : memref<1x128xi32, #tpu.memory_space<vmem>> -> memref<128xi32, #tpu.memory_space<vmem>>
    %dma_wait3A_328 = arith.constant 0 : i32
    %dma_wait3A_329 = arith.constant 0 : i32
    %dma_wait3A_330 = tpu.memref_slice %arg2[%dma_wait3A_328, %dma_wait3A_329] : memref<8192x16xf32, #tpu.memory_space<hbm>> -> memref<8192x16xf32, #tpu.memory_space<hbm>>
    tpu.wait_indirect_dma semaphore(%arg7 : memref<!tpu.dma_semaphore, #tpu.memory_space<semaphore_mem>>) src(%dma_wait3A_330 : memref<8192x16xf32, #tpu.memory_space<hbm>>) dst(%dma_wait3A_324 : memref<128x16xf32, #tpu.memory_space<vmem>>)
    %dma_wait3A_331 = arith.constant 15 : i32
    %dma_wait3A_332 = arith.constant 1920 : i32
    %dma_wait3A_333 = arith.constant 0 : i32
    %dma_wait3A_334 = tpu.memref_slice %arg6[%dma_wait3A_332, %dma_wait3A_333] : memref<2304x16xf32, #tpu.memory_space<vmem>> -> memref<128x16xf32, #tpu.memory_space<vmem>>
    %dma_wait3A_335 = arith.constant 0 : i32
    %dma_wait3A_336 = tpu.memref_slice %arg5[%dma_wait3A_331, %dma_wait3A_335] : memref<18x128xi32, #tpu.memory_space<vmem>> -> memref<1x128xi32, #tpu.memory_space<vmem>>
    %dma_wait3A_337 = tpu.memref_squeeze %dma_wait3A_336 : memref<1x128xi32, #tpu.memory_space<vmem>> -> memref<128xi32, #tpu.memory_space<vmem>>
    %dma_wait3A_338 = arith.constant 0 : i32
    %dma_wait3A_339 = arith.constant 0 : i32
    %dma_wait3A_340 = tpu.memref_slice %arg2[%dma_wait3A_338, %dma_wait3A_339] : memref<8192x16xf32, #tpu.memory_space<hbm>> -> memref<8192x16xf32, #tpu.memory_space<hbm>>
    tpu.wait_indirect_dma semaphore(%arg7 : memref<!tpu.dma_semaphore, #tpu.memory_space<semaphore_mem>>) src(%dma_wait3A_340 : memref<8192x16xf32, #tpu.memory_space<hbm>>) dst(%dma_wait3A_334 : memref<128x16xf32, #tpu.memory_space<vmem>>)
    %dma_wait3A_341 = arith.constant 16 : i32
    %dma_wait3A_342 = arith.constant 2048 : i32
    %dma_wait3A_343 = arith.constant 0 : i32
    %dma_wait3A_344 = tpu.memref_slice %arg6[%dma_wait3A_342, %dma_wait3A_343] : memref<2304x16xf32, #tpu.memory_space<vmem>> -> memref<128x16xf32, #tpu.memory_space<vmem>>
    %dma_wait3A_345 = arith.constant 0 : i32
    %dma_wait3A_346 = tpu.memref_slice %arg5[%dma_wait3A_341, %dma_wait3A_345] : memref<18x128xi32, #tpu.memory_space<vmem>> -> memref<1x128xi32, #tpu.memory_space<vmem>>
    %dma_wait3A_347 = tpu.memref_squeeze %dma_wait3A_346 : memref<1x128xi32, #tpu.memory_space<vmem>> -> memref<128xi32, #tpu.memory_space<vmem>>
    %dma_wait3A_348 = arith.constant 0 : i32
    %dma_wait3A_349 = arith.constant 0 : i32
    %dma_wait3A_350 = tpu.memref_slice %arg2[%dma_wait3A_348, %dma_wait3A_349] : memref<8192x16xf32, #tpu.memory_space<hbm>> -> memref<8192x16xf32, #tpu.memory_space<hbm>>
    tpu.wait_indirect_dma semaphore(%arg7 : memref<!tpu.dma_semaphore, #tpu.memory_space<semaphore_mem>>) src(%dma_wait3A_350 : memref<8192x16xf32, #tpu.memory_space<hbm>>) dst(%dma_wait3A_344 : memref<128x16xf32, #tpu.memory_space<vmem>>)
    %dma_wait3A_351 = arith.constant 17 : i32
    %dma_wait3A_352 = arith.constant 2176 : i32
    %dma_wait3A_353 = arith.constant 0 : i32
    %dma_wait3A_354 = tpu.memref_slice %arg6[%dma_wait3A_352, %dma_wait3A_353] : memref<2304x16xf32, #tpu.memory_space<vmem>> -> memref<128x16xf32, #tpu.memory_space<vmem>>
    %dma_wait3A_355 = arith.constant 0 : i32
    %dma_wait3A_356 = tpu.memref_slice %arg5[%dma_wait3A_351, %dma_wait3A_355] : memref<18x128xi32, #tpu.memory_space<vmem>> -> memref<1x128xi32, #tpu.memory_space<vmem>>
    %dma_wait3A_357 = tpu.memref_squeeze %dma_wait3A_356 : memref<1x128xi32, #tpu.memory_space<vmem>> -> memref<128xi32, #tpu.memory_space<vmem>>
    %dma_wait3A_358 = arith.constant 0 : i32
    %dma_wait3A_359 = arith.constant 0 : i32
    %dma_wait3A_360 = tpu.memref_slice %arg2[%dma_wait3A_358, %dma_wait3A_359] : memref<8192x16xf32, #tpu.memory_space<hbm>> -> memref<8192x16xf32, #tpu.memory_space<hbm>>
    tpu.wait_indirect_dma semaphore(%arg7 : memref<!tpu.dma_semaphore, #tpu.memory_space<semaphore_mem>>) src(%dma_wait3A_360 : memref<8192x16xf32, #tpu.memory_space<hbm>>) dst(%dma_wait3A_354 : memref<128x16xf32, #tpu.memory_space<vmem>>)
    "tpu.region"() ({
      %run_scoped3A = tpu.sem_alloc : memref<!tpu.dma_semaphore, #tpu.memory_space<semaphore_mem>>
      %dma_start3A_361 = arith.constant 0 : i32
      %dma_start3A_362 = tpu.memref_slice %arg4[%mul3A_2, %dma_start3A_361] : memref<73728x16xf32, #tpu.memory_space<hbm>> -> memref<2304x16xf32, #tpu.memory_space<hbm>>
      %dma_start3A_363 = arith.constant 0 : i32
      %dma_start3A_364 = tpu.memref_slice %arg4[%mul3A_2, %dma_start3A_363] : memref<73728x16xf32, #tpu.memory_space<hbm>> -> memref<2304x16xf32, #tpu.memory_space<hbm>>
      tpu.enqueue_dma source(%arg6 : memref<2304x16xf32, #tpu.memory_space<vmem>>) target(%dma_start3A_364 : memref<2304x16xf32, #tpu.memory_space<hbm>>) target_semaphore(%run_scoped3A : memref<!tpu.dma_semaphore, #tpu.memory_space<semaphore_mem>>)
      %dma_wait3A_365 = arith.constant 0 : i32
      %dma_wait3A_366 = tpu.memref_slice %arg4[%mul3A_2, %dma_wait3A_365] : memref<73728x16xf32, #tpu.memory_space<hbm>> -> memref<2304x16xf32, #tpu.memory_space<hbm>>
      %dma_wait3A_367 = arith.constant 0 : i32
      %dma_wait3A_368 = tpu.memref_slice %arg4[%mul3A_2, %dma_wait3A_367] : memref<73728x16xf32, #tpu.memory_space<hbm>> -> memref<2304x16xf32, #tpu.memory_space<hbm>>
      tpu.wait_dma2 semaphore(%run_scoped3A : memref<!tpu.dma_semaphore, #tpu.memory_space<semaphore_mem>>) src(%arg6 : memref<2304x16xf32, #tpu.memory_space<vmem>>) dst(%dma_wait3A_368 : memref<2304x16xf32, #tpu.memory_space<hbm>>)
      tpu.yield
    }) : () -> ()
    return
  }
}

module attributes {stable_mosaic.version = 14 : i64} {
  func.func @_topk_body(%arg0: i32, %arg1: i32, %arg2: memref<1x256x8xf32, #tpu.memory_space<vmem>>, %arg3: memref<1x8x4096xf32, #tpu.memory_space<vmem>>, %arg4: memref<1x256x9xi32, #tpu.memory_space<vmem>>) attributes {dimension_semantics = [#tpu.dimension_semantics<arbitrary>, #tpu.dimension_semantics<arbitrary>], iteration_bounds = array<i64: 2, 16>, scalar_prefetch = 0 : i64, scratch_operands = 0 : i64, tpu.core_type = #tpu.core_type<tc>, window_params = [{transform_indices = @transform_0, window_bounds = array<i64: 1, 256, 8>}, {transform_indices = @transform_1, window_bounds = array<i64: 1, 8, 4096>}, {transform_indices = @transform_2, window_bounds = array<i64: 1, 256, 9>}]} {
    %get3A = arith.constant 0 : index
    %get3A_0 = arith.constant 0 : index
    %get3A_1 = arith.constant 0 : index
    %get3A_2 = vector.load %arg2[%get3A, %get3A_0, %get3A_1] : memref<1x256x8xf32, #tpu.memory_space<vmem>>, vector<1x256x8xf32>
    %get3A_3 = vector.shape_cast %get3A_2 : vector<1x256x8xf32> to vector<256x8xf32>
    %get3A_4 = arith.constant 0 : index
    %get3A_5 = arith.constant 0 : index
    %get3A_6 = arith.constant 0 : index
    %get3A_7 = vector.load %arg3[%get3A_4, %get3A_5, %get3A_6] : memref<1x8x4096xf32, #tpu.memory_space<vmem>>, vector<1x8x4096xf32>
    %get3A_8 = vector.shape_cast %get3A_7 : vector<1x8x4096xf32> to vector<8x4096xf32>
    %mul3A = arith.mulf %get3A_3, %get3A_3 : vector<256x8xf32>
    %reduce_sum3A = arith.constant dense<0.000000e+00> : vector<256xf32>
    %reduce_sum3A_9 = vector.multi_reduction <add>, %mul3A, %reduce_sum3A [1] : vector<256x8xf32> to vector<256xf32>
    %broadcast_in_dim3A = vector.shape_cast %reduce_sum3A_9 : vector<256xf32> to vector<256x1xf32>
    %mul3A_10 = arith.mulf %get3A_8, %get3A_8 : vector<8x4096xf32>
    %reduce_sum3A_11 = arith.constant dense<0.000000e+00> : vector<4096xf32>
    %reduce_sum3A_12 = vector.multi_reduction <add>, %mul3A_10, %reduce_sum3A_11 [0] : vector<8x4096xf32> to vector<4096xf32>
    %broadcast_in_dim3A_13 = vector.shape_cast %reduce_sum3A_12 : vector<4096xf32> to vector<1x4096xf32>
    %convert_element_type3A = arith.truncf %get3A_3 : vector<256x8xf32> to vector<256x8xbf16>
    %convert_element_type3A_14 = arith.truncf %get3A_8 : vector<8x4096xf32> to vector<8x4096xbf16>
    %dot_general3A = arith.constant dense<0.000000e+00> : vector<256x4096xf32>
    %dot_general3A_15 = tpu.matmul %convert_element_type3A, %convert_element_type3A_14, %dot_general3A {dimension_numbers = #tpu.dot_dimension_numbers<[1], [0], [0], [1], [0, 0, 1, 1], [], []>, transpose_lhs_hint = false} : vector<256x8xbf16>, vector<8x4096xbf16>, vector<256x4096xf32> -> vector<256x4096xf32>
    %neg3A = arith.constant 0.000000e+00 : f32
    %neg3A_16 = vector.broadcast %neg3A : f32 to vector<256x1xf32>
    %neg3A_17 = arith.subf %neg3A_16, %broadcast_in_dim3A : vector<256x1xf32>
    %sub3A = vector.broadcast %neg3A_17 : vector<256x1xf32> to vector<256x4096xf32>
    %sub3A_18 = vector.broadcast %broadcast_in_dim3A_13 : vector<1x4096xf32> to vector<256x4096xf32>
    %sub3A_19 = arith.subf %sub3A, %sub3A_18 : vector<256x4096xf32>
    %mul3A_20 = arith.constant 2.000000e+00 : f32
    %mul3A_21 = vector.broadcast %mul3A_20 : f32 to vector<256x4096xf32>
    %mul3A_22 = arith.mulf %mul3A_21, %dot_general3A_15 : vector<256x4096xf32>
    %add3A = arith.addf %sub3A_19, %mul3A_22 : vector<256x4096xf32>
    %iota3A = tpu.iota {dimensions = array<i32: 1>} : vector<256x4096xi32>
    %reduce_max3A = arith.constant dense<0xFF800000> : vector<256xf32>
    %reduce_max3A_23 = vector.multi_reduction <maximumf>, %add3A, %reduce_max3A [1] : vector<256x4096xf32> to vector<256xf32>
    %broadcast_in_dim3A_24 = vector.shape_cast %reduce_max3A_23 : vector<256xf32> to vector<256x1xf32>
    %eq3A = vector.broadcast %broadcast_in_dim3A_24 : vector<256x1xf32> to vector<256x4096xf32>
    %eq3A_25 = arith.cmpf oeq, %add3A, %eq3A : vector<256x4096xf32>
    %jit3A = arith.constant 4096 : i32
    %broadcast_in_dim3A_26 = vector.broadcast %jit3A : i32 to vector<256x4096xi32>
    %select_n3A = arith.select %eq3A_25, %iota3A, %broadcast_in_dim3A_26 : vector<256x4096xi1>, vector<256x4096xi32>
    %reduce_min3A = arith.constant dense<2147483647> : vector<256xi32>
    %reduce_min3A_27 = vector.multi_reduction <minsi>, %select_n3A, %reduce_min3A [1] : vector<256x4096xi32> to vector<256xi32>
    %broadcast_in_dim3A_28 = vector.shape_cast %reduce_min3A_27 : vector<256xi32> to vector<256x1xi32>
    %eq3A_29 = vector.broadcast %broadcast_in_dim3A_28 : vector<256x1xi32> to vector<256x4096xi32>
    %eq3A_30 = arith.cmpi eq, %iota3A, %eq3A_29 : vector<256x4096xi32>
    %jit3A_31 = arith.constant -3.000000e+38 : f32
    %broadcast_in_dim3A_32 = vector.broadcast %jit3A_31 : f32 to vector<256x4096xf32>
    %select_n3A_33 = arith.select %eq3A_30, %broadcast_in_dim3A_32, %add3A : vector<256x4096xi1>, vector<256x4096xf32>
    %reduce_max3A_34 = arith.constant dense<0xFF800000> : vector<256xf32>
    %reduce_max3A_35 = vector.multi_reduction <maximumf>, %select_n3A_33, %reduce_max3A_34 [1] : vector<256x4096xf32> to vector<256xf32>
    %broadcast_in_dim3A_36 = vector.shape_cast %reduce_max3A_35 : vector<256xf32> to vector<256x1xf32>
    %eq3A_37 = vector.broadcast %broadcast_in_dim3A_36 : vector<256x1xf32> to vector<256x4096xf32>
    %eq3A_38 = arith.cmpf oeq, %select_n3A_33, %eq3A_37 : vector<256x4096xf32>
    %jit3A_39 = arith.constant 4096 : i32
    %broadcast_in_dim3A_40 = vector.broadcast %jit3A_39 : i32 to vector<256x4096xi32>
    %select_n3A_41 = arith.select %eq3A_38, %iota3A, %broadcast_in_dim3A_40 : vector<256x4096xi1>, vector<256x4096xi32>
    %reduce_min3A_42 = arith.constant dense<2147483647> : vector<256xi32>
    %reduce_min3A_43 = vector.multi_reduction <minsi>, %select_n3A_41, %reduce_min3A_42 [1] : vector<256x4096xi32> to vector<256xi32>
    %broadcast_in_dim3A_44 = vector.shape_cast %reduce_min3A_43 : vector<256xi32> to vector<256x1xi32>
    %eq3A_45 = vector.broadcast %broadcast_in_dim3A_44 : vector<256x1xi32> to vector<256x4096xi32>
    %eq3A_46 = arith.cmpi eq, %iota3A, %eq3A_45 : vector<256x4096xi32>
    %jit3A_47 = arith.constant -3.000000e+38 : f32
    %broadcast_in_dim3A_48 = vector.broadcast %jit3A_47 : f32 to vector<256x4096xf32>
    %select_n3A_49 = arith.select %eq3A_46, %broadcast_in_dim3A_48, %select_n3A_33 : vector<256x4096xi1>, vector<256x4096xf32>
    %reduce_max3A_50 = arith.constant dense<0xFF800000> : vector<256xf32>
    %reduce_max3A_51 = vector.multi_reduction <maximumf>, %select_n3A_49, %reduce_max3A_50 [1] : vector<256x4096xf32> to vector<256xf32>
    %broadcast_in_dim3A_52 = vector.shape_cast %reduce_max3A_51 : vector<256xf32> to vector<256x1xf32>
    %eq3A_53 = vector.broadcast %broadcast_in_dim3A_52 : vector<256x1xf32> to vector<256x4096xf32>
    %eq3A_54 = arith.cmpf oeq, %select_n3A_49, %eq3A_53 : vector<256x4096xf32>
    %jit3A_55 = arith.constant 4096 : i32
    %broadcast_in_dim3A_56 = vector.broadcast %jit3A_55 : i32 to vector<256x4096xi32>
    %select_n3A_57 = arith.select %eq3A_54, %iota3A, %broadcast_in_dim3A_56 : vector<256x4096xi1>, vector<256x4096xi32>
    %reduce_min3A_58 = arith.constant dense<2147483647> : vector<256xi32>
    %reduce_min3A_59 = vector.multi_reduction <minsi>, %select_n3A_57, %reduce_min3A_58 [1] : vector<256x4096xi32> to vector<256xi32>
    %broadcast_in_dim3A_60 = vector.shape_cast %reduce_min3A_59 : vector<256xi32> to vector<256x1xi32>
    %eq3A_61 = vector.broadcast %broadcast_in_dim3A_60 : vector<256x1xi32> to vector<256x4096xi32>
    %eq3A_62 = arith.cmpi eq, %iota3A, %eq3A_61 : vector<256x4096xi32>
    %jit3A_63 = arith.constant -3.000000e+38 : f32
    %broadcast_in_dim3A_64 = vector.broadcast %jit3A_63 : f32 to vector<256x4096xf32>
    %select_n3A_65 = arith.select %eq3A_62, %broadcast_in_dim3A_64, %select_n3A_49 : vector<256x4096xi1>, vector<256x4096xf32>
    %reduce_max3A_66 = arith.constant dense<0xFF800000> : vector<256xf32>
    %reduce_max3A_67 = vector.multi_reduction <maximumf>, %select_n3A_65, %reduce_max3A_66 [1] : vector<256x4096xf32> to vector<256xf32>
    %broadcast_in_dim3A_68 = vector.shape_cast %reduce_max3A_67 : vector<256xf32> to vector<256x1xf32>
    %eq3A_69 = vector.broadcast %broadcast_in_dim3A_68 : vector<256x1xf32> to vector<256x4096xf32>
    %eq3A_70 = arith.cmpf oeq, %select_n3A_65, %eq3A_69 : vector<256x4096xf32>
    %jit3A_71 = arith.constant 4096 : i32
    %broadcast_in_dim3A_72 = vector.broadcast %jit3A_71 : i32 to vector<256x4096xi32>
    %select_n3A_73 = arith.select %eq3A_70, %iota3A, %broadcast_in_dim3A_72 : vector<256x4096xi1>, vector<256x4096xi32>
    %reduce_min3A_74 = arith.constant dense<2147483647> : vector<256xi32>
    %reduce_min3A_75 = vector.multi_reduction <minsi>, %select_n3A_73, %reduce_min3A_74 [1] : vector<256x4096xi32> to vector<256xi32>
    %broadcast_in_dim3A_76 = vector.shape_cast %reduce_min3A_75 : vector<256xi32> to vector<256x1xi32>
    %eq3A_77 = vector.broadcast %broadcast_in_dim3A_76 : vector<256x1xi32> to vector<256x4096xi32>
    %eq3A_78 = arith.cmpi eq, %iota3A, %eq3A_77 : vector<256x4096xi32>
    %jit3A_79 = arith.constant -3.000000e+38 : f32
    %broadcast_in_dim3A_80 = vector.broadcast %jit3A_79 : f32 to vector<256x4096xf32>
    %select_n3A_81 = arith.select %eq3A_78, %broadcast_in_dim3A_80, %select_n3A_65 : vector<256x4096xi1>, vector<256x4096xf32>
    %reduce_max3A_82 = arith.constant dense<0xFF800000> : vector<256xf32>
    %reduce_max3A_83 = vector.multi_reduction <maximumf>, %select_n3A_81, %reduce_max3A_82 [1] : vector<256x4096xf32> to vector<256xf32>
    %broadcast_in_dim3A_84 = vector.shape_cast %reduce_max3A_83 : vector<256xf32> to vector<256x1xf32>
    %eq3A_85 = vector.broadcast %broadcast_in_dim3A_84 : vector<256x1xf32> to vector<256x4096xf32>
    %eq3A_86 = arith.cmpf oeq, %select_n3A_81, %eq3A_85 : vector<256x4096xf32>
    %jit3A_87 = arith.constant 4096 : i32
    %broadcast_in_dim3A_88 = vector.broadcast %jit3A_87 : i32 to vector<256x4096xi32>
    %select_n3A_89 = arith.select %eq3A_86, %iota3A, %broadcast_in_dim3A_88 : vector<256x4096xi1>, vector<256x4096xi32>
    %reduce_min3A_90 = arith.constant dense<2147483647> : vector<256xi32>
    %reduce_min3A_91 = vector.multi_reduction <minsi>, %select_n3A_89, %reduce_min3A_90 [1] : vector<256x4096xi32> to vector<256xi32>
    %broadcast_in_dim3A_92 = vector.shape_cast %reduce_min3A_91 : vector<256xi32> to vector<256x1xi32>
    %eq3A_93 = vector.broadcast %broadcast_in_dim3A_92 : vector<256x1xi32> to vector<256x4096xi32>
    %eq3A_94 = arith.cmpi eq, %iota3A, %eq3A_93 : vector<256x4096xi32>
    %jit3A_95 = arith.constant -3.000000e+38 : f32
    %broadcast_in_dim3A_96 = vector.broadcast %jit3A_95 : f32 to vector<256x4096xf32>
    %select_n3A_97 = arith.select %eq3A_94, %broadcast_in_dim3A_96, %select_n3A_81 : vector<256x4096xi1>, vector<256x4096xf32>
    %reduce_max3A_98 = arith.constant dense<0xFF800000> : vector<256xf32>
    %reduce_max3A_99 = vector.multi_reduction <maximumf>, %select_n3A_97, %reduce_max3A_98 [1] : vector<256x4096xf32> to vector<256xf32>
    %broadcast_in_dim3A_100 = vector.shape_cast %reduce_max3A_99 : vector<256xf32> to vector<256x1xf32>
    %eq3A_101 = vector.broadcast %broadcast_in_dim3A_100 : vector<256x1xf32> to vector<256x4096xf32>
    %eq3A_102 = arith.cmpf oeq, %select_n3A_97, %eq3A_101 : vector<256x4096xf32>
    %jit3A_103 = arith.constant 4096 : i32
    %broadcast_in_dim3A_104 = vector.broadcast %jit3A_103 : i32 to vector<256x4096xi32>
    %select_n3A_105 = arith.select %eq3A_102, %iota3A, %broadcast_in_dim3A_104 : vector<256x4096xi1>, vector<256x4096xi32>
    %reduce_min3A_106 = arith.constant dense<2147483647> : vector<256xi32>
    %reduce_min3A_107 = vector.multi_reduction <minsi>, %select_n3A_105, %reduce_min3A_106 [1] : vector<256x4096xi32> to vector<256xi32>
    %broadcast_in_dim3A_108 = vector.shape_cast %reduce_min3A_107 : vector<256xi32> to vector<256x1xi32>
    %eq3A_109 = vector.broadcast %broadcast_in_dim3A_108 : vector<256x1xi32> to vector<256x4096xi32>
    %eq3A_110 = arith.cmpi eq, %iota3A, %eq3A_109 : vector<256x4096xi32>
    %jit3A_111 = arith.constant -3.000000e+38 : f32
    %broadcast_in_dim3A_112 = vector.broadcast %jit3A_111 : f32 to vector<256x4096xf32>
    %select_n3A_113 = arith.select %eq3A_110, %broadcast_in_dim3A_112, %select_n3A_97 : vector<256x4096xi1>, vector<256x4096xf32>
    %reduce_max3A_114 = arith.constant dense<0xFF800000> : vector<256xf32>
    %reduce_max3A_115 = vector.multi_reduction <maximumf>, %select_n3A_113, %reduce_max3A_114 [1] : vector<256x4096xf32> to vector<256xf32>
    %broadcast_in_dim3A_116 = vector.shape_cast %reduce_max3A_115 : vector<256xf32> to vector<256x1xf32>
    %eq3A_117 = vector.broadcast %broadcast_in_dim3A_116 : vector<256x1xf32> to vector<256x4096xf32>
    %eq3A_118 = arith.cmpf oeq, %select_n3A_113, %eq3A_117 : vector<256x4096xf32>
    %jit3A_119 = arith.constant 4096 : i32
    %broadcast_in_dim3A_120 = vector.broadcast %jit3A_119 : i32 to vector<256x4096xi32>
    %select_n3A_121 = arith.select %eq3A_118, %iota3A, %broadcast_in_dim3A_120 : vector<256x4096xi1>, vector<256x4096xi32>
    %reduce_min3A_122 = arith.constant dense<2147483647> : vector<256xi32>
    %reduce_min3A_123 = vector.multi_reduction <minsi>, %select_n3A_121, %reduce_min3A_122 [1] : vector<256x4096xi32> to vector<256xi32>
    %broadcast_in_dim3A_124 = vector.shape_cast %reduce_min3A_123 : vector<256xi32> to vector<256x1xi32>
    %eq3A_125 = vector.broadcast %broadcast_in_dim3A_124 : vector<256x1xi32> to vector<256x4096xi32>
    %eq3A_126 = arith.cmpi eq, %iota3A, %eq3A_125 : vector<256x4096xi32>
    %jit3A_127 = arith.constant -3.000000e+38 : f32
    %broadcast_in_dim3A_128 = vector.broadcast %jit3A_127 : f32 to vector<256x4096xf32>
    %select_n3A_129 = arith.select %eq3A_126, %broadcast_in_dim3A_128, %select_n3A_113 : vector<256x4096xi1>, vector<256x4096xf32>
    %reduce_max3A_130 = arith.constant dense<0xFF800000> : vector<256xf32>
    %reduce_max3A_131 = vector.multi_reduction <maximumf>, %select_n3A_129, %reduce_max3A_130 [1] : vector<256x4096xf32> to vector<256xf32>
    %broadcast_in_dim3A_132 = vector.shape_cast %reduce_max3A_131 : vector<256xf32> to vector<256x1xf32>
    %eq3A_133 = vector.broadcast %broadcast_in_dim3A_132 : vector<256x1xf32> to vector<256x4096xf32>
    %eq3A_134 = arith.cmpf oeq, %select_n3A_129, %eq3A_133 : vector<256x4096xf32>
    %jit3A_135 = arith.constant 4096 : i32
    %broadcast_in_dim3A_136 = vector.broadcast %jit3A_135 : i32 to vector<256x4096xi32>
    %select_n3A_137 = arith.select %eq3A_134, %iota3A, %broadcast_in_dim3A_136 : vector<256x4096xi1>, vector<256x4096xi32>
    %reduce_min3A_138 = arith.constant dense<2147483647> : vector<256xi32>
    %reduce_min3A_139 = vector.multi_reduction <minsi>, %select_n3A_137, %reduce_min3A_138 [1] : vector<256x4096xi32> to vector<256xi32>
    %broadcast_in_dim3A_140 = vector.shape_cast %reduce_min3A_139 : vector<256xi32> to vector<256x1xi32>
    %eq3A_141 = vector.broadcast %broadcast_in_dim3A_140 : vector<256x1xi32> to vector<256x4096xi32>
    %eq3A_142 = arith.cmpi eq, %iota3A, %eq3A_141 : vector<256x4096xi32>
    %jit3A_143 = arith.constant -3.000000e+38 : f32
    %broadcast_in_dim3A_144 = vector.broadcast %jit3A_143 : f32 to vector<256x4096xf32>
    %select_n3A_145 = arith.select %eq3A_142, %broadcast_in_dim3A_144, %select_n3A_129 : vector<256x4096xi1>, vector<256x4096xf32>
    %reduce_max3A_146 = arith.constant dense<0xFF800000> : vector<256xf32>
    %reduce_max3A_147 = vector.multi_reduction <maximumf>, %select_n3A_145, %reduce_max3A_146 [1] : vector<256x4096xf32> to vector<256xf32>
    %broadcast_in_dim3A_148 = vector.shape_cast %reduce_max3A_147 : vector<256xf32> to vector<256x1xf32>
    %eq3A_149 = vector.broadcast %broadcast_in_dim3A_148 : vector<256x1xf32> to vector<256x4096xf32>
    %eq3A_150 = arith.cmpf oeq, %select_n3A_145, %eq3A_149 : vector<256x4096xf32>
    %jit3A_151 = arith.constant 4096 : i32
    %broadcast_in_dim3A_152 = vector.broadcast %jit3A_151 : i32 to vector<256x4096xi32>
    %select_n3A_153 = arith.select %eq3A_150, %iota3A, %broadcast_in_dim3A_152 : vector<256x4096xi1>, vector<256x4096xi32>
    %reduce_min3A_154 = arith.constant dense<2147483647> : vector<256xi32>
    %reduce_min3A_155 = vector.multi_reduction <minsi>, %select_n3A_153, %reduce_min3A_154 [1] : vector<256x4096xi32> to vector<256xi32>
    %broadcast_in_dim3A_156 = vector.shape_cast %reduce_min3A_155 : vector<256xi32> to vector<256x1xi32>
    %eq3A_157 = vector.broadcast %broadcast_in_dim3A_156 : vector<256x1xi32> to vector<256x4096xi32>
    %eq3A_158 = arith.cmpi eq, %iota3A, %eq3A_157 : vector<256x4096xi32>
    %jit3A_159 = arith.constant -3.000000e+38 : f32
    %broadcast_in_dim3A_160 = vector.broadcast %jit3A_159 : f32 to vector<256x4096xf32>
    %select_n3A_161 = arith.select %eq3A_158, %broadcast_in_dim3A_160, %select_n3A_145 : vector<256x4096xi1>, vector<256x4096xf32>
    %reduce_max3A_162 = arith.constant dense<0xFF800000> : vector<256xf32>
    %reduce_max3A_163 = vector.multi_reduction <maximumf>, %select_n3A_161, %reduce_max3A_162 [1] : vector<256x4096xf32> to vector<256xf32>
    %broadcast_in_dim3A_164 = vector.shape_cast %reduce_max3A_163 : vector<256xf32> to vector<256x1xf32>
    %eq3A_165 = vector.broadcast %broadcast_in_dim3A_164 : vector<256x1xf32> to vector<256x4096xf32>
    %eq3A_166 = arith.cmpf oeq, %select_n3A_161, %eq3A_165 : vector<256x4096xf32>
    %jit3A_167 = arith.constant 4096 : i32
    %broadcast_in_dim3A_168 = vector.broadcast %jit3A_167 : i32 to vector<256x4096xi32>
    %select_n3A_169 = arith.select %eq3A_166, %iota3A, %broadcast_in_dim3A_168 : vector<256x4096xi1>, vector<256x4096xi32>
    %reduce_min3A_170 = arith.constant dense<2147483647> : vector<256xi32>
    %reduce_min3A_171 = vector.multi_reduction <minsi>, %select_n3A_169, %reduce_min3A_170 [1] : vector<256x4096xi32> to vector<256xi32>
    %broadcast_in_dim3A_172 = vector.shape_cast %reduce_min3A_171 : vector<256xi32> to vector<256x1xi32>
    %concatenate3A = tpu.concatenate %broadcast_in_dim3A_44, %broadcast_in_dim3A_60, %broadcast_in_dim3A_76, %broadcast_in_dim3A_92, %broadcast_in_dim3A_108, %broadcast_in_dim3A_124, %broadcast_in_dim3A_140, %broadcast_in_dim3A_156, %broadcast_in_dim3A_172 in 1 : vector<256x1xi32>, vector<256x1xi32>, vector<256x1xi32>, vector<256x1xi32>, vector<256x1xi32>, vector<256x1xi32>, vector<256x1xi32>, vector<256x1xi32>, vector<256x1xi32> -> vector<256x9xi32>
    %mul3A_173 = arith.constant 4096 : i32
    %mul3A_174 = arith.muli %arg0, %mul3A_173 : i32
    %add3A_175 = vector.broadcast %mul3A_174 : i32 to vector<256x9xi32>
    %add3A_176 = arith.addi %concatenate3A, %add3A_175 : vector<256x9xi32>
    %swap3A = arith.constant 0 : index
    %swap3A_177 = arith.constant 0 : index
    %swap3A_178 = arith.constant 0 : index
    %swap3A_179 = vector.load %arg4[%swap3A, %swap3A_177, %swap3A_178] : memref<1x256x9xi32, #tpu.memory_space<vmem>>, vector<1x256x9xi32>
    %swap3A_180 = vector.shape_cast %swap3A_179 : vector<1x256x9xi32> to vector<256x9xi32>
    %swap3A_181 = vector.shape_cast %add3A_176 : vector<256x9xi32> to vector<1x256x9xi32>
    tpu.vector_store %arg4[%swap3A, %swap3A_177, %swap3A_178], %swap3A_181 {strides = array<i32>} : memref<1x256x9xi32, #tpu.memory_space<vmem>>, vector<1x256x9xi32>,
    return
  }
  func.func @transform_0(%arg0: i32, %arg1: i32) -> (i32, i32, i32) {
    %c0_i32 = arith.constant 0 : i32
    %c0_i32_0 = arith.constant 0 : i32
    return %arg0, %arg1, %c0_i32 : i32, i32, i32
  }
  func.func @transform_1(%arg0: i32, %arg1: i32) -> (i32, i32, i32) {
    %c0_i32 = arith.constant 0 : i32
    %c0_i32_0 = arith.constant 0 : i32
    %c0_i32_1 = arith.constant 0 : i32
    return %arg0, %c0_i32, %c0_i32_0 : i32, i32, i32
  }
  func.func @transform_2(%arg0: i32, %arg1: i32) -> (i32, i32, i32) {
    %c0_i32 = arith.constant 0 : i32
    %c0_i32_0 = arith.constant 0 : i32
    return %arg0, %arg1, %c0_i32 : i32, i32, i32
  }
}

module attributes {stable_mosaic.version = 14 : i64} {
  func.func @_mlp_body(%arg0: memref<3x9x8192xf32, #tpu.memory_space<vmem>>, %arg1: memref<3x8192xf32, #tpu.memory_space<vmem>>, %arg2: memref<1x49xf32, #tpu.memory_space<smem>>, %arg3: memref<1x7xf32, #tpu.memory_space<smem>>, %arg4: memref<1x7xf32, #tpu.memory_space<smem>>, %arg5: memref<1x49xf32, #tpu.memory_space<smem>>, %arg6: memref<1x7xf32, #tpu.memory_space<smem>>, %arg7: memref<1x7xf32, #tpu.memory_space<smem>>, %arg8: memref<1x7xf32, #tpu.memory_space<smem>>, %arg9: memref<1x49xf32, #tpu.memory_space<smem>>, %arg10: memref<1x7xf32, #tpu.memory_space<smem>>, %arg11: memref<7x8192xf32, #tpu.memory_space<vmem>>) attributes {dimension_semantics = [], scalar_prefetch = 0 : i64, scratch_operands = 0 : i64, tpu.core_type = #tpu.core_type<tc>} {
    %get3A = arith.constant 0 : index
    %get3A_0 = arith.constant 0 : index
    %get3A_1 = vector.load %arg1[%get3A, %get3A_0] : memref<3x8192xf32, #tpu.memory_space<vmem>>, vector<1x8192xf32>
    %get3A_2 = arith.constant 1 : index
    %get3A_3 = arith.constant 0 : index
    %get3A_4 = vector.load %arg1[%get3A_2, %get3A_3] : memref<3x8192xf32, #tpu.memory_space<vmem>>, vector<1x8192xf32>
    %get3A_5 = arith.constant 2 : index
    %get3A_6 = arith.constant 0 : index
    %get3A_7 = vector.load %arg1[%get3A_5, %get3A_6] : memref<3x8192xf32, #tpu.memory_space<vmem>>, vector<1x8192xf32>
    %get3A_8 = arith.constant 0 : index
    %get3A_9 = arith.constant 0 : index
    %get3A_10 = arith.constant 0 : index
    %get3A_11 = vector.load %arg0[%get3A_8, %get3A_9, %get3A_10] : memref<3x9x8192xf32, #tpu.memory_space<vmem>>, vector<1x9x8192xf32>
    %get3A_12 = vector.shape_cast %get3A_11 : vector<1x9x8192xf32> to vector<9x8192xf32>
    %sub3A = vector.broadcast %get3A_1 : vector<1x8192xf32> to vector<9x8192xf32>
    %sub3A_13 = arith.subf %get3A_12, %sub3A : vector<9x8192xf32>
    %get3A_14 = arith.constant 1 : index
    %get3A_15 = arith.constant 0 : index
    %get3A_16 = arith.constant 0 : index
    %get3A_17 = vector.load %arg0[%get3A_14, %get3A_15, %get3A_16] : memref<3x9x8192xf32, #tpu.memory_space<vmem>>, vector<1x9x8192xf32>
    %get3A_18 = vector.shape_cast %get3A_17 : vector<1x9x8192xf32> to vector<9x8192xf32>
    %sub3A_19 = vector.broadcast %get3A_4 : vector<1x8192xf32> to vector<9x8192xf32>
    %sub3A_20 = arith.subf %get3A_18, %sub3A_19 : vector<9x8192xf32>
    %get3A_21 = arith.constant 2 : index
    %get3A_22 = arith.constant 0 : index
    %get3A_23 = arith.constant 0 : index
    %get3A_24 = vector.load %arg0[%get3A_21, %get3A_22, %get3A_23] : memref<3x9x8192xf32, #tpu.memory_space<vmem>>, vector<1x9x8192xf32>
    %get3A_25 = vector.shape_cast %get3A_24 : vector<1x9x8192xf32> to vector<9x8192xf32>
    %sub3A_26 = vector.broadcast %get3A_7 : vector<1x8192xf32> to vector<9x8192xf32>
    %sub3A_27 = arith.subf %get3A_25, %sub3A_26 : vector<9x8192xf32>
    %atan23A = math.atan2 %sub3A_20, %sub3A_13 : vector<9x8192xf32>
    %div3A = arith.constant 6.28318548 : f32
    %div3A_28 = vector.broadcast %div3A : f32 to vector<9x8192xf32>
    %div3A_29 = arith.divf %atan23A, %div3A_28 : vector<9x8192xf32>
    %add3A = arith.constant 5.000000e-01 : f32
    %add3A_30 = vector.broadcast %add3A : f32 to vector<9x8192xf32>
    %add3A_31 = arith.addf %div3A_29, %add3A_30 : vector<9x8192xf32>
    %iota3A = tpu.iota {dimensions = array<i32: 0>} : vector<9x8192xi32>
    %reduce_min3A = arith.constant dense<0x7F800000> : vector<8192xf32>
    %reduce_min3A_32 = vector.multi_reduction <minimumf>, %add3A_31, %reduce_min3A [0] : vector<9x8192xf32> to vector<8192xf32>
    %broadcast_in_dim3A = vector.shape_cast %reduce_min3A_32 : vector<8192xf32> to vector<1x8192xf32>
    %eq3A = vector.broadcast %broadcast_in_dim3A : vector<1x8192xf32> to vector<9x8192xf32>
    %eq3A_33 = arith.cmpf oeq, %add3A_31, %eq3A : vector<9x8192xf32>
    %jit3A = arith.constant 9 : i32
    %broadcast_in_dim3A_34 = vector.broadcast %jit3A : i32 to vector<9x8192xi32>
    %select_n3A = arith.select %eq3A_33, %iota3A, %broadcast_in_dim3A_34 : vector<9x8192xi1>, vector<9x8192xi32>
    %reduce_min3A_35 = arith.constant dense<2147483647> : vector<8192xi32>
    %reduce_min3A_36 = vector.multi_reduction <minsi>, %select_n3A, %reduce_min3A_35 [0] : vector<9x8192xi32> to vector<8192xi32>
    %broadcast_in_dim3A_37 = vector.shape_cast %reduce_min3A_36 : vector<8192xi32> to vector<1x8192xi32>
    %eq3A_38 = vector.broadcast %broadcast_in_dim3A_37 : vector<1x8192xi32> to vector<9x8192xi32>
    %eq3A_39 = arith.cmpi eq, %iota3A, %eq3A_38 : vector<9x8192xi32>
    %convert_element_type3A = arith.extui %eq3A_39 : vector<9x8192xi1> to vector<9x8192xi32>
    %convert_element_type3A_40 = arith.sitofp %convert_element_type3A : vector<9x8192xi32> to vector<9x8192xf32>
    %mul3A = arith.mulf %convert_element_type3A_40, %sub3A_13 : vector<9x8192xf32>
    %reduce_sum3A = arith.constant dense<0.000000e+00> : vector<8192xf32>
    %reduce_sum3A_41 = vector.multi_reduction <add>, %mul3A, %reduce_sum3A [0] : vector<9x8192xf32> to vector<8192xf32>
    %broadcast_in_dim3A_42 = vector.shape_cast %reduce_sum3A_41 : vector<8192xf32> to vector<1x8192xf32>
    %mul3A_43 = arith.mulf %convert_element_type3A_40, %sub3A_20 : vector<9x8192xf32>
    %reduce_sum3A_44 = arith.constant dense<0.000000e+00> : vector<8192xf32>
    %reduce_sum3A_45 = vector.multi_reduction <add>, %mul3A_43, %reduce_sum3A_44 [0] : vector<9x8192xf32> to vector<8192xf32>
    %broadcast_in_dim3A_46 = vector.shape_cast %reduce_sum3A_45 : vector<8192xf32> to vector<1x8192xf32>
    %mul3A_47 = arith.mulf %convert_element_type3A_40, %sub3A_27 : vector<9x8192xf32>
    %reduce_sum3A_48 = arith.constant dense<0.000000e+00> : vector<8192xf32>
    %reduce_sum3A_49 = vector.multi_reduction <add>, %mul3A_47, %reduce_sum3A_48 [0] : vector<9x8192xf32> to vector<8192xf32>
    %broadcast_in_dim3A_50 = vector.shape_cast %reduce_sum3A_49 : vector<8192xf32> to vector<1x8192xf32>
    %jit3A_51 = arith.constant 1.000000e+09 : f32
    %broadcast_in_dim3A_52 = vector.broadcast %jit3A_51 : f32 to vector<9x8192xf32>
    %select_n3A_53 = arith.select %eq3A_39, %broadcast_in_dim3A_52, %add3A_31 : vector<9x8192xi1>, vector<9x8192xf32>
    %reduce_min3A_54 = arith.constant dense<0x7F800000> : vector<8192xf32>
    %reduce_min3A_55 = vector.multi_reduction <minimumf>, %select_n3A_53, %reduce_min3A_54 [0] : vector<9x8192xf32> to vector<8192xf32>
    %broadcast_in_dim3A_56 = vector.shape_cast %reduce_min3A_55 : vector<8192xf32> to vector<1x8192xf32>
    %eq3A_57 = vector.broadcast %broadcast_in_dim3A_56 : vector<1x8192xf32> to vector<9x8192xf32>
    %eq3A_58 = arith.cmpf oeq, %select_n3A_53, %eq3A_57 : vector<9x8192xf32>
    %jit3A_59 = arith.constant 9 : i32
    %broadcast_in_dim3A_60 = vector.broadcast %jit3A_59 : i32 to vector<9x8192xi32>
    %select_n3A_61 = arith.select %eq3A_58, %iota3A, %broadcast_in_dim3A_60 : vector<9x8192xi1>, vector<9x8192xi32>
    %reduce_min3A_62 = arith.constant dense<2147483647> : vector<8192xi32>
    %reduce_min3A_63 = vector.multi_reduction <minsi>, %select_n3A_61, %reduce_min3A_62 [0] : vector<9x8192xi32> to vector<8192xi32>
    %broadcast_in_dim3A_64 = vector.shape_cast %reduce_min3A_63 : vector<8192xi32> to vector<1x8192xi32>
    %eq3A_65 = vector.broadcast %broadcast_in_dim3A_64 : vector<1x8192xi32> to vector<9x8192xi32>
    %eq3A_66 = arith.cmpi eq, %iota3A, %eq3A_65 : vector<9x8192xi32>
    %convert_element_type3A_67 = arith.extui %eq3A_66 : vector<9x8192xi1> to vector<9x8192xi32>
    %convert_element_type3A_68 = arith.sitofp %convert_element_type3A_67 : vector<9x8192xi32> to vector<9x8192xf32>
    %mul3A_69 = arith.mulf %convert_element_type3A_68, %sub3A_13 : vector<9x8192xf32>
    %reduce_sum3A_70 = arith.constant dense<0.000000e+00> : vector<8192xf32>
    %reduce_sum3A_71 = vector.multi_reduction <add>, %mul3A_69, %reduce_sum3A_70 [0] : vector<9x8192xf32> to vector<8192xf32>
    %broadcast_in_dim3A_72 = vector.shape_cast %reduce_sum3A_71 : vector<8192xf32> to vector<1x8192xf32>
    %mul3A_73 = arith.mulf %convert_element_type3A_68, %sub3A_20 : vector<9x8192xf32>
    %reduce_sum3A_74 = arith.constant dense<0.000000e+00> : vector<8192xf32>
    %reduce_sum3A_75 = vector.multi_reduction <add>, %mul3A_73, %reduce_sum3A_74 [0] : vector<9x8192xf32> to vector<8192xf32>
    %broadcast_in_dim3A_76 = vector.shape_cast %reduce_sum3A_75 : vector<8192xf32> to vector<1x8192xf32>
    %mul3A_77 = arith.mulf %convert_element_type3A_68, %sub3A_27 : vector<9x8192xf32>
    %reduce_sum3A_78 = arith.constant dense<0.000000e+00> : vector<8192xf32>
    %reduce_sum3A_79 = vector.multi_reduction <add>, %mul3A_77, %reduce_sum3A_78 [0] : vector<9x8192xf32> to vector<8192xf32>
    %broadcast_in_dim3A_80 = vector.shape_cast %reduce_sum3A_79 : vector<8192xf32> to vector<1x8192xf32>
    %jit3A_81 = arith.constant 1.000000e+09 : f32
    %broadcast_in_dim3A_82 = vector.broadcast %jit3A_81 : f32 to vector<9x8192xf32>
    %select_n3A_83 = arith.select %eq3A_66, %broadcast_in_dim3A_82, %select_n3A_53 : vector<9x8192xi1>, vector<9x8192xf32>
    %reduce_min3A_84 = arith.constant dense<0x7F800000> : vector<8192xf32>
    %reduce_min3A_85 = vector.multi_reduction <minimumf>, %select_n3A_83, %reduce_min3A_84 [0] : vector<9x8192xf32> to vector<8192xf32>
    %broadcast_in_dim3A_86 = vector.shape_cast %reduce_min3A_85 : vector<8192xf32> to vector<1x8192xf32>
    %eq3A_87 = vector.broadcast %broadcast_in_dim3A_86 : vector<1x8192xf32> to vector<9x8192xf32>
    %eq3A_88 = arith.cmpf oeq, %select_n3A_83, %eq3A_87 : vector<9x8192xf32>
    %jit3A_89 = arith.constant 9 : i32
    %broadcast_in_dim3A_90 = vector.broadcast %jit3A_89 : i32 to vector<9x8192xi32>
    %select_n3A_91 = arith.select %eq3A_88, %iota3A, %broadcast_in_dim3A_90 : vector<9x8192xi1>, vector<9x8192xi32>
    %reduce_min3A_92 = arith.constant dense<2147483647> : vector<8192xi32>
    %reduce_min3A_93 = vector.multi_reduction <minsi>, %select_n3A_91, %reduce_min3A_92 [0] : vector<9x8192xi32> to vector<8192xi32>
    %broadcast_in_dim3A_94 = vector.shape_cast %reduce_min3A_93 : vector<8192xi32> to vector<1x8192xi32>
    %eq3A_95 = vector.broadcast %broadcast_in_dim3A_94 : vector<1x8192xi32> to vector<9x8192xi32>
    %eq3A_96 = arith.cmpi eq, %iota3A, %eq3A_95 : vector<9x8192xi32>
    %convert_element_type3A_97 = arith.extui %eq3A_96 : vector<9x8192xi1> to vector<9x8192xi32>
    %convert_element_type3A_98 = arith.sitofp %convert_element_type3A_97 : vector<9x8192xi32> to vector<9x8192xf32>
    %mul3A_99 = arith.mulf %convert_element_type3A_98, %sub3A_13 : vector<9x8192xf32>
    %reduce_sum3A_100 = arith.constant dense<0.000000e+00> : vector<8192xf32>
    %reduce_sum3A_101 = vector.multi_reduction <add>, %mul3A_99, %reduce_sum3A_100 [0] : vector<9x8192xf32> to vector<8192xf32>
    %broadcast_in_dim3A_102 = vector.shape_cast %reduce_sum3A_101 : vector<8192xf32> to vector<1x8192xf32>
    %mul3A_103 = arith.mulf %convert_element_type3A_98, %sub3A_20 : vector<9x8192xf32>
    %reduce_sum3A_104 = arith.constant dense<0.000000e+00> : vector<8192xf32>
    %reduce_sum3A_105 = vector.multi_reduction <add>, %mul3A_103, %reduce_sum3A_104 [0] : vector<9x8192xf32> to vector<8192xf32>
    %broadcast_in_dim3A_106 = vector.shape_cast %reduce_sum3A_105 : vector<8192xf32> to vector<1x8192xf32>
    %mul3A_107 = arith.mulf %convert_element_type3A_98, %sub3A_27 : vector<9x8192xf32>
    %reduce_sum3A_108 = arith.constant dense<0.000000e+00> : vector<8192xf32>
    %reduce_sum3A_109 = vector.multi_reduction <add>, %mul3A_107, %reduce_sum3A_108 [0] : vector<9x8192xf32> to vector<8192xf32>
    %broadcast_in_dim3A_110 = vector.shape_cast %reduce_sum3A_109 : vector<8192xf32> to vector<1x8192xf32>
    %jit3A_111 = arith.constant 1.000000e+09 : f32
    %broadcast_in_dim3A_112 = vector.broadcast %jit3A_111 : f32 to vector<9x8192xf32>
    %select_n3A_113 = arith.select %eq3A_96, %broadcast_in_dim3A_112, %select_n3A_83 : vector<9x8192xi1>, vector<9x8192xf32>
    %reduce_min3A_114 = arith.constant dense<0x7F800000> : vector<8192xf32>
    %reduce_min3A_115 = vector.multi_reduction <minimumf>, %select_n3A_113, %reduce_min3A_114 [0] : vector<9x8192xf32> to vector<8192xf32>
    %broadcast_in_dim3A_116 = vector.shape_cast %reduce_min3A_115 : vector<8192xf32> to vector<1x8192xf32>
    %eq3A_117 = vector.broadcast %broadcast_in_dim3A_116 : vector<1x8192xf32> to vector<9x8192xf32>
    %eq3A_118 = arith.cmpf oeq, %select_n3A_113, %eq3A_117 : vector<9x8192xf32>
    %jit3A_119 = arith.constant 9 : i32
    %broadcast_in_dim3A_120 = vector.broadcast %jit3A_119 : i32 to vector<9x8192xi32>
    %select_n3A_121 = arith.select %eq3A_118, %iota3A, %broadcast_in_dim3A_120 : vector<9x8192xi1>, vector<9x8192xi32>
    %reduce_min3A_122 = arith.constant dense<2147483647> : vector<8192xi32>
    %reduce_min3A_123 = vector.multi_reduction <minsi>, %select_n3A_121, %reduce_min3A_122 [0] : vector<9x8192xi32> to vector<8192xi32>
    %broadcast_in_dim3A_124 = vector.shape_cast %reduce_min3A_123 : vector<8192xi32> to vector<1x8192xi32>
    %eq3A_125 = vector.broadcast %broadcast_in_dim3A_124 : vector<1x8192xi32> to vector<9x8192xi32>
    %eq3A_126 = arith.cmpi eq, %iota3A, %eq3A_125 : vector<9x8192xi32>
    %convert_element_type3A_127 = arith.extui %eq3A_126 : vector<9x8192xi1> to vector<9x8192xi32>
    %convert_element_type3A_128 = arith.sitofp %convert_element_type3A_127 : vector<9x8192xi32> to vector<9x8192xf32>
    %mul3A_129 = arith.mulf %convert_element_type3A_128, %sub3A_13 : vector<9x8192xf32>
    %reduce_sum3A_130 = arith.constant dense<0.000000e+00> : vector<8192xf32>
    %reduce_sum3A_131 = vector.multi_reduction <add>, %mul3A_129, %reduce_sum3A_130 [0] : vector<9x8192xf32> to vector<8192xf32>
    %broadcast_in_dim3A_132 = vector.shape_cast %reduce_sum3A_131 : vector<8192xf32> to vector<1x8192xf32>
    %mul3A_133 = arith.mulf %convert_element_type3A_128, %sub3A_20 : vector<9x8192xf32>
    %reduce_sum3A_134 = arith.constant dense<0.000000e+00> : vector<8192xf32>
    %reduce_sum3A_135 = vector.multi_reduction <add>, %mul3A_133, %reduce_sum3A_134 [0] : vector<9x8192xf32> to vector<8192xf32>
    %broadcast_in_dim3A_136 = vector.shape_cast %reduce_sum3A_135 : vector<8192xf32> to vector<1x8192xf32>
    %mul3A_137 = arith.mulf %convert_element_type3A_128, %sub3A_27 : vector<9x8192xf32>
    %reduce_sum3A_138 = arith.constant dense<0.000000e+00> : vector<8192xf32>
    %reduce_sum3A_139 = vector.multi_reduction <add>, %mul3A_137, %reduce_sum3A_138 [0] : vector<9x8192xf32> to vector<8192xf32>
    %broadcast_in_dim3A_140 = vector.shape_cast %reduce_sum3A_139 : vector<8192xf32> to vector<1x8192xf32>
    %jit3A_141 = arith.constant 1.000000e+09 : f32
    %broadcast_in_dim3A_142 = vector.broadcast %jit3A_141 : f32 to vector<9x8192xf32>
    %select_n3A_143 = arith.select %eq3A_126, %broadcast_in_dim3A_142, %select_n3A_113 : vector<9x8192xi1>, vector<9x8192xf32>
    %reduce_min3A_144 = arith.constant dense<0x7F800000> : vector<8192xf32>
    %reduce_min3A_145 = vector.multi_reduction <minimumf>, %select_n3A_143, %reduce_min3A_144 [0] : vector<9x8192xf32> to vector<8192xf32>
    %broadcast_in_dim3A_146 = vector.shape_cast %reduce_min3A_145 : vector<8192xf32> to vector<1x8192xf32>
    %eq3A_147 = vector.broadcast %broadcast_in_dim3A_146 : vector<1x8192xf32> to vector<9x8192xf32>
    %eq3A_148 = arith.cmpf oeq, %select_n3A_143, %eq3A_147 : vector<9x8192xf32>
    %jit3A_149 = arith.constant 9 : i32
    %broadcast_in_dim3A_150 = vector.broadcast %jit3A_149 : i32 to vector<9x8192xi32>
    %select_n3A_151 = arith.select %eq3A_148, %iota3A, %broadcast_in_dim3A_150 : vector<9x8192xi1>, vector<9x8192xi32>
    %reduce_min3A_152 = arith.constant dense<2147483647> : vector<8192xi32>
    %reduce_min3A_153 = vector.multi_reduction <minsi>, %select_n3A_151, %reduce_min3A_152 [0] : vector<9x8192xi32> to vector<8192xi32>
    %broadcast_in_dim3A_154 = vector.shape_cast %reduce_min3A_153 : vector<8192xi32> to vector<1x8192xi32>
    %eq3A_155 = vector.broadcast %broadcast_in_dim3A_154 : vector<1x8192xi32> to vector<9x8192xi32>
    %eq3A_156 = arith.cmpi eq, %iota3A, %eq3A_155 : vector<9x8192xi32>
    %convert_element_type3A_157 = arith.extui %eq3A_156 : vector<9x8192xi1> to vector<9x8192xi32>
    %convert_element_type3A_158 = arith.sitofp %convert_element_type3A_157 : vector<9x8192xi32> to vector<9x8192xf32>
    %mul3A_159 = arith.mulf %convert_element_type3A_158, %sub3A_13 : vector<9x8192xf32>
    %reduce_sum3A_160 = arith.constant dense<0.000000e+00> : vector<8192xf32>
    %reduce_sum3A_161 = vector.multi_reduction <add>, %mul3A_159, %reduce_sum3A_160 [0] : vector<9x8192xf32> to vector<8192xf32>
    %broadcast_in_dim3A_162 = vector.shape_cast %reduce_sum3A_161 : vector<8192xf32> to vector<1x8192xf32>
    %mul3A_163 = arith.mulf %convert_element_type3A_158, %sub3A_20 : vector<9x8192xf32>
    %reduce_sum3A_164 = arith.constant dense<0.000000e+00> : vector<8192xf32>
    %reduce_sum3A_165 = vector.multi_reduction <add>, %mul3A_163, %reduce_sum3A_164 [0] : vector<9x8192xf32> to vector<8192xf32>
    %broadcast_in_dim3A_166 = vector.shape_cast %reduce_sum3A_165 : vector<8192xf32> to vector<1x8192xf32>
    %mul3A_167 = arith.mulf %convert_element_type3A_158, %sub3A_27 : vector<9x8192xf32>
    %reduce_sum3A_168 = arith.constant dense<0.000000e+00> : vector<8192xf32>
    %reduce_sum3A_169 = vector.multi_reduction <add>, %mul3A_167, %reduce_sum3A_168 [0] : vector<9x8192xf32> to vector<8192xf32>
    %broadcast_in_dim3A_170 = vector.shape_cast %reduce_sum3A_169 : vector<8192xf32> to vector<1x8192xf32>
    %jit3A_171 = arith.constant 1.000000e+09 : f32
    %broadcast_in_dim3A_172 = vector.broadcast %jit3A_171 : f32 to vector<9x8192xf32>
    %select_n3A_173 = arith.select %eq3A_156, %broadcast_in_dim3A_172, %select_n3A_143 : vector<9x8192xi1>, vector<9x8192xf32>
    %reduce_min3A_174 = arith.constant dense<0x7F800000> : vector<8192xf32>
    %reduce_min3A_175 = vector.multi_reduction <minimumf>, %select_n3A_173, %reduce_min3A_174 [0] : vector<9x8192xf32> to vector<8192xf32>
    %broadcast_in_dim3A_176 = vector.shape_cast %reduce_min3A_175 : vector<8192xf32> to vector<1x8192xf32>
    %eq3A_177 = vector.broadcast %broadcast_in_dim3A_176 : vector<1x8192xf32> to vector<9x8192xf32>
    %eq3A_178 = arith.cmpf oeq, %select_n3A_173, %eq3A_177 : vector<9x8192xf32>
    %jit3A_179 = arith.constant 9 : i32
    %broadcast_in_dim3A_180 = vector.broadcast %jit3A_179 : i32 to vector<9x8192xi32>
    %select_n3A_181 = arith.select %eq3A_178, %iota3A, %broadcast_in_dim3A_180 : vector<9x8192xi1>, vector<9x8192xi32>
    %reduce_min3A_182 = arith.constant dense<2147483647> : vector<8192xi32>
    %reduce_min3A_183 = vector.multi_reduction <minsi>, %select_n3A_181, %reduce_min3A_182 [0] : vector<9x8192xi32> to vector<8192xi32>
    %broadcast_in_dim3A_184 = vector.shape_cast %reduce_min3A_183 : vector<8192xi32> to vector<1x8192xi32>
    %eq3A_185 = vector.broadcast %broadcast_in_dim3A_184 : vector<1x8192xi32> to vector<9x8192xi32>
    %eq3A_186 = arith.cmpi eq, %iota3A, %eq3A_185 : vector<9x8192xi32>
    %convert_element_type3A_187 = arith.extui %eq3A_186 : vector<9x8192xi1> to vector<9x8192xi32>
    %convert_element_type3A_188 = arith.sitofp %convert_element_type3A_187 : vector<9x8192xi32> to vector<9x8192xf32>
    %mul3A_189 = arith.mulf %convert_element_type3A_188, %sub3A_13 : vector<9x8192xf32>
    %reduce_sum3A_190 = arith.constant dense<0.000000e+00> : vector<8192xf32>
    %reduce_sum3A_191 = vector.multi_reduction <add>, %mul3A_189, %reduce_sum3A_190 [0] : vector<9x8192xf32> to vector<8192xf32>
    %broadcast_in_dim3A_192 = vector.shape_cast %reduce_sum3A_191 : vector<8192xf32> to vector<1x8192xf32>
    %mul3A_193 = arith.mulf %convert_element_type3A_188, %sub3A_20 : vector<9x8192xf32>
    %reduce_sum3A_194 = arith.constant dense<0.000000e+00> : vector<8192xf32>
    %reduce_sum3A_195 = vector.multi_reduction <add>, %mul3A_193, %reduce_sum3A_194 [0] : vector<9x8192xf32> to vector<8192xf32>
    %broadcast_in_dim3A_196 = vector.shape_cast %reduce_sum3A_195 : vector<8192xf32> to vector<1x8192xf32>
    %mul3A_197 = arith.mulf %convert_element_type3A_188, %sub3A_27 : vector<9x8192xf32>
    %reduce_sum3A_198 = arith.constant dense<0.000000e+00> : vector<8192xf32>
    %reduce_sum3A_199 = vector.multi_reduction <add>, %mul3A_197, %reduce_sum3A_198 [0] : vector<9x8192xf32> to vector<8192xf32>
    %broadcast_in_dim3A_200 = vector.shape_cast %reduce_sum3A_199 : vector<8192xf32> to vector<1x8192xf32>
    %jit3A_201 = arith.constant 1.000000e+09 : f32
    %broadcast_in_dim3A_202 = vector.broadcast %jit3A_201 : f32 to vector<9x8192xf32>
    %select_n3A_203 = arith.select %eq3A_186, %broadcast_in_dim3A_202, %select_n3A_173 : vector<9x8192xi1>, vector<9x8192xf32>
    %reduce_min3A_204 = arith.constant dense<0x7F800000> : vector<8192xf32>
    %reduce_min3A_205 = vector.multi_reduction <minimumf>, %select_n3A_203, %reduce_min3A_204 [0] : vector<9x8192xf32> to vector<8192xf32>
    %broadcast_in_dim3A_206 = vector.shape_cast %reduce_min3A_205 : vector<8192xf32> to vector<1x8192xf32>
    %eq3A_207 = vector.broadcast %broadcast_in_dim3A_206 : vector<1x8192xf32> to vector<9x8192xf32>
    %eq3A_208 = arith.cmpf oeq, %select_n3A_203, %eq3A_207 : vector<9x8192xf32>
    %jit3A_209 = arith.constant 9 : i32
    %broadcast_in_dim3A_210 = vector.broadcast %jit3A_209 : i32 to vector<9x8192xi32>
    %select_n3A_211 = arith.select %eq3A_208, %iota3A, %broadcast_in_dim3A_210 : vector<9x8192xi1>, vector<9x8192xi32>
    %reduce_min3A_212 = arith.constant dense<2147483647> : vector<8192xi32>
    %reduce_min3A_213 = vector.multi_reduction <minsi>, %select_n3A_211, %reduce_min3A_212 [0] : vector<9x8192xi32> to vector<8192xi32>
    %broadcast_in_dim3A_214 = vector.shape_cast %reduce_min3A_213 : vector<8192xi32> to vector<1x8192xi32>
    %eq3A_215 = vector.broadcast %broadcast_in_dim3A_214 : vector<1x8192xi32> to vector<9x8192xi32>
    %eq3A_216 = arith.cmpi eq, %iota3A, %eq3A_215 : vector<9x8192xi32>
    %convert_element_type3A_217 = arith.extui %eq3A_216 : vector<9x8192xi1> to vector<9x8192xi32>
    %convert_element_type3A_218 = arith.sitofp %convert_element_type3A_217 : vector<9x8192xi32> to vector<9x8192xf32>
    %mul3A_219 = arith.mulf %convert_element_type3A_218, %sub3A_13 : vector<9x8192xf32>
    %reduce_sum3A_220 = arith.constant dense<0.000000e+00> : vector<8192xf32>
    %reduce_sum3A_221 = vector.multi_reduction <add>, %mul3A_219, %reduce_sum3A_220 [0] : vector<9x8192xf32> to vector<8192xf32>
    %broadcast_in_dim3A_222 = vector.shape_cast %reduce_sum3A_221 : vector<8192xf32> to vector<1x8192xf32>
    %mul3A_223 = arith.mulf %convert_element_type3A_218, %sub3A_20 : vector<9x8192xf32>
    %reduce_sum3A_224 = arith.constant dense<0.000000e+00> : vector<8192xf32>
    %reduce_sum3A_225 = vector.multi_reduction <add>, %mul3A_223, %reduce_sum3A_224 [0] : vector<9x8192xf32> to vector<8192xf32>
    %broadcast_in_dim3A_226 = vector.shape_cast %reduce_sum3A_225 : vector<8192xf32> to vector<1x8192xf32>
    %mul3A_227 = arith.mulf %convert_element_type3A_218, %sub3A_27 : vector<9x8192xf32>
    %reduce_sum3A_228 = arith.constant dense<0.000000e+00> : vector<8192xf32>
    %reduce_sum3A_229 = vector.multi_reduction <add>, %mul3A_227, %reduce_sum3A_228 [0] : vector<9x8192xf32> to vector<8192xf32>
    %broadcast_in_dim3A_230 = vector.shape_cast %reduce_sum3A_229 : vector<8192xf32> to vector<1x8192xf32>
    %jit3A_231 = arith.constant 1.000000e+09 : f32
    %broadcast_in_dim3A_232 = vector.broadcast %jit3A_231 : f32 to vector<9x8192xf32>
    %select_n3A_233 = arith.select %eq3A_216, %broadcast_in_dim3A_232, %select_n3A_203 : vector<9x8192xi1>, vector<9x8192xf32>
    %reduce_min3A_234 = arith.constant dense<0x7F800000> : vector<8192xf32>
    %reduce_min3A_235 = vector.multi_reduction <minimumf>, %select_n3A_233, %reduce_min3A_234 [0] : vector<9x8192xf32> to vector<8192xf32>
    %broadcast_in_dim3A_236 = vector.shape_cast %reduce_min3A_235 : vector<8192xf32> to vector<1x8192xf32>
    %eq3A_237 = vector.broadcast %broadcast_in_dim3A_236 : vector<1x8192xf32> to vector<9x8192xf32>
    %eq3A_238 = arith.cmpf oeq, %select_n3A_233, %eq3A_237 : vector<9x8192xf32>
    %jit3A_239 = arith.constant 9 : i32
    %broadcast_in_dim3A_240 = vector.broadcast %jit3A_239 : i32 to vector<9x8192xi32>
    %select_n3A_241 = arith.select %eq3A_238, %iota3A, %broadcast_in_dim3A_240 : vector<9x8192xi1>, vector<9x8192xi32>
    %reduce_min3A_242 = arith.constant dense<2147483647> : vector<8192xi32>
    %reduce_min3A_243 = vector.multi_reduction <minsi>, %select_n3A_241, %reduce_min3A_242 [0] : vector<9x8192xi32> to vector<8192xi32>
    %broadcast_in_dim3A_244 = vector.shape_cast %reduce_min3A_243 : vector<8192xi32> to vector<1x8192xi32>
    %eq3A_245 = vector.broadcast %broadcast_in_dim3A_244 : vector<1x8192xi32> to vector<9x8192xi32>
    %eq3A_246 = arith.cmpi eq, %iota3A, %eq3A_245 : vector<9x8192xi32>
    %convert_element_type3A_247 = arith.extui %eq3A_246 : vector<9x8192xi1> to vector<9x8192xi32>
    %convert_element_type3A_248 = arith.sitofp %convert_element_type3A_247 : vector<9x8192xi32> to vector<9x8192xf32>
    %mul3A_249 = arith.mulf %convert_element_type3A_248, %sub3A_13 : vector<9x8192xf32>
    %reduce_sum3A_250 = arith.constant dense<0.000000e+00> : vector<8192xf32>
    %reduce_sum3A_251 = vector.multi_reduction <add>, %mul3A_249, %reduce_sum3A_250 [0] : vector<9x8192xf32> to vector<8192xf32>
    %broadcast_in_dim3A_252 = vector.shape_cast %reduce_sum3A_251 : vector<8192xf32> to vector<1x8192xf32>
    %mul3A_253 = arith.mulf %convert_element_type3A_248, %sub3A_20 : vector<9x8192xf32>
    %reduce_sum3A_254 = arith.constant dense<0.000000e+00> : vector<8192xf32>
    %reduce_sum3A_255 = vector.multi_reduction <add>, %mul3A_253, %reduce_sum3A_254 [0] : vector<9x8192xf32> to vector<8192xf32>
    %broadcast_in_dim3A_256 = vector.shape_cast %reduce_sum3A_255 : vector<8192xf32> to vector<1x8192xf32>
    %mul3A_257 = arith.mulf %convert_element_type3A_248, %sub3A_27 : vector<9x8192xf32>
    %reduce_sum3A_258 = arith.constant dense<0.000000e+00> : vector<8192xf32>
    %reduce_sum3A_259 = vector.multi_reduction <add>, %mul3A_257, %reduce_sum3A_258 [0] : vector<9x8192xf32> to vector<8192xf32>
    %broadcast_in_dim3A_260 = vector.shape_cast %reduce_sum3A_259 : vector<8192xf32> to vector<1x8192xf32>
    %jit3A_261 = arith.constant 1.000000e+09 : f32
    %broadcast_in_dim3A_262 = vector.broadcast %jit3A_261 : f32 to vector<9x8192xf32>
    %select_n3A_263 = arith.select %eq3A_246, %broadcast_in_dim3A_262, %select_n3A_233 : vector<9x8192xi1>, vector<9x8192xf32>
    %reduce_min3A_264 = arith.constant dense<0x7F800000> : vector<8192xf32>
    %reduce_min3A_265 = vector.multi_reduction <minimumf>, %select_n3A_263, %reduce_min3A_264 [0] : vector<9x8192xf32> to vector<8192xf32>
    %broadcast_in_dim3A_266 = vector.shape_cast %reduce_min3A_265 : vector<8192xf32> to vector<1x8192xf32>
    %eq3A_267 = vector.broadcast %broadcast_in_dim3A_266 : vector<1x8192xf32> to vector<9x8192xf32>
    %eq3A_268 = arith.cmpf oeq, %select_n3A_263, %eq3A_267 : vector<9x8192xf32>
    %jit3A_269 = arith.constant 9 : i32
    %broadcast_in_dim3A_270 = vector.broadcast %jit3A_269 : i32 to vector<9x8192xi32>
    %select_n3A_271 = arith.select %eq3A_268, %iota3A, %broadcast_in_dim3A_270 : vector<9x8192xi1>, vector<9x8192xi32>
    %reduce_min3A_272 = arith.constant dense<2147483647> : vector<8192xi32>
    %reduce_min3A_273 = vector.multi_reduction <minsi>, %select_n3A_271, %reduce_min3A_272 [0] : vector<9x8192xi32> to vector<8192xi32>
    %broadcast_in_dim3A_274 = vector.shape_cast %reduce_min3A_273 : vector<8192xi32> to vector<1x8192xi32>
    %eq3A_275 = vector.broadcast %broadcast_in_dim3A_274 : vector<1x8192xi32> to vector<9x8192xi32>
    %eq3A_276 = arith.cmpi eq, %iota3A, %eq3A_275 : vector<9x8192xi32>
    %convert_element_type3A_277 = arith.extui %eq3A_276 : vector<9x8192xi1> to vector<9x8192xi32>
    %convert_element_type3A_278 = arith.sitofp %convert_element_type3A_277 : vector<9x8192xi32> to vector<9x8192xf32>
    %mul3A_279 = arith.mulf %convert_element_type3A_278, %sub3A_13 : vector<9x8192xf32>
    %reduce_sum3A_280 = arith.constant dense<0.000000e+00> : vector<8192xf32>
    %reduce_sum3A_281 = vector.multi_reduction <add>, %mul3A_279, %reduce_sum3A_280 [0] : vector<9x8192xf32> to vector<8192xf32>
    %broadcast_in_dim3A_282 = vector.shape_cast %reduce_sum3A_281 : vector<8192xf32> to vector<1x8192xf32>
    %mul3A_283 = arith.mulf %convert_element_type3A_278, %sub3A_20 : vector<9x8192xf32>
    %reduce_sum3A_284 = arith.constant dense<0.000000e+00> : vector<8192xf32>
    %reduce_sum3A_285 = vector.multi_reduction <add>, %mul3A_283, %reduce_sum3A_284 [0] : vector<9x8192xf32> to vector<8192xf32>
    %broadcast_in_dim3A_286 = vector.shape_cast %reduce_sum3A_285 : vector<8192xf32> to vector<1x8192xf32>
    %mul3A_287 = arith.mulf %convert_element_type3A_278, %sub3A_27 : vector<9x8192xf32>
    %reduce_sum3A_288 = arith.constant dense<0.000000e+00> : vector<8192xf32>
    %reduce_sum3A_289 = vector.multi_reduction <add>, %mul3A_287, %reduce_sum3A_288 [0] : vector<9x8192xf32> to vector<8192xf32>
    %broadcast_in_dim3A_290 = vector.shape_cast %reduce_sum3A_289 : vector<8192xf32> to vector<1x8192xf32>
    %concatenate3A = tpu.concatenate %broadcast_in_dim3A_42, %broadcast_in_dim3A_72, %broadcast_in_dim3A_102, %broadcast_in_dim3A_132, %broadcast_in_dim3A_162, %broadcast_in_dim3A_192, %broadcast_in_dim3A_222, %broadcast_in_dim3A_252, %broadcast_in_dim3A_282 in 0 : vector<1x8192xf32>, vector<1x8192xf32>, vector<1x8192xf32>, vector<1x8192xf32>, vector<1x8192xf32>, vector<1x8192xf32>, vector<1x8192xf32>, vector<1x8192xf32>, vector<1x8192xf32> -> vector<9x8192xf32>
    %concatenate3A_291 = tpu.concatenate %broadcast_in_dim3A_46, %broadcast_in_dim3A_76, %broadcast_in_dim3A_106, %broadcast_in_dim3A_136, %broadcast_in_dim3A_166, %broadcast_in_dim3A_196, %broadcast_in_dim3A_226, %broadcast_in_dim3A_256, %broadcast_in_dim3A_286 in 0 : vector<1x8192xf32>, vector<1x8192xf32>, vector<1x8192xf32>, vector<1x8192xf32>, vector<1x8192xf32>, vector<1x8192xf32>, vector<1x8192xf32>, vector<1x8192xf32>, vector<1x8192xf32> -> vector<9x8192xf32>
    %concatenate3A_292 = tpu.concatenate %broadcast_in_dim3A_50, %broadcast_in_dim3A_80, %broadcast_in_dim3A_110, %broadcast_in_dim3A_140, %broadcast_in_dim3A_170, %broadcast_in_dim3A_200, %broadcast_in_dim3A_230, %broadcast_in_dim3A_260, %broadcast_in_dim3A_290 in 0 : vector<1x8192xf32>, vector<1x8192xf32>, vector<1x8192xf32>, vector<1x8192xf32>, vector<1x8192xf32>, vector<1x8192xf32>, vector<1x8192xf32>, vector<1x8192xf32>, vector<1x8192xf32> -> vector<9x8192xf32>
    %slice3A = vector.extract_strided_slice %concatenate3A {offsets = [1, 0], sizes = [8, 8192], strides = [1, 1]} : vector<9x8192xf32> to vector<8x8192xf32>
    %slice3A_293 = vector.extract_strided_slice %concatenate3A {offsets = [0, 0], sizes = [1, 8192], strides = [1, 1]} : vector<9x8192xf32> to vector<1x8192xf32>
    %concatenate3A_294 = tpu.concatenate %slice3A, %slice3A_293 in 0 : vector<8x8192xf32>, vector<1x8192xf32> -> vector<9x8192xf32>
    %slice3A_295 = vector.extract_strided_slice %concatenate3A_291 {offsets = [1, 0], sizes = [8, 8192], strides = [1, 1]} : vector<9x8192xf32> to vector<8x8192xf32>
    %slice3A_296 = vector.extract_strided_slice %concatenate3A_291 {offsets = [0, 0], sizes = [1, 8192], strides = [1, 1]} : vector<9x8192xf32> to vector<1x8192xf32>
    %concatenate3A_297 = tpu.concatenate %slice3A_295, %slice3A_296 in 0 : vector<8x8192xf32>, vector<1x8192xf32> -> vector<9x8192xf32>
    %slice3A_298 = vector.extract_strided_slice %concatenate3A_292 {offsets = [1, 0], sizes = [8, 8192], strides = [1, 1]} : vector<9x8192xf32> to vector<8x8192xf32>
    %slice3A_299 = vector.extract_strided_slice %concatenate3A_292 {offsets = [0, 0], sizes = [1, 8192], strides = [1, 1]} : vector<9x8192xf32> to vector<1x8192xf32>
    %concatenate3A_300 = tpu.concatenate %slice3A_298, %slice3A_299 in 0 : vector<8x8192xf32>, vector<1x8192xf32> -> vector<9x8192xf32>
    %add3A_301 = arith.addf %concatenate3A, %concatenate3A_294 : vector<9x8192xf32>
    %mul3A_302 = arith.constant 5.000000e-01 : f32
    %mul3A_303 = vector.broadcast %mul3A_302 : f32 to vector<9x8192xf32>
    %mul3A_304 = arith.mulf %add3A_301, %mul3A_303 : vector<9x8192xf32>
    %add3A_305 = arith.addf %concatenate3A_291, %concatenate3A_297 : vector<9x8192xf32>
    %mul3A_306 = arith.constant 5.000000e-01 : f32
    %mul3A_307 = vector.broadcast %mul3A_306 : f32 to vector<9x8192xf32>
    %mul3A_308 = arith.mulf %add3A_305, %mul3A_307 : vector<9x8192xf32>
    %add3A_309 = arith.addf %concatenate3A_292, %concatenate3A_300 : vector<9x8192xf32>
    %mul3A_310 = arith.constant 5.000000e-01 : f32
    %mul3A_311 = vector.broadcast %mul3A_310 : f32 to vector<9x8192xf32>
    %mul3A_312 = arith.mulf %add3A_309, %mul3A_311 : vector<9x8192xf32>
    %mul3A_313 = arith.mulf %concatenate3A_291, %concatenate3A_300 : vector<9x8192xf32>
    %mul3A_314 = arith.mulf %concatenate3A_292, %concatenate3A_297 : vector<9x8192xf32>
    %sub3A_315 = arith.subf %mul3A_313, %mul3A_314 : vector<9x8192xf32>
    %add3A_316 = arith.constant 9.99999974E-6 : f32
    %add3A_317 = vector.broadcast %add3A_316 : f32 to vector<9x8192xf32>
    %add3A_318 = arith.addf %sub3A_315, %add3A_317 : vector<9x8192xf32>
    %mul3A_319 = arith.mulf %concatenate3A_292, %concatenate3A_294 : vector<9x8192xf32>
    %mul3A_320 = arith.mulf %concatenate3A, %concatenate3A_300 : vector<9x8192xf32>
    %sub3A_321 = arith.subf %mul3A_319, %mul3A_320 : vector<9x8192xf32>
    %add3A_322 = arith.constant 9.99999974E-6 : f32
    %add3A_323 = vector.broadcast %add3A_322 : f32 to vector<9x8192xf32>
    %add3A_324 = arith.addf %sub3A_321, %add3A_323 : vector<9x8192xf32>
    %mul3A_325 = arith.mulf %concatenate3A, %concatenate3A_297 : vector<9x8192xf32>
    %mul3A_326 = arith.mulf %concatenate3A_291, %concatenate3A_294 : vector<9x8192xf32>
    %sub3A_327 = arith.subf %mul3A_325, %mul3A_326 : vector<9x8192xf32>
    %add3A_328 = arith.constant 9.99999974E-6 : f32
    %add3A_329 = vector.broadcast %add3A_328 : f32 to vector<9x8192xf32>
    %add3A_330 = arith.addf %sub3A_327, %add3A_329 : vector<9x8192xf32>
    %mul3A_331 = arith.mulf %add3A_318, %add3A_318 : vector<9x8192xf32>
    %mul3A_332 = arith.mulf %add3A_324, %add3A_324 : vector<9x8192xf32>
    %add3A_333 = arith.addf %mul3A_331, %mul3A_332 : vector<9x8192xf32>
    %mul3A_334 = arith.mulf %add3A_330, %add3A_330 : vector<9x8192xf32>
    %add3A_335 = arith.addf %add3A_333, %mul3A_334 : vector<9x8192xf32>
    %sqrt3A = math.sqrt %add3A_335 : vector<9x8192xf32>
    %div3A_336 = arith.divf %add3A_318, %sqrt3A : vector<9x8192xf32>
    %div3A_337 = arith.divf %add3A_324, %sqrt3A : vector<9x8192xf32>
    %div3A_338 = arith.divf %add3A_330, %sqrt3A : vector<9x8192xf32>
    %slice3A_339 = vector.extract_strided_slice %div3A_336 {offsets = [0, 0], sizes = [1, 8192], strides = [1, 1]} : vector<9x8192xf32> to vector<1x8192xf32>
    %gt3A = arith.constant 0.000000e+00 : f32
    %gt3A_340 = vector.broadcast %gt3A : f32 to vector<1x8192xf32>
    %gt3A_341 = arith.cmpf ogt, %slice3A_339, %gt3A_340 : vector<1x8192xf32>
    %jit3A_342 = arith.constant 1.000000e+00 : f32
    %jit3A_343 = arith.constant -1.000000e+00 : f32
    %broadcast_in_dim3A_344 = vector.broadcast %jit3A_342 : f32 to vector<1x8192xf32>
    %broadcast_in_dim3A_345 = vector.broadcast %jit3A_343 : f32 to vector<1x8192xf32>
    %select_n3A_346 = arith.select %gt3A_341, %broadcast_in_dim3A_344, %broadcast_in_dim3A_345 : vector<1x8192xi1>, vector<1x8192xf32>
    %mul3A_347 = vector.broadcast %select_n3A_346 : vector<1x8192xf32> to vector<9x8192xf32>
    %mul3A_348 = arith.mulf %div3A_336, %mul3A_347 : vector<9x8192xf32>
    %mul3A_349 = vector.broadcast %select_n3A_346 : vector<1x8192xf32> to vector<9x8192xf32>
    %mul3A_350 = arith.mulf %div3A_337, %mul3A_349 : vector<9x8192xf32>
    %mul3A_351 = vector.broadcast %select_n3A_346 : vector<1x8192xf32> to vector<9x8192xf32>
    %mul3A_352 = arith.mulf %div3A_338, %mul3A_351 : vector<9x8192xf32>
    %mul3A_353 = arith.mulf %mul3A_304, %mul3A_348 : vector<9x8192xf32>
    %mul3A_354 = arith.mulf %mul3A_308, %mul3A_350 : vector<9x8192xf32>
    %add3A_355 = arith.addf %mul3A_353, %mul3A_354 : vector<9x8192xf32>
    %mul3A_356 = arith.mulf %mul3A_312, %mul3A_352 : vector<9x8192xf32>
    %add3A_357 = arith.addf %add3A_355, %mul3A_356 : vector<9x8192xf32>
    %div3A_358 = arith.constant 1.73205078 : f32
    %div3A_359 = vector.broadcast %div3A_358 : f32 to vector<9x8192xf32>
    %div3A_360 = arith.divf %add3A_357, %div3A_359 : vector<9x8192xf32>
    %get3A_361 = arith.constant 0 : index
    %get3A_362 = arith.constant 0 : index
    %get3A_363 = memref.load %arg2[%get3A_361, %get3A_362] : memref<1x49xf32, #tpu.memory_space<smem>>
    %mul3A_364 = vector.broadcast %get3A_363 : f32 to vector<9x8192xf32>
    %mul3A_365 = arith.mulf %mul3A_304, %mul3A_364 : vector<9x8192xf32>
    %get3A_366 = arith.constant 0 : index
    %get3A_367 = arith.constant 1 : index
    %get3A_368 = memref.load %arg2[%get3A_366, %get3A_367] : memref<1x49xf32, #tpu.memory_space<smem>>
    %mul3A_369 = vector.broadcast %get3A_368 : f32 to vector<9x8192xf32>
    %mul3A_370 = arith.mulf %mul3A_308, %mul3A_369 : vector<9x8192xf32>
    %add3A_371 = arith.addf %mul3A_365, %mul3A_370 : vector<9x8192xf32>
    %get3A_372 = arith.constant 0 : index
    %get3A_373 = arith.constant 2 : index
    %get3A_374 = memref.load %arg2[%get3A_372, %get3A_373] : memref<1x49xf32, #tpu.memory_space<smem>>
    %mul3A_375 = vector.broadcast %get3A_374 : f32 to vector<9x8192xf32>
    %mul3A_376 = arith.mulf %mul3A_312, %mul3A_375 : vector<9x8192xf32>
    %add3A_377 = arith.addf %add3A_371, %mul3A_376 : vector<9x8192xf32>
    %get3A_378 = arith.constant 0 : index
    %get3A_379 = arith.constant 3 : index
    %get3A_380 = memref.load %arg2[%get3A_378, %get3A_379] : memref<1x49xf32, #tpu.memory_space<smem>>
    %mul3A_381 = vector.broadcast %get3A_380 : f32 to vector<9x8192xf32>
    %mul3A_382 = arith.mulf %mul3A_348, %mul3A_381 : vector<9x8192xf32>
    %add3A_383 = arith.addf %add3A_377, %mul3A_382 : vector<9x8192xf32>
    %get3A_384 = arith.constant 0 : index
    %get3A_385 = arith.constant 4 : index
    %get3A_386 = memref.load %arg2[%get3A_384, %get3A_385] : memref<1x49xf32, #tpu.memory_space<smem>>
    %mul3A_387 = vector.broadcast %get3A_386 : f32 to vector<9x8192xf32>
    %mul3A_388 = arith.mulf %mul3A_350, %mul3A_387 : vector<9x8192xf32>
    %add3A_389 = arith.addf %add3A_383, %mul3A_388 : vector<9x8192xf32>
    %get3A_390 = arith.constant 0 : index
    %get3A_391 = arith.constant 5 : index
    %get3A_392 = memref.load %arg2[%get3A_390, %get3A_391] : memref<1x49xf32, #tpu.memory_space<smem>>
    %mul3A_393 = vector.broadcast %get3A_392 : f32 to vector<9x8192xf32>
    %mul3A_394 = arith.mulf %mul3A_352, %mul3A_393 : vector<9x8192xf32>
    %add3A_395 = arith.addf %add3A_389, %mul3A_394 : vector<9x8192xf32>
    %get3A_396 = arith.constant 0 : index
    %get3A_397 = arith.constant 6 : index
    %get3A_398 = memref.load %arg2[%get3A_396, %get3A_397] : memref<1x49xf32, #tpu.memory_space<smem>>
    %mul3A_399 = vector.broadcast %get3A_398 : f32 to vector<9x8192xf32>
    %mul3A_400 = arith.mulf %div3A_360, %mul3A_399 : vector<9x8192xf32>
    %add3A_401 = arith.addf %add3A_395, %mul3A_400 : vector<9x8192xf32>
    %get3A_402 = arith.constant 0 : index
    %get3A_403 = arith.constant 7 : index
    %get3A_404 = memref.load %arg2[%get3A_402, %get3A_403] : memref<1x49xf32, #tpu.memory_space<smem>>
    %mul3A_405 = vector.broadcast %get3A_404 : f32 to vector<9x8192xf32>
    %mul3A_406 = arith.mulf %mul3A_304, %mul3A_405 : vector<9x8192xf32>
    %get3A_407 = arith.constant 0 : index
    %get3A_408 = arith.constant 8 : index
    %get3A_409 = memref.load %arg2[%get3A_407, %get3A_408] : memref<1x49xf32, #tpu.memory_space<smem>>
    %mul3A_410 = vector.broadcast %get3A_409 : f32 to vector<9x8192xf32>
    %mul3A_411 = arith.mulf %mul3A_308, %mul3A_410 : vector<9x8192xf32>
    %add3A_412 = arith.addf %mul3A_406, %mul3A_411 : vector<9x8192xf32>
    %get3A_413 = arith.constant 0 : index
    %get3A_414 = arith.constant 9 : index
    %get3A_415 = memref.load %arg2[%get3A_413, %get3A_414] : memref<1x49xf32, #tpu.memory_space<smem>>
    %mul3A_416 = vector.broadcast %get3A_415 : f32 to vector<9x8192xf32>
    %mul3A_417 = arith.mulf %mul3A_312, %mul3A_416 : vector<9x8192xf32>
    %add3A_418 = arith.addf %add3A_412, %mul3A_417 : vector<9x8192xf32>
    %get3A_419 = arith.constant 0 : index
    %get3A_420 = arith.constant 10 : index
    %get3A_421 = memref.load %arg2[%get3A_419, %get3A_420] : memref<1x49xf32, #tpu.memory_space<smem>>
    %mul3A_422 = vector.broadcast %get3A_421 : f32 to vector<9x8192xf32>
    %mul3A_423 = arith.mulf %mul3A_348, %mul3A_422 : vector<9x8192xf32>
    %add3A_424 = arith.addf %add3A_418, %mul3A_423 : vector<9x8192xf32>
    %get3A_425 = arith.constant 0 : index
    %get3A_426 = arith.constant 11 : index
    %get3A_427 = memref.load %arg2[%get3A_425, %get3A_426] : memref<1x49xf32, #tpu.memory_space<smem>>
    %mul3A_428 = vector.broadcast %get3A_427 : f32 to vector<9x8192xf32>
    %mul3A_429 = arith.mulf %mul3A_350, %mul3A_428 : vector<9x8192xf32>
    %add3A_430 = arith.addf %add3A_424, %mul3A_429 : vector<9x8192xf32>
    %get3A_431 = arith.constant 0 : index
    %get3A_432 = arith.constant 12 : index
    %get3A_433 = memref.load %arg2[%get3A_431, %get3A_432] : memref<1x49xf32, #tpu.memory_space<smem>>
    %mul3A_434 = vector.broadcast %get3A_433 : f32 to vector<9x8192xf32>
    %mul3A_435 = arith.mulf %mul3A_352, %mul3A_434 : vector<9x8192xf32>
    %add3A_436 = arith.addf %add3A_430, %mul3A_435 : vector<9x8192xf32>
    %get3A_437 = arith.constant 0 : index
    %get3A_438 = arith.constant 13 : index
    %get3A_439 = memref.load %arg2[%get3A_437, %get3A_438] : memref<1x49xf32, #tpu.memory_space<smem>>
    %mul3A_440 = vector.broadcast %get3A_439 : f32 to vector<9x8192xf32>
    %mul3A_441 = arith.mulf %div3A_360, %mul3A_440 : vector<9x8192xf32>
    %add3A_442 = arith.addf %add3A_436, %mul3A_441 : vector<9x8192xf32>
    %get3A_443 = arith.constant 0 : index
    %get3A_444 = arith.constant 14 : index
    %get3A_445 = memref.load %arg2[%get3A_443, %get3A_444] : memref<1x49xf32, #tpu.memory_space<smem>>
    %mul3A_446 = vector.broadcast %get3A_445 : f32 to vector<9x8192xf32>
    %mul3A_447 = arith.mulf %mul3A_304, %mul3A_446 : vector<9x8192xf32>
    %get3A_448 = arith.constant 0 : index
    %get3A_449 = arith.constant 15 : index
    %get3A_450 = memref.load %arg2[%get3A_448, %get3A_449] : memref<1x49xf32, #tpu.memory_space<smem>>
    %mul3A_451 = vector.broadcast %get3A_450 : f32 to vector<9x8192xf32>
    %mul3A_452 = arith.mulf %mul3A_308, %mul3A_451 : vector<9x8192xf32>
    %add3A_453 = arith.addf %mul3A_447, %mul3A_452 : vector<9x8192xf32>
    %get3A_454 = arith.constant 0 : index
    %get3A_455 = arith.constant 16 : index
    %get3A_456 = memref.load %arg2[%get3A_454, %get3A_455] : memref<1x49xf32, #tpu.memory_space<smem>>
    %mul3A_457 = vector.broadcast %get3A_456 : f32 to vector<9x8192xf32>
    %mul3A_458 = arith.mulf %mul3A_312, %mul3A_457 : vector<9x8192xf32>
    %add3A_459 = arith.addf %add3A_453, %mul3A_458 : vector<9x8192xf32>
    %get3A_460 = arith.constant 0 : index
    %get3A_461 = arith.constant 17 : index
    %get3A_462 = memref.load %arg2[%get3A_460, %get3A_461] : memref<1x49xf32, #tpu.memory_space<smem>>
    %mul3A_463 = vector.broadcast %get3A_462 : f32 to vector<9x8192xf32>
    %mul3A_464 = arith.mulf %mul3A_348, %mul3A_463 : vector<9x8192xf32>
    %add3A_465 = arith.addf %add3A_459, %mul3A_464 : vector<9x8192xf32>
    %get3A_466 = arith.constant 0 : index
    %get3A_467 = arith.constant 18 : index
    %get3A_468 = memref.load %arg2[%get3A_466, %get3A_467] : memref<1x49xf32, #tpu.memory_space<smem>>
    %mul3A_469 = vector.broadcast %get3A_468 : f32 to vector<9x8192xf32>
    %mul3A_470 = arith.mulf %mul3A_350, %mul3A_469 : vector<9x8192xf32>
    %add3A_471 = arith.addf %add3A_465, %mul3A_470 : vector<9x8192xf32>
    %get3A_472 = arith.constant 0 : index
    %get3A_473 = arith.constant 19 : index
    %get3A_474 = memref.load %arg2[%get3A_472, %get3A_473] : memref<1x49xf32, #tpu.memory_space<smem>>
    %mul3A_475 = vector.broadcast %get3A_474 : f32 to vector<9x8192xf32>
    %mul3A_476 = arith.mulf %mul3A_352, %mul3A_475 : vector<9x8192xf32>
    %add3A_477 = arith.addf %add3A_471, %mul3A_476 : vector<9x8192xf32>
    %get3A_478 = arith.constant 0 : index
    %get3A_479 = arith.constant 20 : index
    %get3A_480 = memref.load %arg2[%get3A_478, %get3A_479] : memref<1x49xf32, #tpu.memory_space<smem>>
    %mul3A_481 = vector.broadcast %get3A_480 : f32 to vector<9x8192xf32>
    %mul3A_482 = arith.mulf %div3A_360, %mul3A_481 : vector<9x8192xf32>
    %add3A_483 = arith.addf %add3A_477, %mul3A_482 : vector<9x8192xf32>
    %get3A_484 = arith.constant 0 : index
    %get3A_485 = arith.constant 21 : index
    %get3A_486 = memref.load %arg2[%get3A_484, %get3A_485] : memref<1x49xf32, #tpu.memory_space<smem>>
    %mul3A_487 = vector.broadcast %get3A_486 : f32 to vector<9x8192xf32>
    %mul3A_488 = arith.mulf %mul3A_304, %mul3A_487 : vector<9x8192xf32>
    %get3A_489 = arith.constant 0 : index
    %get3A_490 = arith.constant 22 : index
    %get3A_491 = memref.load %arg2[%get3A_489, %get3A_490] : memref<1x49xf32, #tpu.memory_space<smem>>
    %mul3A_492 = vector.broadcast %get3A_491 : f32 to vector<9x8192xf32>
    %mul3A_493 = arith.mulf %mul3A_308, %mul3A_492 : vector<9x8192xf32>
    %add3A_494 = arith.addf %mul3A_488, %mul3A_493 : vector<9x8192xf32>
    %get3A_495 = arith.constant 0 : index
    %get3A_496 = arith.constant 23 : index
    %get3A_497 = memref.load %arg2[%get3A_495, %get3A_496] : memref<1x49xf32, #tpu.memory_space<smem>>
    %mul3A_498 = vector.broadcast %get3A_497 : f32 to vector<9x8192xf32>
    %mul3A_499 = arith.mulf %mul3A_312, %mul3A_498 : vector<9x8192xf32>
    %add3A_500 = arith.addf %add3A_494, %mul3A_499 : vector<9x8192xf32>
    %get3A_501 = arith.constant 0 : index
    %get3A_502 = arith.constant 24 : index
    %get3A_503 = memref.load %arg2[%get3A_501, %get3A_502] : memref<1x49xf32, #tpu.memory_space<smem>>
    %mul3A_504 = vector.broadcast %get3A_503 : f32 to vector<9x8192xf32>
    %mul3A_505 = arith.mulf %mul3A_348, %mul3A_504 : vector<9x8192xf32>
    %add3A_506 = arith.addf %add3A_500, %mul3A_505 : vector<9x8192xf32>
    %get3A_507 = arith.constant 0 : index
    %get3A_508 = arith.constant 25 : index
    %get3A_509 = memref.load %arg2[%get3A_507, %get3A_508] : memref<1x49xf32, #tpu.memory_space<smem>>
    %mul3A_510 = vector.broadcast %get3A_509 : f32 to vector<9x8192xf32>
    %mul3A_511 = arith.mulf %mul3A_350, %mul3A_510 : vector<9x8192xf32>
    %add3A_512 = arith.addf %add3A_506, %mul3A_511 : vector<9x8192xf32>
    %get3A_513 = arith.constant 0 : index
    %get3A_514 = arith.constant 26 : index
    %get3A_515 = memref.load %arg2[%get3A_513, %get3A_514] : memref<1x49xf32, #tpu.memory_space<smem>>
    %mul3A_516 = vector.broadcast %get3A_515 : f32 to vector<9x8192xf32>
    %mul3A_517 = arith.mulf %mul3A_352, %mul3A_516 : vector<9x8192xf32>
    %add3A_518 = arith.addf %add3A_512, %mul3A_517 : vector<9x8192xf32>
    %get3A_519 = arith.constant 0 : index
    %get3A_520 = arith.constant 27 : index
    %get3A_521 = memref.load %arg2[%get3A_519, %get3A_520] : memref<1x49xf32, #tpu.memory_space<smem>>
    %mul3A_522 = vector.broadcast %get3A_521 : f32 to vector<9x8192xf32>
    %mul3A_523 = arith.mulf %div3A_360, %mul3A_522 : vector<9x8192xf32>
    %add3A_524 = arith.addf %add3A_518, %mul3A_523 : vector<9x8192xf32>
    %get3A_525 = arith.constant 0 : index
    %get3A_526 = arith.constant 28 : index
    %get3A_527 = memref.load %arg2[%get3A_525, %get3A_526] : memref<1x49xf32, #tpu.memory_space<smem>>
    %mul3A_528 = vector.broadcast %get3A_527 : f32 to vector<9x8192xf32>
    %mul3A_529 = arith.mulf %mul3A_304, %mul3A_528 : vector<9x8192xf32>
    %get3A_530 = arith.constant 0 : index
    %get3A_531 = arith.constant 29 : index
    %get3A_532 = memref.load %arg2[%get3A_530, %get3A_531] : memref<1x49xf32, #tpu.memory_space<smem>>
    %mul3A_533 = vector.broadcast %get3A_532 : f32 to vector<9x8192xf32>
    %mul3A_534 = arith.mulf %mul3A_308, %mul3A_533 : vector<9x8192xf32>
    %add3A_535 = arith.addf %mul3A_529, %mul3A_534 : vector<9x8192xf32>
    %get3A_536 = arith.constant 0 : index
    %get3A_537 = arith.constant 30 : index
    %get3A_538 = memref.load %arg2[%get3A_536, %get3A_537] : memref<1x49xf32, #tpu.memory_space<smem>>
    %mul3A_539 = vector.broadcast %get3A_538 : f32 to vector<9x8192xf32>
    %mul3A_540 = arith.mulf %mul3A_312, %mul3A_539 : vector<9x8192xf32>
    %add3A_541 = arith.addf %add3A_535, %mul3A_540 : vector<9x8192xf32>
    %get3A_542 = arith.constant 0 : index
    %get3A_543 = arith.constant 31 : index
    %get3A_544 = memref.load %arg2[%get3A_542, %get3A_543] : memref<1x49xf32, #tpu.memory_space<smem>>
    %mul3A_545 = vector.broadcast %get3A_544 : f32 to vector<9x8192xf32>
    %mul3A_546 = arith.mulf %mul3A_348, %mul3A_545 : vector<9x8192xf32>
    %add3A_547 = arith.addf %add3A_541, %mul3A_546 : vector<9x8192xf32>
    %get3A_548 = arith.constant 0 : index
    %get3A_549 = arith.constant 32 : index
    %get3A_550 = memref.load %arg2[%get3A_548, %get3A_549] : memref<1x49xf32, #tpu.memory_space<smem>>
    %mul3A_551 = vector.broadcast %get3A_550 : f32 to vector<9x8192xf32>
    %mul3A_552 = arith.mulf %mul3A_350, %mul3A_551 : vector<9x8192xf32>
    %add3A_553 = arith.addf %add3A_547, %mul3A_552 : vector<9x8192xf32>
    %get3A_554 = arith.constant 0 : index
    %get3A_555 = arith.constant 33 : index
    %get3A_556 = memref.load %arg2[%get3A_554, %get3A_555] : memref<1x49xf32, #tpu.memory_space<smem>>
    %mul3A_557 = vector.broadcast %get3A_556 : f32 to vector<9x8192xf32>
    %mul3A_558 = arith.mulf %mul3A_352, %mul3A_557 : vector<9x8192xf32>
    %add3A_559 = arith.addf %add3A_553, %mul3A_558 : vector<9x8192xf32>
    %get3A_560 = arith.constant 0 : index
    %get3A_561 = arith.constant 34 : index
    %get3A_562 = memref.load %arg2[%get3A_560, %get3A_561] : memref<1x49xf32, #tpu.memory_space<smem>>
    %mul3A_563 = vector.broadcast %get3A_562 : f32 to vector<9x8192xf32>
    %mul3A_564 = arith.mulf %div3A_360, %mul3A_563 : vector<9x8192xf32>
    %add3A_565 = arith.addf %add3A_559, %mul3A_564 : vector<9x8192xf32>
    %get3A_566 = arith.constant 0 : index
    %get3A_567 = arith.constant 35 : index
    %get3A_568 = memref.load %arg2[%get3A_566, %get3A_567] : memref<1x49xf32, #tpu.memory_space<smem>>
    %mul3A_569 = vector.broadcast %get3A_568 : f32 to vector<9x8192xf32>
    %mul3A_570 = arith.mulf %mul3A_304, %mul3A_569 : vector<9x8192xf32>
    %get3A_571 = arith.constant 0 : index
    %get3A_572 = arith.constant 36 : index
    %get3A_573 = memref.load %arg2[%get3A_571, %get3A_572] : memref<1x49xf32, #tpu.memory_space<smem>>
    %mul3A_574 = vector.broadcast %get3A_573 : f32 to vector<9x8192xf32>
    %mul3A_575 = arith.mulf %mul3A_308, %mul3A_574 : vector<9x8192xf32>
    %add3A_576 = arith.addf %mul3A_570, %mul3A_575 : vector<9x8192xf32>
    %get3A_577 = arith.constant 0 : index
    %get3A_578 = arith.constant 37 : index
    %get3A_579 = memref.load %arg2[%get3A_577, %get3A_578] : memref<1x49xf32, #tpu.memory_space<smem>>
    %mul3A_580 = vector.broadcast %get3A_579 : f32 to vector<9x8192xf32>
    %mul3A_581 = arith.mulf %mul3A_312, %mul3A_580 : vector<9x8192xf32>
    %add3A_582 = arith.addf %add3A_576, %mul3A_581 : vector<9x8192xf32>
    %get3A_583 = arith.constant 0 : index
    %get3A_584 = arith.constant 38 : index
    %get3A_585 = memref.load %arg2[%get3A_583, %get3A_584] : memref<1x49xf32, #tpu.memory_space<smem>>
    %mul3A_586 = vector.broadcast %get3A_585 : f32 to vector<9x8192xf32>
    %mul3A_587 = arith.mulf %mul3A_348, %mul3A_586 : vector<9x8192xf32>
    %add3A_588 = arith.addf %add3A_582, %mul3A_587 : vector<9x8192xf32>
    %get3A_589 = arith.constant 0 : index
    %get3A_590 = arith.constant 39 : index
    %get3A_591 = memref.load %arg2[%get3A_589, %get3A_590] : memref<1x49xf32, #tpu.memory_space<smem>>
    %mul3A_592 = vector.broadcast %get3A_591 : f32 to vector<9x8192xf32>
    %mul3A_593 = arith.mulf %mul3A_350, %mul3A_592 : vector<9x8192xf32>
    %add3A_594 = arith.addf %add3A_588, %mul3A_593 : vector<9x8192xf32>
    %get3A_595 = arith.constant 0 : index
    %get3A_596 = arith.constant 40 : index
    %get3A_597 = memref.load %arg2[%get3A_595, %get3A_596] : memref<1x49xf32, #tpu.memory_space<smem>>
    %mul3A_598 = vector.broadcast %get3A_597 : f32 to vector<9x8192xf32>
    %mul3A_599 = arith.mulf %mul3A_352, %mul3A_598 : vector<9x8192xf32>
    %add3A_600 = arith.addf %add3A_594, %mul3A_599 : vector<9x8192xf32>
    %get3A_601 = arith.constant 0 : index
    %get3A_602 = arith.constant 41 : index
    %get3A_603 = memref.load %arg2[%get3A_601, %get3A_602] : memref<1x49xf32, #tpu.memory_space<smem>>
    %mul3A_604 = vector.broadcast %get3A_603 : f32 to vector<9x8192xf32>
    %mul3A_605 = arith.mulf %div3A_360, %mul3A_604 : vector<9x8192xf32>
    %add3A_606 = arith.addf %add3A_600, %mul3A_605 : vector<9x8192xf32>
    %get3A_607 = arith.constant 0 : index
    %get3A_608 = arith.constant 42 : index
    %get3A_609 = memref.load %arg2[%get3A_607, %get3A_608] : memref<1x49xf32, #tpu.memory_space<smem>>
    %mul3A_610 = vector.broadcast %get3A_609 : f32 to vector<9x8192xf32>
    %mul3A_611 = arith.mulf %mul3A_304, %mul3A_610 : vector<9x8192xf32>
    %get3A_612 = arith.constant 0 : index
    %get3A_613 = arith.constant 43 : index
    %get3A_614 = memref.load %arg2[%get3A_612, %get3A_613] : memref<1x49xf32, #tpu.memory_space<smem>>
    %mul3A_615 = vector.broadcast %get3A_614 : f32 to vector<9x8192xf32>
    %mul3A_616 = arith.mulf %mul3A_308, %mul3A_615 : vector<9x8192xf32>
    %add3A_617 = arith.addf %mul3A_611, %mul3A_616 : vector<9x8192xf32>
    %get3A_618 = arith.constant 0 : index
    %get3A_619 = arith.constant 44 : index
    %get3A_620 = memref.load %arg2[%get3A_618, %get3A_619] : memref<1x49xf32, #tpu.memory_space<smem>>
    %mul3A_621 = vector.broadcast %get3A_620 : f32 to vector<9x8192xf32>
    %mul3A_622 = arith.mulf %mul3A_312, %mul3A_621 : vector<9x8192xf32>
    %add3A_623 = arith.addf %add3A_617, %mul3A_622 : vector<9x8192xf32>
    %get3A_624 = arith.constant 0 : index
    %get3A_625 = arith.constant 45 : index
    %get3A_626 = memref.load %arg2[%get3A_624, %get3A_625] : memref<1x49xf32, #tpu.memory_space<smem>>
    %mul3A_627 = vector.broadcast %get3A_626 : f32 to vector<9x8192xf32>
    %mul3A_628 = arith.mulf %mul3A_348, %mul3A_627 : vector<9x8192xf32>
    %add3A_629 = arith.addf %add3A_623, %mul3A_628 : vector<9x8192xf32>
    %get3A_630 = arith.constant 0 : index
    %get3A_631 = arith.constant 46 : index
    %get3A_632 = memref.load %arg2[%get3A_630, %get3A_631] : memref<1x49xf32, #tpu.memory_space<smem>>
    %mul3A_633 = vector.broadcast %get3A_632 : f32 to vector<9x8192xf32>
    %mul3A_634 = arith.mulf %mul3A_350, %mul3A_633 : vector<9x8192xf32>
    %add3A_635 = arith.addf %add3A_629, %mul3A_634 : vector<9x8192xf32>
    %get3A_636 = arith.constant 0 : index
    %get3A_637 = arith.constant 47 : index
    %get3A_638 = memref.load %arg2[%get3A_636, %get3A_637] : memref<1x49xf32, #tpu.memory_space<smem>>
    %mul3A_639 = vector.broadcast %get3A_638 : f32 to vector<9x8192xf32>
    %mul3A_640 = arith.mulf %mul3A_352, %mul3A_639 : vector<9x8192xf32>
    %add3A_641 = arith.addf %add3A_635, %mul3A_640 : vector<9x8192xf32>
    %get3A_642 = arith.constant 0 : index
    %get3A_643 = arith.constant 48 : index
    %get3A_644 = memref.load %arg2[%get3A_642, %get3A_643] : memref<1x49xf32, #tpu.memory_space<smem>>
    %mul3A_645 = vector.broadcast %get3A_644 : f32 to vector<9x8192xf32>
    %mul3A_646 = arith.mulf %div3A_360, %mul3A_645 : vector<9x8192xf32>
    %add3A_647 = arith.addf %add3A_641, %mul3A_646 : vector<9x8192xf32>
    %reduce_sum3A_648 = vector.shape_cast %add3A_401 : vector<9x8192xf32> to vector<1x9x8192xf32>
    %reduce_sum3A_649 = arith.constant dense<0.000000e+00> : vector<1xf32>
    %reduce_sum3A_650 = vector.multi_reduction <add>, %reduce_sum3A_648, %reduce_sum3A_649 [1, 2] : vector<1x9x8192xf32> to vector<1xf32>
    %reduce_sum3A_651 = vector.shape_cast %reduce_sum3A_650 : vector<1xf32> to vector<1x1x1xf32>
    %reduce_sum3A_652 = vector.extract %reduce_sum3A_651[0, 0, 0] : f32 from vector<1x1x1xf32>
    %div3A_653 = arith.constant 7.372800e+04 : f32
    %div3A_654 = arith.divf %reduce_sum3A_652, %div3A_653 : f32
    %sub3A_655 = vector.broadcast %div3A_654 : f32 to vector<9x8192xf32>
    %sub3A_656 = arith.subf %add3A_401, %sub3A_655 : vector<9x8192xf32>
    %integer_pow3A = arith.mulf %sub3A_656, %sub3A_656 : vector<9x8192xf32>
    %reduce_sum3A_657 = vector.shape_cast %integer_pow3A : vector<9x8192xf32> to vector<1x9x8192xf32>
    %reduce_sum3A_658 = arith.constant dense<0.000000e+00> : vector<1xf32>
    %reduce_sum3A_659 = vector.multi_reduction <add>, %reduce_sum3A_657, %reduce_sum3A_658 [1, 2] : vector<1x9x8192xf32> to vector<1xf32>
    %reduce_sum3A_660 = vector.shape_cast %reduce_sum3A_659 : vector<1xf32> to vector<1x1x1xf32>
    %reduce_sum3A_661 = vector.extract %reduce_sum3A_660[0, 0, 0] : f32 from vector<1x1x1xf32>
    %div3A_662 = arith.constant 7.372800e+04 : f32
    %div3A_663 = arith.divf %reduce_sum3A_661, %div3A_662 : f32
    %get3A_664 = arith.constant 0 : index
    %get3A_665 = arith.constant 0 : index
    %get3A_666 = memref.load %arg3[%get3A_664, %get3A_665] : memref<1x7xf32, #tpu.memory_space<smem>>
    %sub3A_667 = vector.broadcast %div3A_654 : f32 to vector<9x8192xf32>
    %sub3A_668 = arith.subf %add3A_401, %sub3A_667 : vector<9x8192xf32>
    %mul3A_669 = vector.broadcast %get3A_666 : f32 to vector<9x8192xf32>
    %mul3A_670 = arith.mulf %mul3A_669, %sub3A_668 : vector<9x8192xf32>
    %add3A_671 = arith.constant 9.99999974E-6 : f32
    %add3A_672 = arith.addf %div3A_663, %add3A_671 : f32
    %sqrt3A_673 = math.sqrt %add3A_672 : f32
    %div3A_674 = vector.broadcast %sqrt3A_673 : f32 to vector<9x8192xf32>
    %div3A_675 = arith.divf %mul3A_670, %div3A_674 : vector<9x8192xf32>
    %get3A_676 = arith.constant 0 : index
    %get3A_677 = arith.constant 0 : index
    %get3A_678 = memref.load %arg4[%get3A_676, %get3A_677] : memref<1x7xf32, #tpu.memory_space<smem>>
    %add3A_679 = vector.broadcast %get3A_678 : f32 to vector<9x8192xf32>
    %add3A_680 = arith.addf %div3A_675, %add3A_679 : vector<9x8192xf32>
    %max3A = arith.constant 0.000000e+00 : f32
    %max3A_681 = vector.broadcast %max3A : f32 to vector<9x8192xf32>
    %max3A_682 = arith.maximumf %add3A_680, %max3A_681 : vector<9x8192xf32>
    %reduce_sum3A_683 = vector.shape_cast %add3A_442 : vector<9x8192xf32> to vector<1x9x8192xf32>
    %reduce_sum3A_684 = arith.constant dense<0.000000e+00> : vector<1xf32>
    %reduce_sum3A_685 = vector.multi_reduction <add>, %reduce_sum3A_683, %reduce_sum3A_684 [1, 2] : vector<1x9x8192xf32> to vector<1xf32>
    %reduce_sum3A_686 = vector.shape_cast %reduce_sum3A_685 : vector<1xf32> to vector<1x1x1xf32>
    %reduce_sum3A_687 = vector.extract %reduce_sum3A_686[0, 0, 0] : f32 from vector<1x1x1xf32>
    %div3A_688 = arith.constant 7.372800e+04 : f32
    %div3A_689 = arith.divf %reduce_sum3A_687, %div3A_688 : f32
    %sub3A_690 = vector.broadcast %div3A_689 : f32 to vector<9x8192xf32>
    %sub3A_691 = arith.subf %add3A_442, %sub3A_690 : vector<9x8192xf32>
    %integer_pow3A_692 = arith.mulf %sub3A_691, %sub3A_691 : vector<9x8192xf32>
    %reduce_sum3A_693 = vector.shape_cast %integer_pow3A_692 : vector<9x8192xf32> to vector<1x9x8192xf32>
    %reduce_sum3A_694 = arith.constant dense<0.000000e+00> : vector<1xf32>
    %reduce_sum3A_695 = vector.multi_reduction <add>, %reduce_sum3A_693, %reduce_sum3A_694 [1, 2] : vector<1x9x8192xf32> to vector<1xf32>
    %reduce_sum3A_696 = vector.shape_cast %reduce_sum3A_695 : vector<1xf32> to vector<1x1x1xf32>
    %reduce_sum3A_697 = vector.extract %reduce_sum3A_696[0, 0, 0] : f32 from vector<1x1x1xf32>
    %div3A_698 = arith.constant 7.372800e+04 : f32
    %div3A_699 = arith.divf %reduce_sum3A_697, %div3A_698 : f32
    %get3A_700 = arith.constant 0 : index
    %get3A_701 = arith.constant 1 : index
    %get3A_702 = memref.load %arg3[%get3A_700, %get3A_701] : memref<1x7xf32, #tpu.memory_space<smem>>
    %sub3A_703 = vector.broadcast %div3A_689 : f32 to vector<9x8192xf32>
    %sub3A_704 = arith.subf %add3A_442, %sub3A_703 : vector<9x8192xf32>
    %mul3A_705 = vector.broadcast %get3A_702 : f32 to vector<9x8192xf32>
    %mul3A_706 = arith.mulf %mul3A_705, %sub3A_704 : vector<9x8192xf32>
    %add3A_707 = arith.constant 9.99999974E-6 : f32
    %add3A_708 = arith.addf %div3A_699, %add3A_707 : f32
    %sqrt3A_709 = math.sqrt %add3A_708 : f32
    %div3A_710 = vector.broadcast %sqrt3A_709 : f32 to vector<9x8192xf32>
    %div3A_711 = arith.divf %mul3A_706, %div3A_710 : vector<9x8192xf32>
    %get3A_712 = arith.constant 0 : index
    %get3A_713 = arith.constant 1 : index
    %get3A_714 = memref.load %arg4[%get3A_712, %get3A_713] : memref<1x7xf32, #tpu.memory_space<smem>>
    %add3A_715 = vector.broadcast %get3A_714 : f32 to vector<9x8192xf32>
    %add3A_716 = arith.addf %div3A_711, %add3A_715 : vector<9x8192xf32>
    %max3A_717 = arith.constant 0.000000e+00 : f32
    %max3A_718 = vector.broadcast %max3A_717 : f32 to vector<9x8192xf32>
    %max3A_719 = arith.maximumf %add3A_716, %max3A_718 : vector<9x8192xf32>
    %reduce_sum3A_720 = vector.shape_cast %add3A_483 : vector<9x8192xf32> to vector<1x9x8192xf32>
    %reduce_sum3A_721 = arith.constant dense<0.000000e+00> : vector<1xf32>
    %reduce_sum3A_722 = vector.multi_reduction <add>, %reduce_sum3A_720, %reduce_sum3A_721 [1, 2] : vector<1x9x8192xf32> to vector<1xf32>
    %reduce_sum3A_723 = vector.shape_cast %reduce_sum3A_722 : vector<1xf32> to vector<1x1x1xf32>
    %reduce_sum3A_724 = vector.extract %reduce_sum3A_723[0, 0, 0] : f32 from vector<1x1x1xf32>
    %div3A_725 = arith.constant 7.372800e+04 : f32
    %div3A_726 = arith.divf %reduce_sum3A_724, %div3A_725 : f32
    %sub3A_727 = vector.broadcast %div3A_726 : f32 to vector<9x8192xf32>
    %sub3A_728 = arith.subf %add3A_483, %sub3A_727 : vector<9x8192xf32>
    %integer_pow3A_729 = arith.mulf %sub3A_728, %sub3A_728 : vector<9x8192xf32>
    %reduce_sum3A_730 = vector.shape_cast %integer_pow3A_729 : vector<9x8192xf32> to vector<1x9x8192xf32>
    %reduce_sum3A_731 = arith.constant dense<0.000000e+00> : vector<1xf32>
    %reduce_sum3A_732 = vector.multi_reduction <add>, %reduce_sum3A_730, %reduce_sum3A_731 [1, 2] : vector<1x9x8192xf32> to vector<1xf32>
    %reduce_sum3A_733 = vector.shape_cast %reduce_sum3A_732 : vector<1xf32> to vector<1x1x1xf32>
    %reduce_sum3A_734 = vector.extract %reduce_sum3A_733[0, 0, 0] : f32 from vector<1x1x1xf32>
    %div3A_735 = arith.constant 7.372800e+04 : f32
    %div3A_736 = arith.divf %reduce_sum3A_734, %div3A_735 : f32
    %get3A_737 = arith.constant 0 : index
    %get3A_738 = arith.constant 2 : index
    %get3A_739 = memref.load %arg3[%get3A_737, %get3A_738] : memref<1x7xf32, #tpu.memory_space<smem>>
    %sub3A_740 = vector.broadcast %div3A_726 : f32 to vector<9x8192xf32>
    %sub3A_741 = arith.subf %add3A_483, %sub3A_740 : vector<9x8192xf32>
    %mul3A_742 = vector.broadcast %get3A_739 : f32 to vector<9x8192xf32>
    %mul3A_743 = arith.mulf %mul3A_742, %sub3A_741 : vector<9x8192xf32>
    %add3A_744 = arith.constant 9.99999974E-6 : f32
    %add3A_745 = arith.addf %div3A_736, %add3A_744 : f32
    %sqrt3A_746 = math.sqrt %add3A_745 : f32
    %div3A_747 = vector.broadcast %sqrt3A_746 : f32 to vector<9x8192xf32>
    %div3A_748 = arith.divf %mul3A_743, %div3A_747 : vector<9x8192xf32>
    %get3A_749 = arith.constant 0 : index
    %get3A_750 = arith.constant 2 : index
    %get3A_751 = memref.load %arg4[%get3A_749, %get3A_750] : memref<1x7xf32, #tpu.memory_space<smem>>
    %add3A_752 = vector.broadcast %get3A_751 : f32 to vector<9x8192xf32>
    %add3A_753 = arith.addf %div3A_748, %add3A_752 : vector<9x8192xf32>
    %max3A_754 = arith.constant 0.000000e+00 : f32
    %max3A_755 = vector.broadcast %max3A_754 : f32 to vector<9x8192xf32>
    %max3A_756 = arith.maximumf %add3A_753, %max3A_755 : vector<9x8192xf32>
    %reduce_sum3A_757 = vector.shape_cast %add3A_524 : vector<9x8192xf32> to vector<1x9x8192xf32>
    %reduce_sum3A_758 = arith.constant dense<0.000000e+00> : vector<1xf32>
    %reduce_sum3A_759 = vector.multi_reduction <add>, %reduce_sum3A_757, %reduce_sum3A_758 [1, 2] : vector<1x9x8192xf32> to vector<1xf32>
    %reduce_sum3A_760 = vector.shape_cast %reduce_sum3A_759 : vector<1xf32> to vector<1x1x1xf32>
    %reduce_sum3A_761 = vector.extract %reduce_sum3A_760[0, 0, 0] : f32 from vector<1x1x1xf32>
    %div3A_762 = arith.constant 7.372800e+04 : f32
    %div3A_763 = arith.divf %reduce_sum3A_761, %div3A_762 : f32
    %sub3A_764 = vector.broadcast %div3A_763 : f32 to vector<9x8192xf32>
    %sub3A_765 = arith.subf %add3A_524, %sub3A_764 : vector<9x8192xf32>
    %integer_pow3A_766 = arith.mulf %sub3A_765, %sub3A_765 : vector<9x8192xf32>
    %reduce_sum3A_767 = vector.shape_cast %integer_pow3A_766 : vector<9x8192xf32> to vector<1x9x8192xf32>
    %reduce_sum3A_768 = arith.constant dense<0.000000e+00> : vector<1xf32>
    %reduce_sum3A_769 = vector.multi_reduction <add>, %reduce_sum3A_767, %reduce_sum3A_768 [1, 2] : vector<1x9x8192xf32> to vector<1xf32>
    %reduce_sum3A_770 = vector.shape_cast %reduce_sum3A_769 : vector<1xf32> to vector<1x1x1xf32>
    %reduce_sum3A_771 = vector.extract %reduce_sum3A_770[0, 0, 0] : f32 from vector<1x1x1xf32>
    %div3A_772 = arith.constant 7.372800e+04 : f32
    %div3A_773 = arith.divf %reduce_sum3A_771, %div3A_772 : f32
    %get3A_774 = arith.constant 0 : index
    %get3A_775 = arith.constant 3 : index
    %get3A_776 = memref.load %arg3[%get3A_774, %get3A_775] : memref<1x7xf32, #tpu.memory_space<smem>>
    %sub3A_777 = vector.broadcast %div3A_763 : f32 to vector<9x8192xf32>
    %sub3A_778 = arith.subf %add3A_524, %sub3A_777 : vector<9x8192xf32>
    %mul3A_779 = vector.broadcast %get3A_776 : f32 to vector<9x8192xf32>
    %mul3A_780 = arith.mulf %mul3A_779, %sub3A_778 : vector<9x8192xf32>
    %add3A_781 = arith.constant 9.99999974E-6 : f32
    %add3A_782 = arith.addf %div3A_773, %add3A_781 : f32
    %sqrt3A_783 = math.sqrt %add3A_782 : f32
    %div3A_784 = vector.broadcast %sqrt3A_783 : f32 to vector<9x8192xf32>
    %div3A_785 = arith.divf %mul3A_780, %div3A_784 : vector<9x8192xf32>
    %get3A_786 = arith.constant 0 : index
    %get3A_787 = arith.constant 3 : index
    %get3A_788 = memref.load %arg4[%get3A_786, %get3A_787] : memref<1x7xf32, #tpu.memory_space<smem>>
    %add3A_789 = vector.broadcast %get3A_788 : f32 to vector<9x8192xf32>
    %add3A_790 = arith.addf %div3A_785, %add3A_789 : vector<9x8192xf32>
    %max3A_791 = arith.constant 0.000000e+00 : f32
    %max3A_792 = vector.broadcast %max3A_791 : f32 to vector<9x8192xf32>
    %max3A_793 = arith.maximumf %add3A_790, %max3A_792 : vector<9x8192xf32>
    %reduce_sum3A_794 = vector.shape_cast %add3A_565 : vector<9x8192xf32> to vector<1x9x8192xf32>
    %reduce_sum3A_795 = arith.constant dense<0.000000e+00> : vector<1xf32>
    %reduce_sum3A_796 = vector.multi_reduction <add>, %reduce_sum3A_794, %reduce_sum3A_795 [1, 2] : vector<1x9x8192xf32> to vector<1xf32>
    %reduce_sum3A_797 = vector.shape_cast %reduce_sum3A_796 : vector<1xf32> to vector<1x1x1xf32>
    %reduce_sum3A_798 = vector.extract %reduce_sum3A_797[0, 0, 0] : f32 from vector<1x1x1xf32>
    %div3A_799 = arith.constant 7.372800e+04 : f32
    %div3A_800 = arith.divf %reduce_sum3A_798, %div3A_799 : f32
    %sub3A_801 = vector.broadcast %div3A_800 : f32 to vector<9x8192xf32>
    %sub3A_802 = arith.subf %add3A_565, %sub3A_801 : vector<9x8192xf32>
    %integer_pow3A_803 = arith.mulf %sub3A_802, %sub3A_802 : vector<9x8192xf32>
    %reduce_sum3A_804 = vector.shape_cast %integer_pow3A_803 : vector<9x8192xf32> to vector<1x9x8192xf32>
    %reduce_sum3A_805 = arith.constant dense<0.000000e+00> : vector<1xf32>
    %reduce_sum3A_806 = vector.multi_reduction <add>, %reduce_sum3A_804, %reduce_sum3A_805 [1, 2] : vector<1x9x8192xf32> to vector<1xf32>
    %reduce_sum3A_807 = vector.shape_cast %reduce_sum3A_806 : vector<1xf32> to vector<1x1x1xf32>
    %reduce_sum3A_808 = vector.extract %reduce_sum3A_807[0, 0, 0] : f32 from vector<1x1x1xf32>
    %div3A_809 = arith.constant 7.372800e+04 : f32
    %div3A_810 = arith.divf %reduce_sum3A_808, %div3A_809 : f32
    %get3A_811 = arith.constant 0 : index
    %get3A_812 = arith.constant 4 : index
    %get3A_813 = memref.load %arg3[%get3A_811, %get3A_812] : memref<1x7xf32, #tpu.memory_space<smem>>
    %sub3A_814 = vector.broadcast %div3A_800 : f32 to vector<9x8192xf32>
    %sub3A_815 = arith.subf %add3A_565, %sub3A_814 : vector<9x8192xf32>
    %mul3A_816 = vector.broadcast %get3A_813 : f32 to vector<9x8192xf32>
    %mul3A_817 = arith.mulf %mul3A_816, %sub3A_815 : vector<9x8192xf32>
    %add3A_818 = arith.constant 9.99999974E-6 : f32
    %add3A_819 = arith.addf %div3A_810, %add3A_818 : f32
    %sqrt3A_820 = math.sqrt %add3A_819 : f32
    %div3A_821 = vector.broadcast %sqrt3A_820 : f32 to vector<9x8192xf32>
    %div3A_822 = arith.divf %mul3A_817, %div3A_821 : vector<9x8192xf32>
    %get3A_823 = arith.constant 0 : index
    %get3A_824 = arith.constant 4 : index
    %get3A_825 = memref.load %arg4[%get3A_823, %get3A_824] : memref<1x7xf32, #tpu.memory_space<smem>>
    %add3A_826 = vector.broadcast %get3A_825 : f32 to vector<9x8192xf32>
    %add3A_827 = arith.addf %div3A_822, %add3A_826 : vector<9x8192xf32>
    %max3A_828 = arith.constant 0.000000e+00 : f32
    %max3A_829 = vector.broadcast %max3A_828 : f32 to vector<9x8192xf32>
    %max3A_830 = arith.maximumf %add3A_827, %max3A_829 : vector<9x8192xf32>
    %reduce_sum3A_831 = vector.shape_cast %add3A_606 : vector<9x8192xf32> to vector<1x9x8192xf32>
    %reduce_sum3A_832 = arith.constant dense<0.000000e+00> : vector<1xf32>
    %reduce_sum3A_833 = vector.multi_reduction <add>, %reduce_sum3A_831, %reduce_sum3A_832 [1, 2] : vector<1x9x8192xf32> to vector<1xf32>
    %reduce_sum3A_834 = vector.shape_cast %reduce_sum3A_833 : vector<1xf32> to vector<1x1x1xf32>
    %reduce_sum3A_835 = vector.extract %reduce_sum3A_834[0, 0, 0] : f32 from vector<1x1x1xf32>
    %div3A_836 = arith.constant 7.372800e+04 : f32
    %div3A_837 = arith.divf %reduce_sum3A_835, %div3A_836 : f32
    %sub3A_838 = vector.broadcast %div3A_837 : f32 to vector<9x8192xf32>
    %sub3A_839 = arith.subf %add3A_606, %sub3A_838 : vector<9x8192xf32>
    %integer_pow3A_840 = arith.mulf %sub3A_839, %sub3A_839 : vector<9x8192xf32>
    %reduce_sum3A_841 = vector.shape_cast %integer_pow3A_840 : vector<9x8192xf32> to vector<1x9x8192xf32>
    %reduce_sum3A_842 = arith.constant dense<0.000000e+00> : vector<1xf32>
    %reduce_sum3A_843 = vector.multi_reduction <add>, %reduce_sum3A_841, %reduce_sum3A_842 [1, 2] : vector<1x9x8192xf32> to vector<1xf32>
    %reduce_sum3A_844 = vector.shape_cast %reduce_sum3A_843 : vector<1xf32> to vector<1x1x1xf32>
    %reduce_sum3A_845 = vector.extract %reduce_sum3A_844[0, 0, 0] : f32 from vector<1x1x1xf32>
    %div3A_846 = arith.constant 7.372800e+04 : f32
    %div3A_847 = arith.divf %reduce_sum3A_845, %div3A_846 : f32
    %get3A_848 = arith.constant 0 : index
    %get3A_849 = arith.constant 5 : index
    %get3A_850 = memref.load %arg3[%get3A_848, %get3A_849] : memref<1x7xf32, #tpu.memory_space<smem>>
    %sub3A_851 = vector.broadcast %div3A_837 : f32 to vector<9x8192xf32>
    %sub3A_852 = arith.subf %add3A_606, %sub3A_851 : vector<9x8192xf32>
    %mul3A_853 = vector.broadcast %get3A_850 : f32 to vector<9x8192xf32>
    %mul3A_854 = arith.mulf %mul3A_853, %sub3A_852 : vector<9x8192xf32>
    %add3A_855 = arith.constant 9.99999974E-6 : f32
    %add3A_856 = arith.addf %div3A_847, %add3A_855 : f32
    %sqrt3A_857 = math.sqrt %add3A_856 : f32
    %div3A_858 = vector.broadcast %sqrt3A_857 : f32 to vector<9x8192xf32>
    %div3A_859 = arith.divf %mul3A_854, %div3A_858 : vector<9x8192xf32>
    %get3A_860 = arith.constant 0 : index
    %get3A_861 = arith.constant 5 : index
    %get3A_862 = memref.load %arg4[%get3A_860, %get3A_861] : memref<1x7xf32, #tpu.memory_space<smem>>
    %add3A_863 = vector.broadcast %get3A_862 : f32 to vector<9x8192xf32>
    %add3A_864 = arith.addf %div3A_859, %add3A_863 : vector<9x8192xf32>
    %max3A_865 = arith.constant 0.000000e+00 : f32
    %max3A_866 = vector.broadcast %max3A_865 : f32 to vector<9x8192xf32>
    %max3A_867 = arith.maximumf %add3A_864, %max3A_866 : vector<9x8192xf32>
    %reduce_sum3A_868 = vector.shape_cast %add3A_647 : vector<9x8192xf32> to vector<1x9x8192xf32>
    %reduce_sum3A_869 = arith.constant dense<0.000000e+00> : vector<1xf32>
    %reduce_sum3A_870 = vector.multi_reduction <add>, %reduce_sum3A_868, %reduce_sum3A_869 [1, 2] : vector<1x9x8192xf32> to vector<1xf32>
    %reduce_sum3A_871 = vector.shape_cast %reduce_sum3A_870 : vector<1xf32> to vector<1x1x1xf32>
    %reduce_sum3A_872 = vector.extract %reduce_sum3A_871[0, 0, 0] : f32 from vector<1x1x1xf32>
    %div3A_873 = arith.constant 7.372800e+04 : f32
    %div3A_874 = arith.divf %reduce_sum3A_872, %div3A_873 : f32
    %sub3A_875 = vector.broadcast %div3A_874 : f32 to vector<9x8192xf32>
    %sub3A_876 = arith.subf %add3A_647, %sub3A_875 : vector<9x8192xf32>
    %integer_pow3A_877 = arith.mulf %sub3A_876, %sub3A_876 : vector<9x8192xf32>
    %reduce_sum3A_878 = vector.shape_cast %integer_pow3A_877 : vector<9x8192xf32> to vector<1x9x8192xf32>
    %reduce_sum3A_879 = arith.constant dense<0.000000e+00> : vector<1xf32>
    %reduce_sum3A_880 = vector.multi_reduction <add>, %reduce_sum3A_878, %reduce_sum3A_879 [1, 2] : vector<1x9x8192xf32> to vector<1xf32>
    %reduce_sum3A_881 = vector.shape_cast %reduce_sum3A_880 : vector<1xf32> to vector<1x1x1xf32>
    %reduce_sum3A_882 = vector.extract %reduce_sum3A_881[0, 0, 0] : f32 from vector<1x1x1xf32>
    %div3A_883 = arith.constant 7.372800e+04 : f32
    %div3A_884 = arith.divf %reduce_sum3A_882, %div3A_883 : f32
    %get3A_885 = arith.constant 0 : index
    %get3A_886 = arith.constant 6 : index
    %get3A_887 = memref.load %arg3[%get3A_885, %get3A_886] : memref<1x7xf32, #tpu.memory_space<smem>>
    %sub3A_888 = vector.broadcast %div3A_874 : f32 to vector<9x8192xf32>
    %sub3A_889 = arith.subf %add3A_647, %sub3A_888 : vector<9x8192xf32>
    %mul3A_890 = vector.broadcast %get3A_887 : f32 to vector<9x8192xf32>
    %mul3A_891 = arith.mulf %mul3A_890, %sub3A_889 : vector<9x8192xf32>
    %add3A_892 = arith.constant 9.99999974E-6 : f32
    %add3A_893 = arith.addf %div3A_884, %add3A_892 : f32
    %sqrt3A_894 = math.sqrt %add3A_893 : f32
    %div3A_895 = vector.broadcast %sqrt3A_894 : f32 to vector<9x8192xf32>
    %div3A_896 = arith.divf %mul3A_891, %div3A_895 : vector<9x8192xf32>
    %get3A_897 = arith.constant 0 : index
    %get3A_898 = arith.constant 6 : index
    %get3A_899 = memref.load %arg4[%get3A_897, %get3A_898] : memref<1x7xf32, #tpu.memory_space<smem>>
    %add3A_900 = vector.broadcast %get3A_899 : f32 to vector<9x8192xf32>
    %add3A_901 = arith.addf %div3A_896, %add3A_900 : vector<9x8192xf32>
    %max3A_902 = arith.constant 0.000000e+00 : f32
    %max3A_903 = vector.broadcast %max3A_902 : f32 to vector<9x8192xf32>
    %max3A_904 = arith.maximumf %add3A_901, %max3A_903 : vector<9x8192xf32>
    %get3A_905 = arith.constant 0 : index
    %get3A_906 = arith.constant 0 : index
    %get3A_907 = memref.load %arg5[%get3A_905, %get3A_906] : memref<1x49xf32, #tpu.memory_space<smem>>
    %mul3A_908 = vector.broadcast %get3A_907 : f32 to vector<9x8192xf32>
    %mul3A_909 = arith.mulf %max3A_682, %mul3A_908 : vector<9x8192xf32>
    %get3A_910 = arith.constant 0 : index
    %get3A_911 = arith.constant 1 : index
    %get3A_912 = memref.load %arg5[%get3A_910, %get3A_911] : memref<1x49xf32, #tpu.memory_space<smem>>
    %mul3A_913 = vector.broadcast %get3A_912 : f32 to vector<9x8192xf32>
    %mul3A_914 = arith.mulf %max3A_719, %mul3A_913 : vector<9x8192xf32>
    %add3A_915 = arith.addf %mul3A_909, %mul3A_914 : vector<9x8192xf32>
    %get3A_916 = arith.constant 0 : index
    %get3A_917 = arith.constant 2 : index
    %get3A_918 = memref.load %arg5[%get3A_916, %get3A_917] : memref<1x49xf32, #tpu.memory_space<smem>>
    %mul3A_919 = vector.broadcast %get3A_918 : f32 to vector<9x8192xf32>
    %mul3A_920 = arith.mulf %max3A_756, %mul3A_919 : vector<9x8192xf32>
    %add3A_921 = arith.addf %add3A_915, %mul3A_920 : vector<9x8192xf32>
    %get3A_922 = arith.constant 0 : index
    %get3A_923 = arith.constant 3 : index
    %get3A_924 = memref.load %arg5[%get3A_922, %get3A_923] : memref<1x49xf32, #tpu.memory_space<smem>>
    %mul3A_925 = vector.broadcast %get3A_924 : f32 to vector<9x8192xf32>
    %mul3A_926 = arith.mulf %max3A_793, %mul3A_925 : vector<9x8192xf32>
    %add3A_927 = arith.addf %add3A_921, %mul3A_926 : vector<9x8192xf32>
    %get3A_928 = arith.constant 0 : index
    %get3A_929 = arith.constant 4 : index
    %get3A_930 = memref.load %arg5[%get3A_928, %get3A_929] : memref<1x49xf32, #tpu.memory_space<smem>>
    %mul3A_931 = vector.broadcast %get3A_930 : f32 to vector<9x8192xf32>
    %mul3A_932 = arith.mulf %max3A_830, %mul3A_931 : vector<9x8192xf32>
    %add3A_933 = arith.addf %add3A_927, %mul3A_932 : vector<9x8192xf32>
    %get3A_934 = arith.constant 0 : index
    %get3A_935 = arith.constant 5 : index
    %get3A_936 = memref.load %arg5[%get3A_934, %get3A_935] : memref<1x49xf32, #tpu.memory_space<smem>>
    %mul3A_937 = vector.broadcast %get3A_936 : f32 to vector<9x8192xf32>
    %mul3A_938 = arith.mulf %max3A_867, %mul3A_937 : vector<9x8192xf32>
    %add3A_939 = arith.addf %add3A_933, %mul3A_938 : vector<9x8192xf32>
    %get3A_940 = arith.constant 0 : index
    %get3A_941 = arith.constant 6 : index
    %get3A_942 = memref.load %arg5[%get3A_940, %get3A_941] : memref<1x49xf32, #tpu.memory_space<smem>>
    %mul3A_943 = vector.broadcast %get3A_942 : f32 to vector<9x8192xf32>
    %mul3A_944 = arith.mulf %max3A_904, %mul3A_943 : vector<9x8192xf32>
    %add3A_945 = arith.addf %add3A_939, %mul3A_944 : vector<9x8192xf32>
    %get3A_946 = arith.constant 0 : index
    %get3A_947 = arith.constant 0 : index
    %get3A_948 = memref.load %arg6[%get3A_946, %get3A_947] : memref<1x7xf32, #tpu.memory_space<smem>>
    %add3A_949 = vector.broadcast %get3A_948 : f32 to vector<9x8192xf32>
    %add3A_950 = arith.addf %add3A_945, %add3A_949 : vector<9x8192xf32>
    %get3A_951 = arith.constant 0 : index
    %get3A_952 = arith.constant 7 : index
    %get3A_953 = memref.load %arg5[%get3A_951, %get3A_952] : memref<1x49xf32, #tpu.memory_space<smem>>
    %mul3A_954 = vector.broadcast %get3A_953 : f32 to vector<9x8192xf32>
    %mul3A_955 = arith.mulf %max3A_682, %mul3A_954 : vector<9x8192xf32>
    %get3A_956 = arith.constant 0 : index
    %get3A_957 = arith.constant 8 : index
    %get3A_958 = memref.load %arg5[%get3A_956, %get3A_957] : memref<1x49xf32, #tpu.memory_space<smem>>
    %mul3A_959 = vector.broadcast %get3A_958 : f32 to vector<9x8192xf32>
    %mul3A_960 = arith.mulf %max3A_719, %mul3A_959 : vector<9x8192xf32>
    %add3A_961 = arith.addf %mul3A_955, %mul3A_960 : vector<9x8192xf32>
    %get3A_962 = arith.constant 0 : index
    %get3A_963 = arith.constant 9 : index
    %get3A_964 = memref.load %arg5[%get3A_962, %get3A_963] : memref<1x49xf32, #tpu.memory_space<smem>>
    %mul3A_965 = vector.broadcast %get3A_964 : f32 to vector<9x8192xf32>
    %mul3A_966 = arith.mulf %max3A_756, %mul3A_965 : vector<9x8192xf32>
    %add3A_967 = arith.addf %add3A_961, %mul3A_966 : vector<9x8192xf32>
    %get3A_968 = arith.constant 0 : index
    %get3A_969 = arith.constant 10 : index
    %get3A_970 = memref.load %arg5[%get3A_968, %get3A_969] : memref<1x49xf32, #tpu.memory_space<smem>>
    %mul3A_971 = vector.broadcast %get3A_970 : f32 to vector<9x8192xf32>
    %mul3A_972 = arith.mulf %max3A_793, %mul3A_971 : vector<9x8192xf32>
    %add3A_973 = arith.addf %add3A_967, %mul3A_972 : vector<9x8192xf32>
    %get3A_974 = arith.constant 0 : index
    %get3A_975 = arith.constant 11 : index
    %get3A_976 = memref.load %arg5[%get3A_974, %get3A_975] : memref<1x49xf32, #tpu.memory_space<smem>>
    %mul3A_977 = vector.broadcast %get3A_976 : f32 to vector<9x8192xf32>
    %mul3A_978 = arith.mulf %max3A_830, %mul3A_977 : vector<9x8192xf32>
    %add3A_979 = arith.addf %add3A_973, %mul3A_978 : vector<9x8192xf32>
    %get3A_980 = arith.constant 0 : index
    %get3A_981 = arith.constant 12 : index
    %get3A_982 = memref.load %arg5[%get3A_980, %get3A_981] : memref<1x49xf32, #tpu.memory_space<smem>>
    %mul3A_983 = vector.broadcast %get3A_982 : f32 to vector<9x8192xf32>
    %mul3A_984 = arith.mulf %max3A_867, %mul3A_983 : vector<9x8192xf32>
    %add3A_985 = arith.addf %add3A_979, %mul3A_984 : vector<9x8192xf32>
    %get3A_986 = arith.constant 0 : index
    %get3A_987 = arith.constant 13 : index
    %get3A_988 = memref.load %arg5[%get3A_986, %get3A_987] : memref<1x49xf32, #tpu.memory_space<smem>>
    %mul3A_989 = vector.broadcast %get3A_988 : f32 to vector<9x8192xf32>
    %mul3A_990 = arith.mulf %max3A_904, %mul3A_989 : vector<9x8192xf32>
    %add3A_991 = arith.addf %add3A_985, %mul3A_990 : vector<9x8192xf32>
    %get3A_992 = arith.constant 0 : index
    %get3A_993 = arith.constant 1 : index
    %get3A_994 = memref.load %arg6[%get3A_992, %get3A_993] : memref<1x7xf32, #tpu.memory_space<smem>>
    %add3A_995 = vector.broadcast %get3A_994 : f32 to vector<9x8192xf32>
    %add3A_996 = arith.addf %add3A_991, %add3A_995 : vector<9x8192xf32>
    %get3A_997 = arith.constant 0 : index
    %get3A_998 = arith.constant 14 : index
    %get3A_999 = memref.load %arg5[%get3A_997, %get3A_998] : memref<1x49xf32, #tpu.memory_space<smem>>
    %mul3A_1000 = vector.broadcast %get3A_999 : f32 to vector<9x8192xf32>
    %mul3A_1001 = arith.mulf %max3A_682, %mul3A_1000 : vector<9x8192xf32>
    %get3A_1002 = arith.constant 0 : index
    %get3A_1003 = arith.constant 15 : index
    %get3A_1004 = memref.load %arg5[%get3A_1002, %get3A_1003] : memref<1x49xf32, #tpu.memory_space<smem>>
    %mul3A_1005 = vector.broadcast %get3A_1004 : f32 to vector<9x8192xf32>
    %mul3A_1006 = arith.mulf %max3A_719, %mul3A_1005 : vector<9x8192xf32>
    %add3A_1007 = arith.addf %mul3A_1001, %mul3A_1006 : vector<9x8192xf32>
    %get3A_1008 = arith.constant 0 : index
    %get3A_1009 = arith.constant 16 : index
    %get3A_1010 = memref.load %arg5[%get3A_1008, %get3A_1009] : memref<1x49xf32, #tpu.memory_space<smem>>
    %mul3A_1011 = vector.broadcast %get3A_1010 : f32 to vector<9x8192xf32>
    %mul3A_1012 = arith.mulf %max3A_756, %mul3A_1011 : vector<9x8192xf32>
    %add3A_1013 = arith.addf %add3A_1007, %mul3A_1012 : vector<9x8192xf32>
    %get3A_1014 = arith.constant 0 : index
    %get3A_1015 = arith.constant 17 : index
    %get3A_1016 = memref.load %arg5[%get3A_1014, %get3A_1015] : memref<1x49xf32, #tpu.memory_space<smem>>
    %mul3A_1017 = vector.broadcast %get3A_1016 : f32 to vector<9x8192xf32>
    %mul3A_1018 = arith.mulf %max3A_793, %mul3A_1017 : vector<9x8192xf32>
    %add3A_1019 = arith.addf %add3A_1013, %mul3A_1018 : vector<9x8192xf32>
    %get3A_1020 = arith.constant 0 : index
    %get3A_1021 = arith.constant 18 : index
    %get3A_1022 = memref.load %arg5[%get3A_1020, %get3A_1021] : memref<1x49xf32, #tpu.memory_space<smem>>
    %mul3A_1023 = vector.broadcast %get3A_1022 : f32 to vector<9x8192xf32>
    %mul3A_1024 = arith.mulf %max3A_830, %mul3A_1023 : vector<9x8192xf32>
    %add3A_1025 = arith.addf %add3A_1019, %mul3A_1024 : vector<9x8192xf32>
    %get3A_1026 = arith.constant 0 : index
    %get3A_1027 = arith.constant 19 : index
    %get3A_1028 = memref.load %arg5[%get3A_1026, %get3A_1027] : memref<1x49xf32, #tpu.memory_space<smem>>
    %mul3A_1029 = vector.broadcast %get3A_1028 : f32 to vector<9x8192xf32>
    %mul3A_1030 = arith.mulf %max3A_867, %mul3A_1029 : vector<9x8192xf32>
    %add3A_1031 = arith.addf %add3A_1025, %mul3A_1030 : vector<9x8192xf32>
    %get3A_1032 = arith.constant 0 : index
    %get3A_1033 = arith.constant 20 : index
    %get3A_1034 = memref.load %arg5[%get3A_1032, %get3A_1033] : memref<1x49xf32, #tpu.memory_space<smem>>
    %mul3A_1035 = vector.broadcast %get3A_1034 : f32 to vector<9x8192xf32>
    %mul3A_1036 = arith.mulf %max3A_904, %mul3A_1035 : vector<9x8192xf32>
    %add3A_1037 = arith.addf %add3A_1031, %mul3A_1036 : vector<9x8192xf32>
    %get3A_1038 = arith.constant 0 : index
    %get3A_1039 = arith.constant 2 : index
    %get3A_1040 = memref.load %arg6[%get3A_1038, %get3A_1039] : memref<1x7xf32, #tpu.memory_space<smem>>
    %add3A_1041 = vector.broadcast %get3A_1040 : f32 to vector<9x8192xf32>
    %add3A_1042 = arith.addf %add3A_1037, %add3A_1041 : vector<9x8192xf32>
    %get3A_1043 = arith.constant 0 : index
    %get3A_1044 = arith.constant 21 : index
    %get3A_1045 = memref.load %arg5[%get3A_1043, %get3A_1044] : memref<1x49xf32, #tpu.memory_space<smem>>
    %mul3A_1046 = vector.broadcast %get3A_1045 : f32 to vector<9x8192xf32>
    %mul3A_1047 = arith.mulf %max3A_682, %mul3A_1046 : vector<9x8192xf32>
    %get3A_1048 = arith.constant 0 : index
    %get3A_1049 = arith.constant 22 : index
    %get3A_1050 = memref.load %arg5[%get3A_1048, %get3A_1049] : memref<1x49xf32, #tpu.memory_space<smem>>
    %mul3A_1051 = vector.broadcast %get3A_1050 : f32 to vector<9x8192xf32>
    %mul3A_1052 = arith.mulf %max3A_719, %mul3A_1051 : vector<9x8192xf32>
    %add3A_1053 = arith.addf %mul3A_1047, %mul3A_1052 : vector<9x8192xf32>
    %get3A_1054 = arith.constant 0 : index
    %get3A_1055 = arith.constant 23 : index
    %get3A_1056 = memref.load %arg5[%get3A_1054, %get3A_1055] : memref<1x49xf32, #tpu.memory_space<smem>>
    %mul3A_1057 = vector.broadcast %get3A_1056 : f32 to vector<9x8192xf32>
    %mul3A_1058 = arith.mulf %max3A_756, %mul3A_1057 : vector<9x8192xf32>
    %add3A_1059 = arith.addf %add3A_1053, %mul3A_1058 : vector<9x8192xf32>
    %get3A_1060 = arith.constant 0 : index
    %get3A_1061 = arith.constant 24 : index
    %get3A_1062 = memref.load %arg5[%get3A_1060, %get3A_1061] : memref<1x49xf32, #tpu.memory_space<smem>>
    %mul3A_1063 = vector.broadcast %get3A_1062 : f32 to vector<9x8192xf32>
    %mul3A_1064 = arith.mulf %max3A_793, %mul3A_1063 : vector<9x8192xf32>
    %add3A_1065 = arith.addf %add3A_1059, %mul3A_1064 : vector<9x8192xf32>
    %get3A_1066 = arith.constant 0 : index
    %get3A_1067 = arith.constant 25 : index
    %get3A_1068 = memref.load %arg5[%get3A_1066, %get3A_1067] : memref<1x49xf32, #tpu.memory_space<smem>>
    %mul3A_1069 = vector.broadcast %get3A_1068 : f32 to vector<9x8192xf32>
    %mul3A_1070 = arith.mulf %max3A_830, %mul3A_1069 : vector<9x8192xf32>
    %add3A_1071 = arith.addf %add3A_1065, %mul3A_1070 : vector<9x8192xf32>
    %get3A_1072 = arith.constant 0 : index
    %get3A_1073 = arith.constant 26 : index
    %get3A_1074 = memref.load %arg5[%get3A_1072, %get3A_1073] : memref<1x49xf32, #tpu.memory_space<smem>>
    %mul3A_1075 = vector.broadcast %get3A_1074 : f32 to vector<9x8192xf32>
    %mul3A_1076 = arith.mulf %max3A_867, %mul3A_1075 : vector<9x8192xf32>
    %add3A_1077 = arith.addf %add3A_1071, %mul3A_1076 : vector<9x8192xf32>
    %get3A_1078 = arith.constant 0 : index
    %get3A_1079 = arith.constant 27 : index
    %get3A_1080 = memref.load %arg5[%get3A_1078, %get3A_1079] : memref<1x49xf32, #tpu.memory_space<smem>>
    %mul3A_1081 = vector.broadcast %get3A_1080 : f32 to vector<9x8192xf32>
    %mul3A_1082 = arith.mulf %max3A_904, %mul3A_1081 : vector<9x8192xf32>
    %add3A_1083 = arith.addf %add3A_1077, %mul3A_1082 : vector<9x8192xf32>
    %get3A_1084 = arith.constant 0 : index
    %get3A_1085 = arith.constant 3 : index
    %get3A_1086 = memref.load %arg6[%get3A_1084, %get3A_1085] : memref<1x7xf32, #tpu.memory_space<smem>>
    %add3A_1087 = vector.broadcast %get3A_1086 : f32 to vector<9x8192xf32>
    %add3A_1088 = arith.addf %add3A_1083, %add3A_1087 : vector<9x8192xf32>
    %get3A_1089 = arith.constant 0 : index
    %get3A_1090 = arith.constant 28 : index
    %get3A_1091 = memref.load %arg5[%get3A_1089, %get3A_1090] : memref<1x49xf32, #tpu.memory_space<smem>>
    %mul3A_1092 = vector.broadcast %get3A_1091 : f32 to vector<9x8192xf32>
    %mul3A_1093 = arith.mulf %max3A_682, %mul3A_1092 : vector<9x8192xf32>
    %get3A_1094 = arith.constant 0 : index
    %get3A_1095 = arith.constant 29 : index
    %get3A_1096 = memref.load %arg5[%get3A_1094, %get3A_1095] : memref<1x49xf32, #tpu.memory_space<smem>>
    %mul3A_1097 = vector.broadcast %get3A_1096 : f32 to vector<9x8192xf32>
    %mul3A_1098 = arith.mulf %max3A_719, %mul3A_1097 : vector<9x8192xf32>
    %add3A_1099 = arith.addf %mul3A_1093, %mul3A_1098 : vector<9x8192xf32>
    %get3A_1100 = arith.constant 0 : index
    %get3A_1101 = arith.constant 30 : index
    %get3A_1102 = memref.load %arg5[%get3A_1100, %get3A_1101] : memref<1x49xf32, #tpu.memory_space<smem>>
    %mul3A_1103 = vector.broadcast %get3A_1102 : f32 to vector<9x8192xf32>
    %mul3A_1104 = arith.mulf %max3A_756, %mul3A_1103 : vector<9x8192xf32>
    %add3A_1105 = arith.addf %add3A_1099, %mul3A_1104 : vector<9x8192xf32>
    %get3A_1106 = arith.constant 0 : index
    %get3A_1107 = arith.constant 31 : index
    %get3A_1108 = memref.load %arg5[%get3A_1106, %get3A_1107] : memref<1x49xf32, #tpu.memory_space<smem>>
    %mul3A_1109 = vector.broadcast %get3A_1108 : f32 to vector<9x8192xf32>
    %mul3A_1110 = arith.mulf %max3A_793, %mul3A_1109 : vector<9x8192xf32>
    %add3A_1111 = arith.addf %add3A_1105, %mul3A_1110 : vector<9x8192xf32>
    %get3A_1112 = arith.constant 0 : index
    %get3A_1113 = arith.constant 32 : index
    %get3A_1114 = memref.load %arg5[%get3A_1112, %get3A_1113] : memref<1x49xf32, #tpu.memory_space<smem>>
    %mul3A_1115 = vector.broadcast %get3A_1114 : f32 to vector<9x8192xf32>
    %mul3A_1116 = arith.mulf %max3A_830, %mul3A_1115 : vector<9x8192xf32>
    %add3A_1117 = arith.addf %add3A_1111, %mul3A_1116 : vector<9x8192xf32>
    %get3A_1118 = arith.constant 0 : index
    %get3A_1119 = arith.constant 33 : index
    %get3A_1120 = memref.load %arg5[%get3A_1118, %get3A_1119] : memref<1x49xf32, #tpu.memory_space<smem>>
    %mul3A_1121 = vector.broadcast %get3A_1120 : f32 to vector<9x8192xf32>
    %mul3A_1122 = arith.mulf %max3A_867, %mul3A_1121 : vector<9x8192xf32>
    %add3A_1123 = arith.addf %add3A_1117, %mul3A_1122 : vector<9x8192xf32>
    %get3A_1124 = arith.constant 0 : index
    %get3A_1125 = arith.constant 34 : index
    %get3A_1126 = memref.load %arg5[%get3A_1124, %get3A_1125] : memref<1x49xf32, #tpu.memory_space<smem>>
    %mul3A_1127 = vector.broadcast %get3A_1126 : f32 to vector<9x8192xf32>
    %mul3A_1128 = arith.mulf %max3A_904, %mul3A_1127 : vector<9x8192xf32>
    %add3A_1129 = arith.addf %add3A_1123, %mul3A_1128 : vector<9x8192xf32>
    %get3A_1130 = arith.constant 0 : index
    %get3A_1131 = arith.constant 4 : index
    %get3A_1132 = memref.load %arg6[%get3A_1130, %get3A_1131] : memref<1x7xf32, #tpu.memory_space<smem>>
    %add3A_1133 = vector.broadcast %get3A_1132 : f32 to vector<9x8192xf32>
    %add3A_1134 = arith.addf %add3A_1129, %add3A_1133 : vector<9x8192xf32>
    %get3A_1135 = arith.constant 0 : index
    %get3A_1136 = arith.constant 35 : index
    %get3A_1137 = memref.load %arg5[%get3A_1135, %get3A_1136] : memref<1x49xf32, #tpu.memory_space<smem>>
    %mul3A_1138 = vector.broadcast %get3A_1137 : f32 to vector<9x8192xf32>
    %mul3A_1139 = arith.mulf %max3A_682, %mul3A_1138 : vector<9x8192xf32>
    %get3A_1140 = arith.constant 0 : index
    %get3A_1141 = arith.constant 36 : index
    %get3A_1142 = memref.load %arg5[%get3A_1140, %get3A_1141] : memref<1x49xf32, #tpu.memory_space<smem>>
    %mul3A_1143 = vector.broadcast %get3A_1142 : f32 to vector<9x8192xf32>
    %mul3A_1144 = arith.mulf %max3A_719, %mul3A_1143 : vector<9x8192xf32>
    %add3A_1145 = arith.addf %mul3A_1139, %mul3A_1144 : vector<9x8192xf32>
    %get3A_1146 = arith.constant 0 : index
    %get3A_1147 = arith.constant 37 : index
    %get3A_1148 = memref.load %arg5[%get3A_1146, %get3A_1147] : memref<1x49xf32, #tpu.memory_space<smem>>
    %mul3A_1149 = vector.broadcast %get3A_1148 : f32 to vector<9x8192xf32>
    %mul3A_1150 = arith.mulf %max3A_756, %mul3A_1149 : vector<9x8192xf32>
    %add3A_1151 = arith.addf %add3A_1145, %mul3A_1150 : vector<9x8192xf32>
    %get3A_1152 = arith.constant 0 : index
    %get3A_1153 = arith.constant 38 : index
    %get3A_1154 = memref.load %arg5[%get3A_1152, %get3A_1153] : memref<1x49xf32, #tpu.memory_space<smem>>
    %mul3A_1155 = vector.broadcast %get3A_1154 : f32 to vector<9x8192xf32>
    %mul3A_1156 = arith.mulf %max3A_793, %mul3A_1155 : vector<9x8192xf32>
    %add3A_1157 = arith.addf %add3A_1151, %mul3A_1156 : vector<9x8192xf32>
    %get3A_1158 = arith.constant 0 : index
    %get3A_1159 = arith.constant 39 : index
    %get3A_1160 = memref.load %arg5[%get3A_1158, %get3A_1159] : memref<1x49xf32, #tpu.memory_space<smem>>
    %mul3A_1161 = vector.broadcast %get3A_1160 : f32 to vector<9x8192xf32>
    %mul3A_1162 = arith.mulf %max3A_830, %mul3A_1161 : vector<9x8192xf32>
    %add3A_1163 = arith.addf %add3A_1157, %mul3A_1162 : vector<9x8192xf32>
    %get3A_1164 = arith.constant 0 : index
    %get3A_1165 = arith.constant 40 : index
    %get3A_1166 = memref.load %arg5[%get3A_1164, %get3A_1165] : memref<1x49xf32, #tpu.memory_space<smem>>
    %mul3A_1167 = vector.broadcast %get3A_1166 : f32 to vector<9x8192xf32>
    %mul3A_1168 = arith.mulf %max3A_867, %mul3A_1167 : vector<9x8192xf32>
    %add3A_1169 = arith.addf %add3A_1163, %mul3A_1168 : vector<9x8192xf32>
    %get3A_1170 = arith.constant 0 : index
    %get3A_1171 = arith.constant 41 : index
    %get3A_1172 = memref.load %arg5[%get3A_1170, %get3A_1171] : memref<1x49xf32, #tpu.memory_space<smem>>
    %mul3A_1173 = vector.broadcast %get3A_1172 : f32 to vector<9x8192xf32>
    %mul3A_1174 = arith.mulf %max3A_904, %mul3A_1173 : vector<9x8192xf32>
    %add3A_1175 = arith.addf %add3A_1169, %mul3A_1174 : vector<9x8192xf32>
    %get3A_1176 = arith.constant 0 : index
    %get3A_1177 = arith.constant 5 : index
    %get3A_1178 = memref.load %arg6[%get3A_1176, %get3A_1177] : memref<1x7xf32, #tpu.memory_space<smem>>
    %add3A_1179 = vector.broadcast %get3A_1178 : f32 to vector<9x8192xf32>
    %add3A_1180 = arith.addf %add3A_1175, %add3A_1179 : vector<9x8192xf32>
    %get3A_1181 = arith.constant 0 : index
    %get3A_1182 = arith.constant 42 : index
    %get3A_1183 = memref.load %arg5[%get3A_1181, %get3A_1182] : memref<1x49xf32, #tpu.memory_space<smem>>
    %mul3A_1184 = vector.broadcast %get3A_1183 : f32 to vector<9x8192xf32>
    %mul3A_1185 = arith.mulf %max3A_682, %mul3A_1184 : vector<9x8192xf32>
    %get3A_1186 = arith.constant 0 : index
    %get3A_1187 = arith.constant 43 : index
    %get3A_1188 = memref.load %arg5[%get3A_1186, %get3A_1187] : memref<1x49xf32, #tpu.memory_space<smem>>
    %mul3A_1189 = vector.broadcast %get3A_1188 : f32 to vector<9x8192xf32>
    %mul3A_1190 = arith.mulf %max3A_719, %mul3A_1189 : vector<9x8192xf32>
    %add3A_1191 = arith.addf %mul3A_1185, %mul3A_1190 : vector<9x8192xf32>
    %get3A_1192 = arith.constant 0 : index
    %get3A_1193 = arith.constant 44 : index
    %get3A_1194 = memref.load %arg5[%get3A_1192, %get3A_1193] : memref<1x49xf32, #tpu.memory_space<smem>>
    %mul3A_1195 = vector.broadcast %get3A_1194 : f32 to vector<9x8192xf32>
    %mul3A_1196 = arith.mulf %max3A_756, %mul3A_1195 : vector<9x8192xf32>
    %add3A_1197 = arith.addf %add3A_1191, %mul3A_1196 : vector<9x8192xf32>
    %get3A_1198 = arith.constant 0 : index
    %get3A_1199 = arith.constant 45 : index
    %get3A_1200 = memref.load %arg5[%get3A_1198, %get3A_1199] : memref<1x49xf32, #tpu.memory_space<smem>>
    %mul3A_1201 = vector.broadcast %get3A_1200 : f32 to vector<9x8192xf32>
    %mul3A_1202 = arith.mulf %max3A_793, %mul3A_1201 : vector<9x8192xf32>
    %add3A_1203 = arith.addf %add3A_1197, %mul3A_1202 : vector<9x8192xf32>
    %get3A_1204 = arith.constant 0 : index
    %get3A_1205 = arith.constant 46 : index
    %get3A_1206 = memref.load %arg5[%get3A_1204, %get3A_1205] : memref<1x49xf32, #tpu.memory_space<smem>>
    %mul3A_1207 = vector.broadcast %get3A_1206 : f32 to vector<9x8192xf32>
    %mul3A_1208 = arith.mulf %max3A_830, %mul3A_1207 : vector<9x8192xf32>
    %add3A_1209 = arith.addf %add3A_1203, %mul3A_1208 : vector<9x8192xf32>
    %get3A_1210 = arith.constant 0 : index
    %get3A_1211 = arith.constant 47 : index
    %get3A_1212 = memref.load %arg5[%get3A_1210, %get3A_1211] : memref<1x49xf32, #tpu.memory_space<smem>>
    %mul3A_1213 = vector.broadcast %get3A_1212 : f32 to vector<9x8192xf32>
    %mul3A_1214 = arith.mulf %max3A_867, %mul3A_1213 : vector<9x8192xf32>
    %add3A_1215 = arith.addf %add3A_1209, %mul3A_1214 : vector<9x8192xf32>
    %get3A_1216 = arith.constant 0 : index
    %get3A_1217 = arith.constant 48 : index
    %get3A_1218 = memref.load %arg5[%get3A_1216, %get3A_1217] : memref<1x49xf32, #tpu.memory_space<smem>>
    %mul3A_1219 = vector.broadcast %get3A_1218 : f32 to vector<9x8192xf32>
    %mul3A_1220 = arith.mulf %max3A_904, %mul3A_1219 : vector<9x8192xf32>
    %add3A_1221 = arith.addf %add3A_1215, %mul3A_1220 : vector<9x8192xf32>
    %get3A_1222 = arith.constant 0 : index
    %get3A_1223 = arith.constant 6 : index
    %get3A_1224 = memref.load %arg6[%get3A_1222, %get3A_1223] : memref<1x7xf32, #tpu.memory_space<smem>>
    %add3A_1225 = vector.broadcast %get3A_1224 : f32 to vector<9x8192xf32>
    %add3A_1226 = arith.addf %add3A_1221, %add3A_1225 : vector<9x8192xf32>
    %reduce_sum3A_1227 = vector.shape_cast %add3A_950 : vector<9x8192xf32> to vector<1x9x8192xf32>
    %reduce_sum3A_1228 = arith.constant dense<0.000000e+00> : vector<1xf32>
    %reduce_sum3A_1229 = vector.multi_reduction <add>, %reduce_sum3A_1227, %reduce_sum3A_1228 [1, 2] : vector<1x9x8192xf32> to vector<1xf32>
    %reduce_sum3A_1230 = vector.shape_cast %reduce_sum3A_1229 : vector<1xf32> to vector<1x1x1xf32>
    %reduce_sum3A_1231 = vector.extract %reduce_sum3A_1230[0, 0, 0] : f32 from vector<1x1x1xf32>
    %div3A_1232 = arith.constant 7.372800e+04 : f32
    %div3A_1233 = arith.divf %reduce_sum3A_1231, %div3A_1232 : f32
    %sub3A_1234 = vector.broadcast %div3A_1233 : f32 to vector<9x8192xf32>
    %sub3A_1235 = arith.subf %add3A_950, %sub3A_1234 : vector<9x8192xf32>
    %integer_pow3A_1236 = arith.mulf %sub3A_1235, %sub3A_1235 : vector<9x8192xf32>
    %reduce_sum3A_1237 = vector.shape_cast %integer_pow3A_1236 : vector<9x8192xf32> to vector<1x9x8192xf32>
    %reduce_sum3A_1238 = arith.constant dense<0.000000e+00> : vector<1xf32>
    %reduce_sum3A_1239 = vector.multi_reduction <add>, %reduce_sum3A_1237, %reduce_sum3A_1238 [1, 2] : vector<1x9x8192xf32> to vector<1xf32>
    %reduce_sum3A_1240 = vector.shape_cast %reduce_sum3A_1239 : vector<1xf32> to vector<1x1x1xf32>
    %reduce_sum3A_1241 = vector.extract %reduce_sum3A_1240[0, 0, 0] : f32 from vector<1x1x1xf32>
    %div3A_1242 = arith.constant 7.372800e+04 : f32
    %div3A_1243 = arith.divf %reduce_sum3A_1241, %div3A_1242 : f32
    %get3A_1244 = arith.constant 0 : index
    %get3A_1245 = arith.constant 0 : index
    %get3A_1246 = memref.load %arg7[%get3A_1244, %get3A_1245] : memref<1x7xf32, #tpu.memory_space<smem>>
    %sub3A_1247 = vector.broadcast %div3A_1233 : f32 to vector<9x8192xf32>
    %sub3A_1248 = arith.subf %add3A_950, %sub3A_1247 : vector<9x8192xf32>
    %mul3A_1249 = vector.broadcast %get3A_1246 : f32 to vector<9x8192xf32>
    %mul3A_1250 = arith.mulf %mul3A_1249, %sub3A_1248 : vector<9x8192xf32>
    %add3A_1251 = arith.constant 9.99999974E-6 : f32
    %add3A_1252 = arith.addf %div3A_1243, %add3A_1251 : f32
    %sqrt3A_1253 = math.sqrt %add3A_1252 : f32
    %div3A_1254 = vector.broadcast %sqrt3A_1253 : f32 to vector<9x8192xf32>
    %div3A_1255 = arith.divf %mul3A_1250, %div3A_1254 : vector<9x8192xf32>
    %get3A_1256 = arith.constant 0 : index
    %get3A_1257 = arith.constant 0 : index
    %get3A_1258 = memref.load %arg8[%get3A_1256, %get3A_1257] : memref<1x7xf32, #tpu.memory_space<smem>>
    %add3A_1259 = vector.broadcast %get3A_1258 : f32 to vector<9x8192xf32>
    %add3A_1260 = arith.addf %div3A_1255, %add3A_1259 : vector<9x8192xf32>
    %max3A_1261 = arith.constant 0.000000e+00 : f32
    %max3A_1262 = vector.broadcast %max3A_1261 : f32 to vector<9x8192xf32>
    %max3A_1263 = arith.maximumf %add3A_1260, %max3A_1262 : vector<9x8192xf32>
    %reduce_sum3A_1264 = vector.shape_cast %add3A_996 : vector<9x8192xf32> to vector<1x9x8192xf32>
    %reduce_sum3A_1265 = arith.constant dense<0.000000e+00> : vector<1xf32>
    %reduce_sum3A_1266 = vector.multi_reduction <add>, %reduce_sum3A_1264, %reduce_sum3A_1265 [1, 2] : vector<1x9x8192xf32> to vector<1xf32>
    %reduce_sum3A_1267 = vector.shape_cast %reduce_sum3A_1266 : vector<1xf32> to vector<1x1x1xf32>
    %reduce_sum3A_1268 = vector.extract %reduce_sum3A_1267[0, 0, 0] : f32 from vector<1x1x1xf32>
    %div3A_1269 = arith.constant 7.372800e+04 : f32
    %div3A_1270 = arith.divf %reduce_sum3A_1268, %div3A_1269 : f32
    %sub3A_1271 = vector.broadcast %div3A_1270 : f32 to vector<9x8192xf32>
    %sub3A_1272 = arith.subf %add3A_996, %sub3A_1271 : vector<9x8192xf32>
    %integer_pow3A_1273 = arith.mulf %sub3A_1272, %sub3A_1272 : vector<9x8192xf32>
    %reduce_sum3A_1274 = vector.shape_cast %integer_pow3A_1273 : vector<9x8192xf32> to vector<1x9x8192xf32>
    %reduce_sum3A_1275 = arith.constant dense<0.000000e+00> : vector<1xf32>
    %reduce_sum3A_1276 = vector.multi_reduction <add>, %reduce_sum3A_1274, %reduce_sum3A_1275 [1, 2] : vector<1x9x8192xf32> to vector<1xf32>
    %reduce_sum3A_1277 = vector.shape_cast %reduce_sum3A_1276 : vector<1xf32> to vector<1x1x1xf32>
    %reduce_sum3A_1278 = vector.extract %reduce_sum3A_1277[0, 0, 0] : f32 from vector<1x1x1xf32>
    %div3A_1279 = arith.constant 7.372800e+04 : f32
    %div3A_1280 = arith.divf %reduce_sum3A_1278, %div3A_1279 : f32
    %get3A_1281 = arith.constant 0 : index
    %get3A_1282 = arith.constant 1 : index
    %get3A_1283 = memref.load %arg7[%get3A_1281, %get3A_1282] : memref<1x7xf32, #tpu.memory_space<smem>>
    %sub3A_1284 = vector.broadcast %div3A_1270 : f32 to vector<9x8192xf32>
    %sub3A_1285 = arith.subf %add3A_996, %sub3A_1284 : vector<9x8192xf32>
    %mul3A_1286 = vector.broadcast %get3A_1283 : f32 to vector<9x8192xf32>
    %mul3A_1287 = arith.mulf %mul3A_1286, %sub3A_1285 : vector<9x8192xf32>
    %add3A_1288 = arith.constant 9.99999974E-6 : f32
    %add3A_1289 = arith.addf %div3A_1280, %add3A_1288 : f32
    %sqrt3A_1290 = math.sqrt %add3A_1289 : f32
    %div3A_1291 = vector.broadcast %sqrt3A_1290 : f32 to vector<9x8192xf32>
    %div3A_1292 = arith.divf %mul3A_1287, %div3A_1291 : vector<9x8192xf32>
    %get3A_1293 = arith.constant 0 : index
    %get3A_1294 = arith.constant 1 : index
    %get3A_1295 = memref.load %arg8[%get3A_1293, %get3A_1294] : memref<1x7xf32, #tpu.memory_space<smem>>
    %add3A_1296 = vector.broadcast %get3A_1295 : f32 to vector<9x8192xf32>
    %add3A_1297 = arith.addf %div3A_1292, %add3A_1296 : vector<9x8192xf32>
    %max3A_1298 = arith.constant 0.000000e+00 : f32
    %max3A_1299 = vector.broadcast %max3A_1298 : f32 to vector<9x8192xf32>
    %max3A_1300 = arith.maximumf %add3A_1297, %max3A_1299 : vector<9x8192xf32>
    %reduce_sum3A_1301 = vector.shape_cast %add3A_1042 : vector<9x8192xf32> to vector<1x9x8192xf32>
    %reduce_sum3A_1302 = arith.constant dense<0.000000e+00> : vector<1xf32>
    %reduce_sum3A_1303 = vector.multi_reduction <add>, %reduce_sum3A_1301, %reduce_sum3A_1302 [1, 2] : vector<1x9x8192xf32> to vector<1xf32>
    %reduce_sum3A_1304 = vector.shape_cast %reduce_sum3A_1303 : vector<1xf32> to vector<1x1x1xf32>
    %reduce_sum3A_1305 = vector.extract %reduce_sum3A_1304[0, 0, 0] : f32 from vector<1x1x1xf32>
    %div3A_1306 = arith.constant 7.372800e+04 : f32
    %div3A_1307 = arith.divf %reduce_sum3A_1305, %div3A_1306 : f32
    %sub3A_1308 = vector.broadcast %div3A_1307 : f32 to vector<9x8192xf32>
    %sub3A_1309 = arith.subf %add3A_1042, %sub3A_1308 : vector<9x8192xf32>
    %integer_pow3A_1310 = arith.mulf %sub3A_1309, %sub3A_1309 : vector<9x8192xf32>
    %reduce_sum3A_1311 = vector.shape_cast %integer_pow3A_1310 : vector<9x8192xf32> to vector<1x9x8192xf32>
    %reduce_sum3A_1312 = arith.constant dense<0.000000e+00> : vector<1xf32>
    %reduce_sum3A_1313 = vector.multi_reduction <add>, %reduce_sum3A_1311, %reduce_sum3A_1312 [1, 2] : vector<1x9x8192xf32> to vector<1xf32>
    %reduce_sum3A_1314 = vector.shape_cast %reduce_sum3A_1313 : vector<1xf32> to vector<1x1x1xf32>
    %reduce_sum3A_1315 = vector.extract %reduce_sum3A_1314[0, 0, 0] : f32 from vector<1x1x1xf32>
    %div3A_1316 = arith.constant 7.372800e+04 : f32
    %div3A_1317 = arith.divf %reduce_sum3A_1315, %div3A_1316 : f32
    %get3A_1318 = arith.constant 0 : index
    %get3A_1319 = arith.constant 2 : index
    %get3A_1320 = memref.load %arg7[%get3A_1318, %get3A_1319] : memref<1x7xf32, #tpu.memory_space<smem>>
    %sub3A_1321 = vector.broadcast %div3A_1307 : f32 to vector<9x8192xf32>
    %sub3A_1322 = arith.subf %add3A_1042, %sub3A_1321 : vector<9x8192xf32>
    %mul3A_1323 = vector.broadcast %get3A_1320 : f32 to vector<9x8192xf32>
    %mul3A_1324 = arith.mulf %mul3A_1323, %sub3A_1322 : vector<9x8192xf32>
    %add3A_1325 = arith.constant 9.99999974E-6 : f32
    %add3A_1326 = arith.addf %div3A_1317, %add3A_1325 : f32
    %sqrt3A_1327 = math.sqrt %add3A_1326 : f32
    %div3A_1328 = vector.broadcast %sqrt3A_1327 : f32 to vector<9x8192xf32>
    %div3A_1329 = arith.divf %mul3A_1324, %div3A_1328 : vector<9x8192xf32>
    %get3A_1330 = arith.constant 0 : index
    %get3A_1331 = arith.constant 2 : index
    %get3A_1332 = memref.load %arg8[%get3A_1330, %get3A_1331] : memref<1x7xf32, #tpu.memory_space<smem>>
    %add3A_1333 = vector.broadcast %get3A_1332 : f32 to vector<9x8192xf32>
    %add3A_1334 = arith.addf %div3A_1329, %add3A_1333 : vector<9x8192xf32>
    %max3A_1335 = arith.constant 0.000000e+00 : f32
    %max3A_1336 = vector.broadcast %max3A_1335 : f32 to vector<9x8192xf32>
    %max3A_1337 = arith.maximumf %add3A_1334, %max3A_1336 : vector<9x8192xf32>
    %reduce_sum3A_1338 = vector.shape_cast %add3A_1088 : vector<9x8192xf32> to vector<1x9x8192xf32>
    %reduce_sum3A_1339 = arith.constant dense<0.000000e+00> : vector<1xf32>
    %reduce_sum3A_1340 = vector.multi_reduction <add>, %reduce_sum3A_1338, %reduce_sum3A_1339 [1, 2] : vector<1x9x8192xf32> to vector<1xf32>
    %reduce_sum3A_1341 = vector.shape_cast %reduce_sum3A_1340 : vector<1xf32> to vector<1x1x1xf32>
    %reduce_sum3A_1342 = vector.extract %reduce_sum3A_1341[0, 0, 0] : f32 from vector<1x1x1xf32>
    %div3A_1343 = arith.constant 7.372800e+04 : f32
    %div3A_1344 = arith.divf %reduce_sum3A_1342, %div3A_1343 : f32
    %sub3A_1345 = vector.broadcast %div3A_1344 : f32 to vector<9x8192xf32>
    %sub3A_1346 = arith.subf %add3A_1088, %sub3A_1345 : vector<9x8192xf32>
    %integer_pow3A_1347 = arith.mulf %sub3A_1346, %sub3A_1346 : vector<9x8192xf32>
    %reduce_sum3A_1348 = vector.shape_cast %integer_pow3A_1347 : vector<9x8192xf32> to vector<1x9x8192xf32>
    %reduce_sum3A_1349 = arith.constant dense<0.000000e+00> : vector<1xf32>
    %reduce_sum3A_1350 = vector.multi_reduction <add>, %reduce_sum3A_1348, %reduce_sum3A_1349 [1, 2] : vector<1x9x8192xf32> to vector<1xf32>
    %reduce_sum3A_1351 = vector.shape_cast %reduce_sum3A_1350 : vector<1xf32> to vector<1x1x1xf32>
    %reduce_sum3A_1352 = vector.extract %reduce_sum3A_1351[0, 0, 0] : f32 from vector<1x1x1xf32>
    %div3A_1353 = arith.constant 7.372800e+04 : f32
    %div3A_1354 = arith.divf %reduce_sum3A_1352, %div3A_1353 : f32
    %get3A_1355 = arith.constant 0 : index
    %get3A_1356 = arith.constant 3 : index
    %get3A_1357 = memref.load %arg7[%get3A_1355, %get3A_1356] : memref<1x7xf32, #tpu.memory_space<smem>>
    %sub3A_1358 = vector.broadcast %div3A_1344 : f32 to vector<9x8192xf32>
    %sub3A_1359 = arith.subf %add3A_1088, %sub3A_1358 : vector<9x8192xf32>
    %mul3A_1360 = vector.broadcast %get3A_1357 : f32 to vector<9x8192xf32>
    %mul3A_1361 = arith.mulf %mul3A_1360, %sub3A_1359 : vector<9x8192xf32>
    %add3A_1362 = arith.constant 9.99999974E-6 : f32
    %add3A_1363 = arith.addf %div3A_1354, %add3A_1362 : f32
    %sqrt3A_1364 = math.sqrt %add3A_1363 : f32
    %div3A_1365 = vector.broadcast %sqrt3A_1364 : f32 to vector<9x8192xf32>
    %div3A_1366 = arith.divf %mul3A_1361, %div3A_1365 : vector<9x8192xf32>
    %get3A_1367 = arith.constant 0 : index
    %get3A_1368 = arith.constant 3 : index
    %get3A_1369 = memref.load %arg8[%get3A_1367, %get3A_1368] : memref<1x7xf32, #tpu.memory_space<smem>>
    %add3A_1370 = vector.broadcast %get3A_1369 : f32 to vector<9x8192xf32>
    %add3A_1371 = arith.addf %div3A_1366, %add3A_1370 : vector<9x8192xf32>
    %max3A_1372 = arith.constant 0.000000e+00 : f32
    %max3A_1373 = vector.broadcast %max3A_1372 : f32 to vector<9x8192xf32>
    %max3A_1374 = arith.maximumf %add3A_1371, %max3A_1373 : vector<9x8192xf32>
    %reduce_sum3A_1375 = vector.shape_cast %add3A_1134 : vector<9x8192xf32> to vector<1x9x8192xf32>
    %reduce_sum3A_1376 = arith.constant dense<0.000000e+00> : vector<1xf32>
    %reduce_sum3A_1377 = vector.multi_reduction <add>, %reduce_sum3A_1375, %reduce_sum3A_1376 [1, 2] : vector<1x9x8192xf32> to vector<1xf32>
    %reduce_sum3A_1378 = vector.shape_cast %reduce_sum3A_1377 : vector<1xf32> to vector<1x1x1xf32>
    %reduce_sum3A_1379 = vector.extract %reduce_sum3A_1378[0, 0, 0] : f32 from vector<1x1x1xf32>
    %div3A_1380 = arith.constant 7.372800e+04 : f32
    %div3A_1381 = arith.divf %reduce_sum3A_1379, %div3A_1380 : f32
    %sub3A_1382 = vector.broadcast %div3A_1381 : f32 to vector<9x8192xf32>
    %sub3A_1383 = arith.subf %add3A_1134, %sub3A_1382 : vector<9x8192xf32>
    %integer_pow3A_1384 = arith.mulf %sub3A_1383, %sub3A_1383 : vector<9x8192xf32>
    %reduce_sum3A_1385 = vector.shape_cast %integer_pow3A_1384 : vector<9x8192xf32> to vector<1x9x8192xf32>
    %reduce_sum3A_1386 = arith.constant dense<0.000000e+00> : vector<1xf32>
    %reduce_sum3A_1387 = vector.multi_reduction <add>, %reduce_sum3A_1385, %reduce_sum3A_1386 [1, 2] : vector<1x9x8192xf32> to vector<1xf32>
    %reduce_sum3A_1388 = vector.shape_cast %reduce_sum3A_1387 : vector<1xf32> to vector<1x1x1xf32>
    %reduce_sum3A_1389 = vector.extract %reduce_sum3A_1388[0, 0, 0] : f32 from vector<1x1x1xf32>
    %div3A_1390 = arith.constant 7.372800e+04 : f32
    %div3A_1391 = arith.divf %reduce_sum3A_1389, %div3A_1390 : f32
    %get3A_1392 = arith.constant 0 : index
    %get3A_1393 = arith.constant 4 : index
    %get3A_1394 = memref.load %arg7[%get3A_1392, %get3A_1393] : memref<1x7xf32, #tpu.memory_space<smem>>
    %sub3A_1395 = vector.broadcast %div3A_1381 : f32 to vector<9x8192xf32>
    %sub3A_1396 = arith.subf %add3A_1134, %sub3A_1395 : vector<9x8192xf32>
    %mul3A_1397 = vector.broadcast %get3A_1394 : f32 to vector<9x8192xf32>
    %mul3A_1398 = arith.mulf %mul3A_1397, %sub3A_1396 : vector<9x8192xf32>
    %add3A_1399 = arith.constant 9.99999974E-6 : f32
    %add3A_1400 = arith.addf %div3A_1391, %add3A_1399 : f32
    %sqrt3A_1401 = math.sqrt %add3A_1400 : f32
    %div3A_1402 = vector.broadcast %sqrt3A_1401 : f32 to vector<9x8192xf32>
    %div3A_1403 = arith.divf %mul3A_1398, %div3A_1402 : vector<9x8192xf32>
    %get3A_1404 = arith.constant 0 : index
    %get3A_1405 = arith.constant 4 : index
    %get3A_1406 = memref.load %arg8[%get3A_1404, %get3A_1405] : memref<1x7xf32, #tpu.memory_space<smem>>
    %add3A_1407 = vector.broadcast %get3A_1406 : f32 to vector<9x8192xf32>
    %add3A_1408 = arith.addf %div3A_1403, %add3A_1407 : vector<9x8192xf32>
    %max3A_1409 = arith.constant 0.000000e+00 : f32
    %max3A_1410 = vector.broadcast %max3A_1409 : f32 to vector<9x8192xf32>
    %max3A_1411 = arith.maximumf %add3A_1408, %max3A_1410 : vector<9x8192xf32>
    %reduce_sum3A_1412 = vector.shape_cast %add3A_1180 : vector<9x8192xf32> to vector<1x9x8192xf32>
    %reduce_sum3A_1413 = arith.constant dense<0.000000e+00> : vector<1xf32>
    %reduce_sum3A_1414 = vector.multi_reduction <add>, %reduce_sum3A_1412, %reduce_sum3A_1413 [1, 2] : vector<1x9x8192xf32> to vector<1xf32>
    %reduce_sum3A_1415 = vector.shape_cast %reduce_sum3A_1414 : vector<1xf32> to vector<1x1x1xf32>
    %reduce_sum3A_1416 = vector.extract %reduce_sum3A_1415[0, 0, 0] : f32 from vector<1x1x1xf32>
    %div3A_1417 = arith.constant 7.372800e+04 : f32
    %div3A_1418 = arith.divf %reduce_sum3A_1416, %div3A_1417 : f32
    %sub3A_1419 = vector.broadcast %div3A_1418 : f32 to vector<9x8192xf32>
    %sub3A_1420 = arith.subf %add3A_1180, %sub3A_1419 : vector<9x8192xf32>
    %integer_pow3A_1421 = arith.mulf %sub3A_1420, %sub3A_1420 : vector<9x8192xf32>
    %reduce_sum3A_1422 = vector.shape_cast %integer_pow3A_1421 : vector<9x8192xf32> to vector<1x9x8192xf32>
    %reduce_sum3A_1423 = arith.constant dense<0.000000e+00> : vector<1xf32>
    %reduce_sum3A_1424 = vector.multi_reduction <add>, %reduce_sum3A_1422, %reduce_sum3A_1423 [1, 2] : vector<1x9x8192xf32> to vector<1xf32>
    %reduce_sum3A_1425 = vector.shape_cast %reduce_sum3A_1424 : vector<1xf32> to vector<1x1x1xf32>
    %reduce_sum3A_1426 = vector.extract %reduce_sum3A_1425[0, 0, 0] : f32 from vector<1x1x1xf32>
    %div3A_1427 = arith.constant 7.372800e+04 : f32
    %div3A_1428 = arith.divf %reduce_sum3A_1426, %div3A_1427 : f32
    %get3A_1429 = arith.constant 0 : index
    %get3A_1430 = arith.constant 5 : index
    %get3A_1431 = memref.load %arg7[%get3A_1429, %get3A_1430] : memref<1x7xf32, #tpu.memory_space<smem>>
    %sub3A_1432 = vector.broadcast %div3A_1418 : f32 to vector<9x8192xf32>
    %sub3A_1433 = arith.subf %add3A_1180, %sub3A_1432 : vector<9x8192xf32>
    %mul3A_1434 = vector.broadcast %get3A_1431 : f32 to vector<9x8192xf32>
    %mul3A_1435 = arith.mulf %mul3A_1434, %sub3A_1433 : vector<9x8192xf32>
    %add3A_1436 = arith.constant 9.99999974E-6 : f32
    %add3A_1437 = arith.addf %div3A_1428, %add3A_1436 : f32
    %sqrt3A_1438 = math.sqrt %add3A_1437 : f32
    %div3A_1439 = vector.broadcast %sqrt3A_1438 : f32 to vector<9x8192xf32>
    %div3A_1440 = arith.divf %mul3A_1435, %div3A_1439 : vector<9x8192xf32>
    %get3A_1441 = arith.constant 0 : index
    %get3A_1442 = arith.constant 5 : index
    %get3A_1443 = memref.load %arg8[%get3A_1441, %get3A_1442] : memref<1x7xf32, #tpu.memory_space<smem>>
    %add3A_1444 = vector.broadcast %get3A_1443 : f32 to vector<9x8192xf32>
    %add3A_1445 = arith.addf %div3A_1440, %add3A_1444 : vector<9x8192xf32>
    %max3A_1446 = arith.constant 0.000000e+00 : f32
    %max3A_1447 = vector.broadcast %max3A_1446 : f32 to vector<9x8192xf32>
    %max3A_1448 = arith.maximumf %add3A_1445, %max3A_1447 : vector<9x8192xf32>
    %reduce_sum3A_1449 = vector.shape_cast %add3A_1226 : vector<9x8192xf32> to vector<1x9x8192xf32>
    %reduce_sum3A_1450 = arith.constant dense<0.000000e+00> : vector<1xf32>
    %reduce_sum3A_1451 = vector.multi_reduction <add>, %reduce_sum3A_1449, %reduce_sum3A_1450 [1, 2] : vector<1x9x8192xf32> to vector<1xf32>
    %reduce_sum3A_1452 = vector.shape_cast %reduce_sum3A_1451 : vector<1xf32> to vector<1x1x1xf32>
    %reduce_sum3A_1453 = vector.extract %reduce_sum3A_1452[0, 0, 0] : f32 from vector<1x1x1xf32>
    %div3A_1454 = arith.constant 7.372800e+04 : f32
    %div3A_1455 = arith.divf %reduce_sum3A_1453, %div3A_1454 : f32
    %sub3A_1456 = vector.broadcast %div3A_1455 : f32 to vector<9x8192xf32>
    %sub3A_1457 = arith.subf %add3A_1226, %sub3A_1456 : vector<9x8192xf32>
    %integer_pow3A_1458 = arith.mulf %sub3A_1457, %sub3A_1457 : vector<9x8192xf32>
    %reduce_sum3A_1459 = vector.shape_cast %integer_pow3A_1458 : vector<9x8192xf32> to vector<1x9x8192xf32>
    %reduce_sum3A_1460 = arith.constant dense<0.000000e+00> : vector<1xf32>
    %reduce_sum3A_1461 = vector.multi_reduction <add>, %reduce_sum3A_1459, %reduce_sum3A_1460 [1, 2] : vector<1x9x8192xf32> to vector<1xf32>
    %reduce_sum3A_1462 = vector.shape_cast %reduce_sum3A_1461 : vector<1xf32> to vector<1x1x1xf32>
    %reduce_sum3A_1463 = vector.extract %reduce_sum3A_1462[0, 0, 0] : f32 from vector<1x1x1xf32>
    %div3A_1464 = arith.constant 7.372800e+04 : f32
    %div3A_1465 = arith.divf %reduce_sum3A_1463, %div3A_1464 : f32
    %get3A_1466 = arith.constant 0 : index
    %get3A_1467 = arith.constant 6 : index
    %get3A_1468 = memref.load %arg7[%get3A_1466, %get3A_1467] : memref<1x7xf32, #tpu.memory_space<smem>>
    %sub3A_1469 = vector.broadcast %div3A_1455 : f32 to vector<9x8192xf32>
    %sub3A_1470 = arith.subf %add3A_1226, %sub3A_1469 : vector<9x8192xf32>
    %mul3A_1471 = vector.broadcast %get3A_1468 : f32 to vector<9x8192xf32>
    %mul3A_1472 = arith.mulf %mul3A_1471, %sub3A_1470 : vector<9x8192xf32>
    %add3A_1473 = arith.constant 9.99999974E-6 : f32
    %add3A_1474 = arith.addf %div3A_1465, %add3A_1473 : f32
    %sqrt3A_1475 = math.sqrt %add3A_1474 : f32
    %div3A_1476 = vector.broadcast %sqrt3A_1475 : f32 to vector<9x8192xf32>
    %div3A_1477 = arith.divf %mul3A_1472, %div3A_1476 : vector<9x8192xf32>
    %get3A_1478 = arith.constant 0 : index
    %get3A_1479 = arith.constant 6 : index
    %get3A_1480 = memref.load %arg8[%get3A_1478, %get3A_1479] : memref<1x7xf32, #tpu.memory_space<smem>>
    %add3A_1481 = vector.broadcast %get3A_1480 : f32 to vector<9x8192xf32>
    %add3A_1482 = arith.addf %div3A_1477, %add3A_1481 : vector<9x8192xf32>
    %max3A_1483 = arith.constant 0.000000e+00 : f32
    %max3A_1484 = vector.broadcast %max3A_1483 : f32 to vector<9x8192xf32>
    %max3A_1485 = arith.maximumf %add3A_1482, %max3A_1484 : vector<9x8192xf32>
    %get3A_1486 = arith.constant 0 : index
    %get3A_1487 = arith.constant 0 : index
    %get3A_1488 = memref.load %arg9[%get3A_1486, %get3A_1487] : memref<1x49xf32, #tpu.memory_space<smem>>
    %mul3A_1489 = vector.broadcast %get3A_1488 : f32 to vector<9x8192xf32>
    %mul3A_1490 = arith.mulf %max3A_1263, %mul3A_1489 : vector<9x8192xf32>
    %get3A_1491 = arith.constant 0 : index
    %get3A_1492 = arith.constant 1 : index
    %get3A_1493 = memref.load %arg9[%get3A_1491, %get3A_1492] : memref<1x49xf32, #tpu.memory_space<smem>>
    %mul3A_1494 = vector.broadcast %get3A_1493 : f32 to vector<9x8192xf32>
    %mul3A_1495 = arith.mulf %max3A_1300, %mul3A_1494 : vector<9x8192xf32>
    %add3A_1496 = arith.addf %mul3A_1490, %mul3A_1495 : vector<9x8192xf32>
    %get3A_1497 = arith.constant 0 : index
    %get3A_1498 = arith.constant 2 : index
    %get3A_1499 = memref.load %arg9[%get3A_1497, %get3A_1498] : memref<1x49xf32, #tpu.memory_space<smem>>
    %mul3A_1500 = vector.broadcast %get3A_1499 : f32 to vector<9x8192xf32>
    %mul3A_1501 = arith.mulf %max3A_1337, %mul3A_1500 : vector<9x8192xf32>
    %add3A_1502 = arith.addf %add3A_1496, %mul3A_1501 : vector<9x8192xf32>
    %get3A_1503 = arith.constant 0 : index
    %get3A_1504 = arith.constant 3 : index
    %get3A_1505 = memref.load %arg9[%get3A_1503, %get3A_1504] : memref<1x49xf32, #tpu.memory_space<smem>>
    %mul3A_1506 = vector.broadcast %get3A_1505 : f32 to vector<9x8192xf32>
    %mul3A_1507 = arith.mulf %max3A_1374, %mul3A_1506 : vector<9x8192xf32>
    %add3A_1508 = arith.addf %add3A_1502, %mul3A_1507 : vector<9x8192xf32>
    %get3A_1509 = arith.constant 0 : index
    %get3A_1510 = arith.constant 4 : index
    %get3A_1511 = memref.load %arg9[%get3A_1509, %get3A_1510] : memref<1x49xf32, #tpu.memory_space<smem>>
    %mul3A_1512 = vector.broadcast %get3A_1511 : f32 to vector<9x8192xf32>
    %mul3A_1513 = arith.mulf %max3A_1411, %mul3A_1512 : vector<9x8192xf32>
    %add3A_1514 = arith.addf %add3A_1508, %mul3A_1513 : vector<9x8192xf32>
    %get3A_1515 = arith.constant 0 : index
    %get3A_1516 = arith.constant 5 : index
    %get3A_1517 = memref.load %arg9[%get3A_1515, %get3A_1516] : memref<1x49xf32, #tpu.memory_space<smem>>
    %mul3A_1518 = vector.broadcast %get3A_1517 : f32 to vector<9x8192xf32>
    %mul3A_1519 = arith.mulf %max3A_1448, %mul3A_1518 : vector<9x8192xf32>
    %add3A_1520 = arith.addf %add3A_1514, %mul3A_1519 : vector<9x8192xf32>
    %get3A_1521 = arith.constant 0 : index
    %get3A_1522 = arith.constant 6 : index
    %get3A_1523 = memref.load %arg9[%get3A_1521, %get3A_1522] : memref<1x49xf32, #tpu.memory_space<smem>>
    %mul3A_1524 = vector.broadcast %get3A_1523 : f32 to vector<9x8192xf32>
    %mul3A_1525 = arith.mulf %max3A_1485, %mul3A_1524 : vector<9x8192xf32>
    %add3A_1526 = arith.addf %add3A_1520, %mul3A_1525 : vector<9x8192xf32>
    %get3A_1527 = arith.constant 0 : index
    %get3A_1528 = arith.constant 0 : index
    %get3A_1529 = memref.load %arg10[%get3A_1527, %get3A_1528] : memref<1x7xf32, #tpu.memory_space<smem>>
    %add3A_1530 = vector.broadcast %get3A_1529 : f32 to vector<9x8192xf32>
    %add3A_1531 = arith.addf %add3A_1526, %add3A_1530 : vector<9x8192xf32>
    %get3A_1532 = arith.constant 0 : index
    %get3A_1533 = arith.constant 7 : index
    %get3A_1534 = memref.load %arg9[%get3A_1532, %get3A_1533] : memref<1x49xf32, #tpu.memory_space<smem>>
    %mul3A_1535 = vector.broadcast %get3A_1534 : f32 to vector<9x8192xf32>
    %mul3A_1536 = arith.mulf %max3A_1263, %mul3A_1535 : vector<9x8192xf32>
    %get3A_1537 = arith.constant 0 : index
    %get3A_1538 = arith.constant 8 : index
    %get3A_1539 = memref.load %arg9[%get3A_1537, %get3A_1538] : memref<1x49xf32, #tpu.memory_space<smem>>
    %mul3A_1540 = vector.broadcast %get3A_1539 : f32 to vector<9x8192xf32>
    %mul3A_1541 = arith.mulf %max3A_1300, %mul3A_1540 : vector<9x8192xf32>
    %add3A_1542 = arith.addf %mul3A_1536, %mul3A_1541 : vector<9x8192xf32>
    %get3A_1543 = arith.constant 0 : index
    %get3A_1544 = arith.constant 9 : index
    %get3A_1545 = memref.load %arg9[%get3A_1543, %get3A_1544] : memref<1x49xf32, #tpu.memory_space<smem>>
    %mul3A_1546 = vector.broadcast %get3A_1545 : f32 to vector<9x8192xf32>
    %mul3A_1547 = arith.mulf %max3A_1337, %mul3A_1546 : vector<9x8192xf32>
    %add3A_1548 = arith.addf %add3A_1542, %mul3A_1547 : vector<9x8192xf32>
    %get3A_1549 = arith.constant 0 : index
    %get3A_1550 = arith.constant 10 : index
    %get3A_1551 = memref.load %arg9[%get3A_1549, %get3A_1550] : memref<1x49xf32, #tpu.memory_space<smem>>
    %mul3A_1552 = vector.broadcast %get3A_1551 : f32 to vector<9x8192xf32>
    %mul3A_1553 = arith.mulf %max3A_1374, %mul3A_1552 : vector<9x8192xf32>
    %add3A_1554 = arith.addf %add3A_1548, %mul3A_1553 : vector<9x8192xf32>
    %get3A_1555 = arith.constant 0 : index
    %get3A_1556 = arith.constant 11 : index
    %get3A_1557 = memref.load %arg9[%get3A_1555, %get3A_1556] : memref<1x49xf32, #tpu.memory_space<smem>>
    %mul3A_1558 = vector.broadcast %get3A_1557 : f32 to vector<9x8192xf32>
    %mul3A_1559 = arith.mulf %max3A_1411, %mul3A_1558 : vector<9x8192xf32>
    %add3A_1560 = arith.addf %add3A_1554, %mul3A_1559 : vector<9x8192xf32>
    %get3A_1561 = arith.constant 0 : index
    %get3A_1562 = arith.constant 12 : index
    %get3A_1563 = memref.load %arg9[%get3A_1561, %get3A_1562] : memref<1x49xf32, #tpu.memory_space<smem>>
    %mul3A_1564 = vector.broadcast %get3A_1563 : f32 to vector<9x8192xf32>
    %mul3A_1565 = arith.mulf %max3A_1448, %mul3A_1564 : vector<9x8192xf32>
    %add3A_1566 = arith.addf %add3A_1560, %mul3A_1565 : vector<9x8192xf32>
    %get3A_1567 = arith.constant 0 : index
    %get3A_1568 = arith.constant 13 : index
    %get3A_1569 = memref.load %arg9[%get3A_1567, %get3A_1568] : memref<1x49xf32, #tpu.memory_space<smem>>
    %mul3A_1570 = vector.broadcast %get3A_1569 : f32 to vector<9x8192xf32>
    %mul3A_1571 = arith.mulf %max3A_1485, %mul3A_1570 : vector<9x8192xf32>
    %add3A_1572 = arith.addf %add3A_1566, %mul3A_1571 : vector<9x8192xf32>
    %get3A_1573 = arith.constant 0 : index
    %get3A_1574 = arith.constant 1 : index
    %get3A_1575 = memref.load %arg10[%get3A_1573, %get3A_1574] : memref<1x7xf32, #tpu.memory_space<smem>>
    %add3A_1576 = vector.broadcast %get3A_1575 : f32 to vector<9x8192xf32>
    %add3A_1577 = arith.addf %add3A_1572, %add3A_1576 : vector<9x8192xf32>
    %get3A_1578 = arith.constant 0 : index
    %get3A_1579 = arith.constant 14 : index
    %get3A_1580 = memref.load %arg9[%get3A_1578, %get3A_1579] : memref<1x49xf32, #tpu.memory_space<smem>>
    %mul3A_1581 = vector.broadcast %get3A_1580 : f32 to vector<9x8192xf32>
    %mul3A_1582 = arith.mulf %max3A_1263, %mul3A_1581 : vector<9x8192xf32>
    %get3A_1583 = arith.constant 0 : index
    %get3A_1584 = arith.constant 15 : index
    %get3A_1585 = memref.load %arg9[%get3A_1583, %get3A_1584] : memref<1x49xf32, #tpu.memory_space<smem>>
    %mul3A_1586 = vector.broadcast %get3A_1585 : f32 to vector<9x8192xf32>
    %mul3A_1587 = arith.mulf %max3A_1300, %mul3A_1586 : vector<9x8192xf32>
    %add3A_1588 = arith.addf %mul3A_1582, %mul3A_1587 : vector<9x8192xf32>
    %get3A_1589 = arith.constant 0 : index
    %get3A_1590 = arith.constant 16 : index
    %get3A_1591 = memref.load %arg9[%get3A_1589, %get3A_1590] : memref<1x49xf32, #tpu.memory_space<smem>>
    %mul3A_1592 = vector.broadcast %get3A_1591 : f32 to vector<9x8192xf32>
    %mul3A_1593 = arith.mulf %max3A_1337, %mul3A_1592 : vector<9x8192xf32>
    %add3A_1594 = arith.addf %add3A_1588, %mul3A_1593 : vector<9x8192xf32>
    %get3A_1595 = arith.constant 0 : index
    %get3A_1596 = arith.constant 17 : index
    %get3A_1597 = memref.load %arg9[%get3A_1595, %get3A_1596] : memref<1x49xf32, #tpu.memory_space<smem>>
    %mul3A_1598 = vector.broadcast %get3A_1597 : f32 to vector<9x8192xf32>
    %mul3A_1599 = arith.mulf %max3A_1374, %mul3A_1598 : vector<9x8192xf32>
    %add3A_1600 = arith.addf %add3A_1594, %mul3A_1599 : vector<9x8192xf32>
    %get3A_1601 = arith.constant 0 : index
    %get3A_1602 = arith.constant 18 : index
    %get3A_1603 = memref.load %arg9[%get3A_1601, %get3A_1602] : memref<1x49xf32, #tpu.memory_space<smem>>
    %mul3A_1604 = vector.broadcast %get3A_1603 : f32 to vector<9x8192xf32>
    %mul3A_1605 = arith.mulf %max3A_1411, %mul3A_1604 : vector<9x8192xf32>
    %add3A_1606 = arith.addf %add3A_1600, %mul3A_1605 : vector<9x8192xf32>
    %get3A_1607 = arith.constant 0 : index
    %get3A_1608 = arith.constant 19 : index
    %get3A_1609 = memref.load %arg9[%get3A_1607, %get3A_1608] : memref<1x49xf32, #tpu.memory_space<smem>>
    %mul3A_1610 = vector.broadcast %get3A_1609 : f32 to vector<9x8192xf32>
    %mul3A_1611 = arith.mulf %max3A_1448, %mul3A_1610 : vector<9x8192xf32>
    %add3A_1612 = arith.addf %add3A_1606, %mul3A_1611 : vector<9x8192xf32>
    %get3A_1613 = arith.constant 0 : index
    %get3A_1614 = arith.constant 20 : index
    %get3A_1615 = memref.load %arg9[%get3A_1613, %get3A_1614] : memref<1x49xf32, #tpu.memory_space<smem>>
    %mul3A_1616 = vector.broadcast %get3A_1615 : f32 to vector<9x8192xf32>
    %mul3A_1617 = arith.mulf %max3A_1485, %mul3A_1616 : vector<9x8192xf32>
    %add3A_1618 = arith.addf %add3A_1612, %mul3A_1617 : vector<9x8192xf32>
    %get3A_1619 = arith.constant 0 : index
    %get3A_1620 = arith.constant 2 : index
    %get3A_1621 = memref.load %arg10[%get3A_1619, %get3A_1620] : memref<1x7xf32, #tpu.memory_space<smem>>
    %add3A_1622 = vector.broadcast %get3A_1621 : f32 to vector<9x8192xf32>
    %add3A_1623 = arith.addf %add3A_1618, %add3A_1622 : vector<9x8192xf32>
    %get3A_1624 = arith.constant 0 : index
    %get3A_1625 = arith.constant 21 : index
    %get3A_1626 = memref.load %arg9[%get3A_1624, %get3A_1625] : memref<1x49xf32, #tpu.memory_space<smem>>
    %mul3A_1627 = vector.broadcast %get3A_1626 : f32 to vector<9x8192xf32>
    %mul3A_1628 = arith.mulf %max3A_1263, %mul3A_1627 : vector<9x8192xf32>
    %get3A_1629 = arith.constant 0 : index
    %get3A_1630 = arith.constant 22 : index
    %get3A_1631 = memref.load %arg9[%get3A_1629, %get3A_1630] : memref<1x49xf32, #tpu.memory_space<smem>>
    %mul3A_1632 = vector.broadcast %get3A_1631 : f32 to vector<9x8192xf32>
    %mul3A_1633 = arith.mulf %max3A_1300, %mul3A_1632 : vector<9x8192xf32>
    %add3A_1634 = arith.addf %mul3A_1628, %mul3A_1633 : vector<9x8192xf32>
    %get3A_1635 = arith.constant 0 : index
    %get3A_1636 = arith.constant 23 : index
    %get3A_1637 = memref.load %arg9[%get3A_1635, %get3A_1636] : memref<1x49xf32, #tpu.memory_space<smem>>
    %mul3A_1638 = vector.broadcast %get3A_1637 : f32 to vector<9x8192xf32>
    %mul3A_1639 = arith.mulf %max3A_1337, %mul3A_1638 : vector<9x8192xf32>
    %add3A_1640 = arith.addf %add3A_1634, %mul3A_1639 : vector<9x8192xf32>
    %get3A_1641 = arith.constant 0 : index
    %get3A_1642 = arith.constant 24 : index
    %get3A_1643 = memref.load %arg9[%get3A_1641, %get3A_1642] : memref<1x49xf32, #tpu.memory_space<smem>>
    %mul3A_1644 = vector.broadcast %get3A_1643 : f32 to vector<9x8192xf32>
    %mul3A_1645 = arith.mulf %max3A_1374, %mul3A_1644 : vector<9x8192xf32>
    %add3A_1646 = arith.addf %add3A_1640, %mul3A_1645 : vector<9x8192xf32>
    %get3A_1647 = arith.constant 0 : index
    %get3A_1648 = arith.constant 25 : index
    %get3A_1649 = memref.load %arg9[%get3A_1647, %get3A_1648] : memref<1x49xf32, #tpu.memory_space<smem>>
    %mul3A_1650 = vector.broadcast %get3A_1649 : f32 to vector<9x8192xf32>
    %mul3A_1651 = arith.mulf %max3A_1411, %mul3A_1650 : vector<9x8192xf32>
    %add3A_1652 = arith.addf %add3A_1646, %mul3A_1651 : vector<9x8192xf32>
    %get3A_1653 = arith.constant 0 : index
    %get3A_1654 = arith.constant 26 : index
    %get3A_1655 = memref.load %arg9[%get3A_1653, %get3A_1654] : memref<1x49xf32, #tpu.memory_space<smem>>
    %mul3A_1656 = vector.broadcast %get3A_1655 : f32 to vector<9x8192xf32>
    %mul3A_1657 = arith.mulf %max3A_1448, %mul3A_1656 : vector<9x8192xf32>
    %add3A_1658 = arith.addf %add3A_1652, %mul3A_1657 : vector<9x8192xf32>
    %get3A_1659 = arith.constant 0 : index
    %get3A_1660 = arith.constant 27 : index
    %get3A_1661 = memref.load %arg9[%get3A_1659, %get3A_1660] : memref<1x49xf32, #tpu.memory_space<smem>>
    %mul3A_1662 = vector.broadcast %get3A_1661 : f32 to vector<9x8192xf32>
    %mul3A_1663 = arith.mulf %max3A_1485, %mul3A_1662 : vector<9x8192xf32>
    %add3A_1664 = arith.addf %add3A_1658, %mul3A_1663 : vector<9x8192xf32>
    %get3A_1665 = arith.constant 0 : index
    %get3A_1666 = arith.constant 3 : index
    %get3A_1667 = memref.load %arg10[%get3A_1665, %get3A_1666] : memref<1x7xf32, #tpu.memory_space<smem>>
    %add3A_1668 = vector.broadcast %get3A_1667 : f32 to vector<9x8192xf32>
    %add3A_1669 = arith.addf %add3A_1664, %add3A_1668 : vector<9x8192xf32>
    %get3A_1670 = arith.constant 0 : index
    %get3A_1671 = arith.constant 28 : index
    %get3A_1672 = memref.load %arg9[%get3A_1670, %get3A_1671] : memref<1x49xf32, #tpu.memory_space<smem>>
    %mul3A_1673 = vector.broadcast %get3A_1672 : f32 to vector<9x8192xf32>
    %mul3A_1674 = arith.mulf %max3A_1263, %mul3A_1673 : vector<9x8192xf32>
    %get3A_1675 = arith.constant 0 : index
    %get3A_1676 = arith.constant 29 : index
    %get3A_1677 = memref.load %arg9[%get3A_1675, %get3A_1676] : memref<1x49xf32, #tpu.memory_space<smem>>
    %mul3A_1678 = vector.broadcast %get3A_1677 : f32 to vector<9x8192xf32>
    %mul3A_1679 = arith.mulf %max3A_1300, %mul3A_1678 : vector<9x8192xf32>
    %add3A_1680 = arith.addf %mul3A_1674, %mul3A_1679 : vector<9x8192xf32>
    %get3A_1681 = arith.constant 0 : index
    %get3A_1682 = arith.constant 30 : index
    %get3A_1683 = memref.load %arg9[%get3A_1681, %get3A_1682] : memref<1x49xf32, #tpu.memory_space<smem>>
    %mul3A_1684 = vector.broadcast %get3A_1683 : f32 to vector<9x8192xf32>
    %mul3A_1685 = arith.mulf %max3A_1337, %mul3A_1684 : vector<9x8192xf32>
    %add3A_1686 = arith.addf %add3A_1680, %mul3A_1685 : vector<9x8192xf32>
    %get3A_1687 = arith.constant 0 : index
    %get3A_1688 = arith.constant 31 : index
    %get3A_1689 = memref.load %arg9[%get3A_1687, %get3A_1688] : memref<1x49xf32, #tpu.memory_space<smem>>
    %mul3A_1690 = vector.broadcast %get3A_1689 : f32 to vector<9x8192xf32>
    %mul3A_1691 = arith.mulf %max3A_1374, %mul3A_1690 : vector<9x8192xf32>
    %add3A_1692 = arith.addf %add3A_1686, %mul3A_1691 : vector<9x8192xf32>
    %get3A_1693 = arith.constant 0 : index
    %get3A_1694 = arith.constant 32 : index
    %get3A_1695 = memref.load %arg9[%get3A_1693, %get3A_1694] : memref<1x49xf32, #tpu.memory_space<smem>>
    %mul3A_1696 = vector.broadcast %get3A_1695 : f32 to vector<9x8192xf32>
    %mul3A_1697 = arith.mulf %max3A_1411, %mul3A_1696 : vector<9x8192xf32>
    %add3A_1698 = arith.addf %add3A_1692, %mul3A_1697 : vector<9x8192xf32>
    %get3A_1699 = arith.constant 0 : index
    %get3A_1700 = arith.constant 33 : index
    %get3A_1701 = memref.load %arg9[%get3A_1699, %get3A_1700] : memref<1x49xf32, #tpu.memory_space<smem>>
    %mul3A_1702 = vector.broadcast %get3A_1701 : f32 to vector<9x8192xf32>
    %mul3A_1703 = arith.mulf %max3A_1448, %mul3A_1702 : vector<9x8192xf32>
    %add3A_1704 = arith.addf %add3A_1698, %mul3A_1703 : vector<9x8192xf32>
    %get3A_1705 = arith.constant 0 : index
    %get3A_1706 = arith.constant 34 : index
    %get3A_1707 = memref.load %arg9[%get3A_1705, %get3A_1706] : memref<1x49xf32, #tpu.memory_space<smem>>
    %mul3A_1708 = vector.broadcast %get3A_1707 : f32 to vector<9x8192xf32>
    %mul3A_1709 = arith.mulf %max3A_1485, %mul3A_1708 : vector<9x8192xf32>
    %add3A_1710 = arith.addf %add3A_1704, %mul3A_1709 : vector<9x8192xf32>
    %get3A_1711 = arith.constant 0 : index
    %get3A_1712 = arith.constant 4 : index
    %get3A_1713 = memref.load %arg10[%get3A_1711, %get3A_1712] : memref<1x7xf32, #tpu.memory_space<smem>>
    %add3A_1714 = vector.broadcast %get3A_1713 : f32 to vector<9x8192xf32>
    %add3A_1715 = arith.addf %add3A_1710, %add3A_1714 : vector<9x8192xf32>
    %get3A_1716 = arith.constant 0 : index
    %get3A_1717 = arith.constant 35 : index
    %get3A_1718 = memref.load %arg9[%get3A_1716, %get3A_1717] : memref<1x49xf32, #tpu.memory_space<smem>>
    %mul3A_1719 = vector.broadcast %get3A_1718 : f32 to vector<9x8192xf32>
    %mul3A_1720 = arith.mulf %max3A_1263, %mul3A_1719 : vector<9x8192xf32>
    %get3A_1721 = arith.constant 0 : index
    %get3A_1722 = arith.constant 36 : index
    %get3A_1723 = memref.load %arg9[%get3A_1721, %get3A_1722] : memref<1x49xf32, #tpu.memory_space<smem>>
    %mul3A_1724 = vector.broadcast %get3A_1723 : f32 to vector<9x8192xf32>
    %mul3A_1725 = arith.mulf %max3A_1300, %mul3A_1724 : vector<9x8192xf32>
    %add3A_1726 = arith.addf %mul3A_1720, %mul3A_1725 : vector<9x8192xf32>
    %get3A_1727 = arith.constant 0 : index
    %get3A_1728 = arith.constant 37 : index
    %get3A_1729 = memref.load %arg9[%get3A_1727, %get3A_1728] : memref<1x49xf32, #tpu.memory_space<smem>>
    %mul3A_1730 = vector.broadcast %get3A_1729 : f32 to vector<9x8192xf32>
    %mul3A_1731 = arith.mulf %max3A_1337, %mul3A_1730 : vector<9x8192xf32>
    %add3A_1732 = arith.addf %add3A_1726, %mul3A_1731 : vector<9x8192xf32>
    %get3A_1733 = arith.constant 0 : index
    %get3A_1734 = arith.constant 38 : index
    %get3A_1735 = memref.load %arg9[%get3A_1733, %get3A_1734] : memref<1x49xf32, #tpu.memory_space<smem>>
    %mul3A_1736 = vector.broadcast %get3A_1735 : f32 to vector<9x8192xf32>
    %mul3A_1737 = arith.mulf %max3A_1374, %mul3A_1736 : vector<9x8192xf32>
    %add3A_1738 = arith.addf %add3A_1732, %mul3A_1737 : vector<9x8192xf32>
    %get3A_1739 = arith.constant 0 : index
    %get3A_1740 = arith.constant 39 : index
    %get3A_1741 = memref.load %arg9[%get3A_1739, %get3A_1740] : memref<1x49xf32, #tpu.memory_space<smem>>
    %mul3A_1742 = vector.broadcast %get3A_1741 : f32 to vector<9x8192xf32>
    %mul3A_1743 = arith.mulf %max3A_1411, %mul3A_1742 : vector<9x8192xf32>
    %add3A_1744 = arith.addf %add3A_1738, %mul3A_1743 : vector<9x8192xf32>
    %get3A_1745 = arith.constant 0 : index
    %get3A_1746 = arith.constant 40 : index
    %get3A_1747 = memref.load %arg9[%get3A_1745, %get3A_1746] : memref<1x49xf32, #tpu.memory_space<smem>>
    %mul3A_1748 = vector.broadcast %get3A_1747 : f32 to vector<9x8192xf32>
    %mul3A_1749 = arith.mulf %max3A_1448, %mul3A_1748 : vector<9x8192xf32>
    %add3A_1750 = arith.addf %add3A_1744, %mul3A_1749 : vector<9x8192xf32>
    %get3A_1751 = arith.constant 0 : index
    %get3A_1752 = arith.constant 41 : index
    %get3A_1753 = memref.load %arg9[%get3A_1751, %get3A_1752] : memref<1x49xf32, #tpu.memory_space<smem>>
    %mul3A_1754 = vector.broadcast %get3A_1753 : f32 to vector<9x8192xf32>
    %mul3A_1755 = arith.mulf %max3A_1485, %mul3A_1754 : vector<9x8192xf32>
    %add3A_1756 = arith.addf %add3A_1750, %mul3A_1755 : vector<9x8192xf32>
    %get3A_1757 = arith.constant 0 : index
    %get3A_1758 = arith.constant 5 : index
    %get3A_1759 = memref.load %arg10[%get3A_1757, %get3A_1758] : memref<1x7xf32, #tpu.memory_space<smem>>
    %add3A_1760 = vector.broadcast %get3A_1759 : f32 to vector<9x8192xf32>
    %add3A_1761 = arith.addf %add3A_1756, %add3A_1760 : vector<9x8192xf32>
    %get3A_1762 = arith.constant 0 : index
    %get3A_1763 = arith.constant 42 : index
    %get3A_1764 = memref.load %arg9[%get3A_1762, %get3A_1763] : memref<1x49xf32, #tpu.memory_space<smem>>
    %mul3A_1765 = vector.broadcast %get3A_1764 : f32 to vector<9x8192xf32>
    %mul3A_1766 = arith.mulf %max3A_1263, %mul3A_1765 : vector<9x8192xf32>
    %get3A_1767 = arith.constant 0 : index
    %get3A_1768 = arith.constant 43 : index
    %get3A_1769 = memref.load %arg9[%get3A_1767, %get3A_1768] : memref<1x49xf32, #tpu.memory_space<smem>>
    %mul3A_1770 = vector.broadcast %get3A_1769 : f32 to vector<9x8192xf32>
    %mul3A_1771 = arith.mulf %max3A_1300, %mul3A_1770 : vector<9x8192xf32>
    %add3A_1772 = arith.addf %mul3A_1766, %mul3A_1771 : vector<9x8192xf32>
    %get3A_1773 = arith.constant 0 : index
    %get3A_1774 = arith.constant 44 : index
    %get3A_1775 = memref.load %arg9[%get3A_1773, %get3A_1774] : memref<1x49xf32, #tpu.memory_space<smem>>
    %mul3A_1776 = vector.broadcast %get3A_1775 : f32 to vector<9x8192xf32>
    %mul3A_1777 = arith.mulf %max3A_1337, %mul3A_1776 : vector<9x8192xf32>
    %add3A_1778 = arith.addf %add3A_1772, %mul3A_1777 : vector<9x8192xf32>
    %get3A_1779 = arith.constant 0 : index
    %get3A_1780 = arith.constant 45 : index
    %get3A_1781 = memref.load %arg9[%get3A_1779, %get3A_1780] : memref<1x49xf32, #tpu.memory_space<smem>>
    %mul3A_1782 = vector.broadcast %get3A_1781 : f32 to vector<9x8192xf32>
    %mul3A_1783 = arith.mulf %max3A_1374, %mul3A_1782 : vector<9x8192xf32>
    %add3A_1784 = arith.addf %add3A_1778, %mul3A_1783 : vector<9x8192xf32>
    %get3A_1785 = arith.constant 0 : index
    %get3A_1786 = arith.constant 46 : index
    %get3A_1787 = memref.load %arg9[%get3A_1785, %get3A_1786] : memref<1x49xf32, #tpu.memory_space<smem>>
    %mul3A_1788 = vector.broadcast %get3A_1787 : f32 to vector<9x8192xf32>
    %mul3A_1789 = arith.mulf %max3A_1411, %mul3A_1788 : vector<9x8192xf32>
    %add3A_1790 = arith.addf %add3A_1784, %mul3A_1789 : vector<9x8192xf32>
    %get3A_1791 = arith.constant 0 : index
    %get3A_1792 = arith.constant 47 : index
    %get3A_1793 = memref.load %arg9[%get3A_1791, %get3A_1792] : memref<1x49xf32, #tpu.memory_space<smem>>
    %mul3A_1794 = vector.broadcast %get3A_1793 : f32 to vector<9x8192xf32>
    %mul3A_1795 = arith.mulf %max3A_1448, %mul3A_1794 : vector<9x8192xf32>
    %add3A_1796 = arith.addf %add3A_1790, %mul3A_1795 : vector<9x8192xf32>
    %get3A_1797 = arith.constant 0 : index
    %get3A_1798 = arith.constant 48 : index
    %get3A_1799 = memref.load %arg9[%get3A_1797, %get3A_1798] : memref<1x49xf32, #tpu.memory_space<smem>>
    %mul3A_1800 = vector.broadcast %get3A_1799 : f32 to vector<9x8192xf32>
    %mul3A_1801 = arith.mulf %max3A_1485, %mul3A_1800 : vector<9x8192xf32>
    %add3A_1802 = arith.addf %add3A_1796, %mul3A_1801 : vector<9x8192xf32>
    %get3A_1803 = arith.constant 0 : index
    %get3A_1804 = arith.constant 6 : index
    %get3A_1805 = memref.load %arg10[%get3A_1803, %get3A_1804] : memref<1x7xf32, #tpu.memory_space<smem>>
    %add3A_1806 = vector.broadcast %get3A_1805 : f32 to vector<9x8192xf32>
    %add3A_1807 = arith.addf %add3A_1802, %add3A_1806 : vector<9x8192xf32>
    %reduce_max3A = arith.constant dense<0xFF800000> : vector<8192xf32>
    %reduce_max3A_1808 = vector.multi_reduction <maximumf>, %add3A_1531, %reduce_max3A [0] : vector<9x8192xf32> to vector<8192xf32>
    %broadcast_in_dim3A_1809 = vector.shape_cast %reduce_max3A_1808 : vector<8192xf32> to vector<1x8192xf32>
    %reduce_max3A_1810 = arith.constant dense<0xFF800000> : vector<8192xf32>
    %reduce_max3A_1811 = vector.multi_reduction <maximumf>, %add3A_1577, %reduce_max3A_1810 [0] : vector<9x8192xf32> to vector<8192xf32>
    %broadcast_in_dim3A_1812 = vector.shape_cast %reduce_max3A_1811 : vector<8192xf32> to vector<1x8192xf32>
    %reduce_max3A_1813 = arith.constant dense<0xFF800000> : vector<8192xf32>
    %reduce_max3A_1814 = vector.multi_reduction <maximumf>, %add3A_1623, %reduce_max3A_1813 [0] : vector<9x8192xf32> to vector<8192xf32>
    %broadcast_in_dim3A_1815 = vector.shape_cast %reduce_max3A_1814 : vector<8192xf32> to vector<1x8192xf32>
    %reduce_max3A_1816 = arith.constant dense<0xFF800000> : vector<8192xf32>
    %reduce_max3A_1817 = vector.multi_reduction <maximumf>, %add3A_1669, %reduce_max3A_1816 [0] : vector<9x8192xf32> to vector<8192xf32>
    %broadcast_in_dim3A_1818 = vector.shape_cast %reduce_max3A_1817 : vector<8192xf32> to vector<1x8192xf32>
    %reduce_max3A_1819 = arith.constant dense<0xFF800000> : vector<8192xf32>
    %reduce_max3A_1820 = vector.multi_reduction <maximumf>, %add3A_1715, %reduce_max3A_1819 [0] : vector<9x8192xf32> to vector<8192xf32>
    %broadcast_in_dim3A_1821 = vector.shape_cast %reduce_max3A_1820 : vector<8192xf32> to vector<1x8192xf32>
    %reduce_max3A_1822 = arith.constant dense<0xFF800000> : vector<8192xf32>
    %reduce_max3A_1823 = vector.multi_reduction <maximumf>, %add3A_1761, %reduce_max3A_1822 [0] : vector<9x8192xf32> to vector<8192xf32>
    %broadcast_in_dim3A_1824 = vector.shape_cast %reduce_max3A_1823 : vector<8192xf32> to vector<1x8192xf32>
    %reduce_max3A_1825 = arith.constant dense<0xFF800000> : vector<8192xf32>
    %reduce_max3A_1826 = vector.multi_reduction <maximumf>, %add3A_1807, %reduce_max3A_1825 [0] : vector<9x8192xf32> to vector<8192xf32>
    %broadcast_in_dim3A_1827 = vector.shape_cast %reduce_max3A_1826 : vector<8192xf32> to vector<1x8192xf32>
    %concatenate3A_1828 = tpu.concatenate %broadcast_in_dim3A_1809, %broadcast_in_dim3A_1812, %broadcast_in_dim3A_1815, %broadcast_in_dim3A_1818, %broadcast_in_dim3A_1821, %broadcast_in_dim3A_1824, %broadcast_in_dim3A_1827 in 0 : vector<1x8192xf32>, vector<1x8192xf32>, vector<1x8192xf32>, vector<1x8192xf32>, vector<1x8192xf32>, vector<1x8192xf32>, vector<1x8192xf32> -> vector<7x8192xf32>
    %swap3A = arith.constant 0 : index
    %swap3A_1829 = arith.constant 0 : index
    %swap3A_1830 = vector.load %arg11[%swap3A, %swap3A_1829] : memref<7x8192xf32, #tpu.memory_space<vmem>>, vector<7x8192xf32>
    tpu.vector_store %arg11[%swap3A, %swap3A_1829], %concatenate3A_1828 {strides = array<i32>} : memref<7x8192xf32, #tpu.memory_space<vmem>>, vector<7x8192xf32>,
    return
  }
}

</mosaic_0001>

<sc_bundles>
// kernel: kernel.5.cloned.1.call-start
scs
__scs_entry_jumppad:
0x0: {  	(pc) =	sbr.rel $0x88, $3  }
0x1: {  	(tag) =	ssettag $0x0;
	lr =	simm.s32 $0x1  }
0x2: {  	[smem:$0x3F97] =	sst lr;
	_ =	strace $0xD0000000  }
0x3: {  	_ = 	snop  }
0x4: {  	_ = 	snop  }
0x5: {  	_ = 	snop  }
0x6: {  	_ = 	snop  }
0x7: {  	_ = 	snop  }
__scs_overlays_trampoline_lowered:
0x8: {  	[smem:$0x3FA6] =	sst s0  }
0x9: {  	[smem:$0x3FA7] =	sst s1  }
0xa: {  	[smem:$0x3FA8] =	sst s2  }
0xb: {  	[smem:$0x3FA9] =	sst s3  }
0xc: {  	[smem:$0x3FAA] =	sst s4  }
0xd: {  	[smem:$0x3FAB] =	sst s5  }
0xe: {  	[smem:$0x3FAC] =	sst s6  }
0xf: {  	[smem:$0x3FAD] =	sst s7  }
0x10: {  	[smem:$0x3FAE] =	sst s8  }
0x11: {  	[smem:$0x3FAF] =	sst s9;
	s0 =	simm.s32 @!p0 $0x0  }
0x12: {  	s1 =	sld [smem:$0x3F95];
	s0 =	simm.s32 @p0 $0x1  }
0x13: {  	[smem:$0x3FB0] =	sst s0;
	s0 =	simm.s32 @!p1 $0x0  }
0x14: {  	s2 =	sld [smem:$0x3F94];
	s0 =	simm.s32 @p1 $0x1  }
0x15: {  	[smem:$0x3FB1] =	sst s0;
	s0 =	simm.s32 @!p2 $0x0  }
0x16: {  	s3 =	sld [smem:$0x3FDB];
	s0 =	simm.s32 @p2 $0x1  }
0x17: {  	s4 =	simm.s32 $0x1BF5;
	[smem:$0x3FB3] =	sst s0  }
0x18: {  	s0 =	sld [smem:$0x3F96];
	_ =	swait.ge [sflag:s4], $0x0  }
0x19: {  	s7 =	sld [smem:$0x3F97]  }
0x1a: {  	s8 =	sadd.s32 $0xFFFFE003, lr  }
0x1b: {  	s9 =	sadd.s32 $0xFFFFFEF7, lr;
	s5 =	simm.s32 $0xFFFFFFFF;
	p2 =	slt.u32 s8, $0xFFFFF086  }
0x1c: {  	p1 =	slt.u32 s9, $0xF7A;
	s5 =	simm.s32 @!p2 $0x0  }
0x1d: {  	s5 =	simm.s32 @p1 $0x1;
	p0 =	seq.s32 s7, s2  }
0x1e: {  	s7 =	smul.u32 @!p0 $0xF7A, s2;
	p2 =	seq.s32 @!p0 s5, $0x0  }
0x1f: {  	s9 =	smul.u32 $0xF7A, s1;
	s8 =	simm.s32 @!p0 $0x1BF5;
	p2 =	por !p2, p0  }
0x20: {  	[sflag:s8] =	ssyncset.s32 @!p0 $0xFFFFF086;
	s6 =	sadd.s32 @!p0 s3, s7;
	s7 =	simm.s32 @!p0 $0x108  }
0x21: {  	s3 =	sadd.s32 s3, s9;
	s6 =	sadd.s32 @!p0 $0x88, s6;
	s7 =	simm.s32 @p2 $0x1082  }
0x22: {  	[simem:s7], [sflag:s8] =	dma.local @!p0 [hbm:s6], $0xF7A  }
0x23: {  	s9 =	sor.u32 $0xD0000000, s2;
	s6 =	simm.s32 $0x108;
	_ =	swait.ge @!p0 [sflag:s8], $0x0  }
0x24: {  	s3 =	sadd.s32 $0x88, s3;
	s6 =	simm.s32 @!p1 $0x1082;
	[sflag:s4] =	ssyncset.s32 $0xFFFFF086  }
0x25: {  	[simem:s6], [sflag:s4] =	dma.local [hbm:s3], $0xF7A  }
0x26: {  	[smem:$0x3F97] =	sst s1;
	(tag) =	ssettag s2;
	_ =	strace s9  }
0x27: {  	s1 =	sld [smem:$0x3FA7]  }
0x28: {  	s2 =	sld [smem:$0x3FA8]  }
0x29: {  	s4 =	sld [smem:$0x3FAA]  }
0x2a: {  	p0 =	seq.s32 s5, $0x0;
	s5 =	sld [smem:$0x3FAB]  }
0x2b: {  	s6 =	sld [smem:$0x3FAC]  }
0x2c: {  	s7 =	sld [smem:$0x3FAD]  }
0x2d: {  	s3 =	simm.s32 $0x108;
	s8 =	sld [smem:$0x3FAE]  }
0x2e: {  	s3 =	simm.s32 @!p0 $0x1082;
	s9 =	sld [smem:$0x3FAF]  }
0x2f: {  	lr =	sadd.s32 s0, s3;
	s0 =	sld [smem:$0x3FA6]  }
0x30: {  	s3 =	sld [smem:$0x3FA9]  }
0x31: {  	[smem:$0x3FB2] =	sst s10  }
0x32: {  	s10 =	sld [smem:$0x3FB0];
	_ =	sdelay $0x3  }
0x33: {  	p0 =	seq.s32 s10, $0x1;
	s10 =	sld [smem:$0x3FB2];
	_ =	sdelay $0x3  }
0x34: {  	[smem:$0x3FB2] =	sst s10  }
0x35: {  	s10 =	sld [smem:$0x3FB1];
	_ =	sdelay $0x3  }
0x36: {  	p1 =	seq.s32 s10, $0x1;
	s10 =	sld [smem:$0x3FB2];
	_ =	sdelay $0x3  }
0x37: {  	[smem:$0x3FB2] =	sst s10  }
0x38: {  	s10 =	sld [smem:$0x3FB3]  }
0x39: {  	_ = 	snop;
	(pc) =	sbr.ind lr, $3  }
0x3a: {  	_ = 	snop  }
0x3b: {  	_ = 	snop  }
0x3c: {  	p2 =	seq.s32 s10, $0x1;
	s10 =	sld [smem:$0x3FB2]  }
0x3d: {  	_ =	shalt  }
0x3e: {  	_ =	shalt  }
0x3f: {  	_ =	shalt  }
0x40: {  	_ =	shalt  }
0x41: {  	_ =	shalt  }
0x42: {  	_ =	shalt  }
0x43: {  	_ =	shalt  }
0x44: {  	_ =	shalt  }
0x45: {  	_ =	shalt  }
0x46: {  	_ =	shalt  }
0x47: {  	_ =	shalt  }
0x48: {  	_ =	shalt  }
0x49: {  	_ =	shalt  }
0x4a: {  	_ =	shalt  }
0x4b: {  	_ =	shalt  }
0x4c: {  	_ =	shalt  }
0x4d: {  	_ =	shalt  }
0x4e: {  	_ =	shalt  }
0x4f: {  	_ =	shalt  }
0x50: {  	_ =	shalt  }
0x51: {  	_ =	shalt  }
0x52: {  	_ =	shalt  }
0x53: {  	_ =	shalt  }
0x54: {  	_ =	shalt  }
0x55: {  	_ =	shalt  }
0x56: {  	_ =	shalt  }
0x57: {  	_ =	shalt  }
0x58: {  	_ =	shalt  }
0x59: {  	_ =	shalt  }
0x5a: {  	_ =	shalt  }
0x5b: {  	_ =	shalt  }
0x5c: {  	_ =	shalt  }
0x5d: {  	_ =	shalt  }
0x5e: {  	_ =	shalt  }
0x5f: {  	_ =	shalt  }
0x60: {  	_ =	shalt  }
0x61: {  	_ =	shalt  }
0x62: {  	_ =	shalt  }
0x63: {  	_ =	shalt  }
0x64: {  	_ =	shalt  }
0x65: {  	_ =	shalt  }
0x66: {  	_ =	shalt  }
0x67: {  	_ =	shalt  }
0x68: {  	_ =	shalt  }
0x69: {  	_ =	shalt  }
0x6a: {  	_ =	shalt  }
0x6b: {  	_ =	shalt  }
0x6c: {  	_ =	shalt  }
0x6d: {  	_ =	shalt  }
0x6e: {  	_ =	shalt  }
0x6f: {  	_ =	shalt  }
0x70: {  	_ =	shalt  }
0x71: {  	_ =	shalt  }
0x72: {  	_ =	shalt  }
0x73: {  	_ =	shalt  }
0x74: {  	_ =	shalt  }
0x75: {  	_ =	shalt  }
0x76: {  	_ =	shalt  }
0x77: {  	_ =	shalt  }
0x78: {  	_ =	shalt  }
0x79: {  	_ =	shalt  }
0x7a: {  	_ =	shalt  }
0x7b: {  	_ =	shalt  }
0x7c: {  	_ =	shalt  }
0x7d: {  	_ =	shalt  }
0x7e: {  	_ =	shalt  }
0x7f: {  	_ =	shalt  }
0x80: {  	_ =	shalt  }
0x81: {  	_ =	shalt  }
0x82: {  	_ =	shalt  }
0x83: {  	_ =	shalt  }
0x84: {  	_ =	shalt  }
0x85: {  	_ =	shalt  }
0x86: {  	_ =	shalt  }
0x87: {  	_ =	shalt  }
.Lfunc_end0:
.L_simem_size_0:
called_computation_lowered:
.L_overlay_start_0:
0x88: {  	s2 =	sld [smem:$0x3FD9]  }
0x89: {  	s3 =	sld [smem:$0x3FFE];
	_ =	sdelay $0x1  }
0x8a: {  	s1 =	srdreg.scid  }
0x8b: {  	s0 =	sand.u32 $0x1, s1  }
0x8c: {  	s17 =	sshll.u32 s0, $0xA;
	s2 =	sadd.s32 s3, s2  }
0x8d: {  	s2 =	sadd.s32 s2, s17  }
0x8e: {  	[smem:$0x3FBE] =	sst s2  }
0x8f: {  	_ = 	snop  }
0x90: {  	s2 =	sld [smem:$0x3FD0];
	(tm) =	ssettm $0x1  }
0x91: {  	s18 =	sld [smem:$0x3FFB];
	_ =	sdelay $0x3  }
0x92: {  	_ =	strace s18  }
0x93: {  	s3 =	sld [smem:$0x3FFC];
	_ =	sdelay $0x3  }
0x94: {  	_ =	strace s3  }
0x95: {  	s3 =	sld [smem:$0x3FFD];
	_ =	sdelay $0x3  }
0x96: {  	_ =	strace s3  }
0x97: {  	_ =	strace $0x8FFFFFFF  }
0x98: {  	s19 =	sld [smem:$0x3FDB];
	_ =	sdelay $0x1  }
0x99: {  	s4 =	simm.s32 $_scs_section_size  }
0x9a: {  	s5 =	simm.s32 $_size__tile_overlayer_lowered;
	s6 =	simm.s32 $_tile_overlayer_lowered  }
0x9b: {  	s22 =	simm.s32 $0x1BFF;
	s21 =	sshll.u32 s6, $0x1;
	s3 =	sadd.s32 s4, s19  }
0x9c: {  	s7 =	simm.s32 $0x0;
	s20 =	sshll.u32 s5, $0x1;
	s5 =	sadd.s32 s21, s3  }
0x9d: {  	[timem:s7], [sflag:s22] =	dma.local [hbm:s5], s20  }
0x9e: {  	_ =	swait.ge [sflag:s22], s20  }
0x9f: {  	s4 =	ssub.s32 $0x0, s20;
	[sflag:s22] =	ssyncset.done $0x0  }
0xa0: {  	[sflag:s22] =	ssyncadd.s32 s4;
	_ =	sdelay $0x1  }
0xa1: {  	s23 =	simm.s32 $0x1B8B  }
0xa2: {  	_ =	swait.ge [sflag:s23], $0x1  }
0xa3: {  	[sflag:s23] =	ssyncset.done $0x0  }
0xa4: {  	s25 =	simm.s32 $0x1B8E;
	s24 =	sld [smem:$0x3FFE];
	[sflag:s23] =	ssyncadd.s32 $0xFFFFFFFF  }
0xa5: {  	s26 =	simm.s32 $execute0_lowered;
	[smem:$0x3FD2] =	sst s25  }
0xa6: {  	s5 =	sshll.u32 s26, $0x1;
	_ =	strace $0x80000046;
	[dreg:$0x1] =	wrdreg $0xFFFFFFFF  }
0xa7: {  	s28 =	simm.s32 $_size_execute0_lowered;
	s3 =	sadd.s32 s3, s5;
	[dreg:$0x0] =	wrdreg $0x0  }
0xa8: {  	s5 =	sshll.u32 s28, $0x1;
	[dreg:$0x2] =	wrdreg s3  }
0xa9: {  	[dreg:$0x3] =	wrdreg s5  }
0xaa: {  	[dreg:$0x4] =	wrdreg $0xC0  }
0xab: {  	_ =	task [dreg:s7], $0x5FFFF  }
0xac: {  	[dreg:$0x1] =	wrdreg $0xFFFFFFFF  }
0xad: {  	[dreg:$0x0] =	wrdreg $0x60  }
0xae: {  	[dreg:$0x2] =	wrdreg s24  }
0xaf: {  	[dreg:$0x3] =	wrdreg s2  }
0xb0: {  	[dreg:$0x4] =	wrdreg $0x9  }
0xb1: {  	_ =	task.clear_ibuf [dreg:s7], $0x5FFFF;
	_ =	strace $0x90000046  }
0xb2: {  	s29 =	simm.s32 $0x9;
	_ =	strace $0x80000048  }
0xb3: {  	_ =	swait.ge [sflag:s29], $0x1  }
0xb4: {  	[sflag:s29] =	ssyncadd.s32 $0xFFFFFFFF  }
0xb5: {  	_ =	strace $0x90000048  }
0xb6: {  	_ =	sfence  }
0xb7: {  	s30 =	sld [smem:$0x0];
	_ =	sdelay $0x2  }
0xb8: {  	s31 =	sshll.u32 s1, $0xD;
	s1 =	sshrl.u32 s1, $0x2  }
0xb9: {  	s3 =	sand.u32 $0x4000, s31;
	s1 =	sadd.s32 s1, s30  }
0xba: {  	s0 =	sor.u32 s3, s0;
	s1 =	sshll.u32 s1, $0x11  }
0xbb: {  	s0 =	sor.u32 s1, s0  }
0xbc: {  	s0 =	sadd.s32 $0x8F2B, s0  }
0xbd: {  	[sflag:s0] =	ssyncadd.remote.s32 $0x1  }
0xbe: {  	_ =	sfence.sel $0xFFFF  }
0xbf: {  	[dreg:$0x0] =	wrdreg $0xFFFFFFFF;
	(pc) =	sbr.abs _section_cstart, $3  }
0xc0: {  	[dreg:$0x1] =	wrdreg $0xFFFFFFFF  }
0xc1: {  	_ =	task.clear_ibuf [dreg:s7], $0x2FFFF;
	_ =	strace $0x9FFFFFFF  }
0xc2: {  	(tm) =	ssettm $0x7FFFFFFF  }
0xc3: {  	_ =	shalt  }
tec
execute0_lowered:
.L_overlay_start_1:
0x0: {  	(tag) =	ssettag $0x1  }
0x1: {  	s2 =	stileid.u32;
	s4 =	rddreg [dreg:$0x0]  }
0x2: {  	s3 =	rddreg [dreg:$0x1];
	s8 =	sshll.u32 s2, $0x1;
	s2 =	simm.s32 $0x0  }
0x3: {  	s10 =	simm.s32 $0x1100;
	[smem:$0x7FF] =	sst s2  }
0x4: {  	s11 =	simm.s32 $0x100;
	_ =	strace $0x80000047;
	[dreg:$0x5] =	wrdreg s10  }
0x5: {  	s12 =	simm.s32 $0x1900;
	[dreg:$0x6] =	wrdreg s11  }
0x6: {  	s13 =	simm.s32 $0x180;
	[dreg:$0x7] =	wrdreg s12  }
0x7: {  	s0 =	srdreg.scid;
	s14 =	simm.s32 $0x2100;
	[dreg:$0x8] =	wrdreg s13  }
0x8: {  	s15 =	simm.s32 $0x200;
	s1 =	sand.u32 $0x1, s0;
	[dreg:$0x9] =	wrdreg s14  }
0x9: {  	s16 =	simm.s32 $0x2900;
	s0 =	sor.u32 s1, s8;
	[dreg:$0xa] =	wrdreg s15  }
0xa: {  	s17 =	simm.s32 $0x280;
	s5 =	smul.u32 $0x1200, s0;
	[dreg:$0xb] =	wrdreg s16  }
0xb: {  	s18 =	simm.s32 $0x3100;
	s0 =	smul.u32 $0x120, s0;
	[dreg:$0xc] =	wrdreg s17  }
0xc: {  	s20 =	simm.s32 $0x300;
	[dreg:$0xd] =	wrdreg s18  }
0xd: {  	[dreg:$0xe] =	wrdreg s20;
	s5 =	sadd.s32 s5, s4;
	s0 =	sadd.s32 s3, s0  }
0xe: {  	[dreg:$0x3] =	wrdreg s0;
	s9 =	sadd.s32 $0x5400, s5  }
0xf: {  	[dreg:$0x4] =	wrdreg s9  }
0x10: {  	s3 =	simm.s32 $0x2;
	s19 =	rddreg [dreg:$0x3]  }
0x11: {  	[tilespmem:s2], [sflag:$0x2] =	stream.linear.gather [hbm4b:s19+s2], $0x900, $0x38;
	[tilespmem:$0x9900] =	vst v63  }
0x12: {  	_ =	swait.ge [sflag:s3], $0x900  }
0x13: {  	s21 =	rddreg [dreg:$0xd]  }
0x14: {  	s6 =	simm.s32 $0x900;
	s7 =	rddreg [dreg:$0xb]  }
0x15: {  	s4 =	sadd.s32 $0x1400, s4;
	s8 =	rddreg [dreg:$0x6];
	[sflag:s3] =	ssyncset.done $0x0  }
0x16: {  	s5 =	simm.s32 $0x80;
	s9 =	rddreg [dreg:$0x5];
	[sflag:s3] =	ssyncadd.s32 $0xFFFFF700  }
0x17: {  	[tilespmem:s6], [sflag:$0x1] =	stream.indirect.gather [hbm4b:s4+s5], $0x10, s2, s5, $0xb8;
	[tilespmem:$0x9900] =	vst v63  }
0x18: {  	s10 =	rddreg [dreg:$0x7]  }
0x19: {  	[tilespmem:s9], [sflag:$0x1] =	stream.indirect.gather [hbm4b:s4+s5], $0x10, s5, s5, $0xb8;
	[tilespmem:$0x9900] =	vst v63  }
0x1a: {  	s11 =	rddreg [dreg:$0x9]  }
0x1b: {  	[tilespmem:s10], [sflag:$0x1] =	stream.indirect.gather [hbm4b:s4+s5], $0x10, s8, s5, $0xb8;
	[tilespmem:$0x9900] =	vst v63  }
0x1c: {  	s22 =	rddreg [dreg:$0x8]  }
0x1d: {  	[tilespmem:s11], [sflag:$0x1] =	stream.indirect.gather [hbm4b:s4+s5], $0x10, s22, s5, $0xb8;
	[tilespmem:$0x9900] =	vst v63  }
0x1e: {  	s23 =	rddreg [dreg:$0xa]  }
0x1f: {  	[tilespmem:s7], [sflag:$0x1] =	stream.indirect.gather [hbm4b:s4+s5], $0x10, s23, s5, $0xb8;
	[tilespmem:$0x9900] =	vst v63  }
0x20: {  	s24 =	rddreg [dreg:$0xc]  }
0x21: {  	[tilespmem:s21], [sflag:$0x1] =	stream.indirect.gather [hbm4b:s4+s5], $0x10, s24, s5, $0xb8;
	[tilespmem:$0x9900] =	vst v63  }
0x22: {  	s26 =	simm.s32 $0x3900;
	s25 =	rddreg [dreg:$0xe]  }
0x23: {  	[tilespmem:s26], [sflag:$0x1] =	stream.indirect.gather [hbm4b:s4+s5], $0x10, s25, s5, $0xb8;
	[tilespmem:$0x9900] =	vst v63  }
0x24: {  	s8 =	simm.s32 $0x4100;
	s7 =	simm.s32 $0x380  }
0x25: {  	[tilespmem:s8], [sflag:$0x1] =	stream.indirect.gather [hbm4b:s4+s5], $0x10, s7, s5, $0xb8;
	[tilespmem:$0x9900] =	vst v63  }
0x26: {  	s9 =	simm.s32 $0x400;
	s10 =	simm.s32 $0x4900  }
0x27: {  	[tilespmem:s10], [sflag:$0x1] =	stream.indirect.gather [hbm4b:s4+s5], $0x10, s9, s5, $0xb8;
	[tilespmem:$0x9900] =	vst v63  }
0x28: {  	s12 =	simm.s32 $0x480;
	s13 =	simm.s32 $0x5100  }
0x29: {  	[tilespmem:s13], [sflag:$0x1] =	stream.indirect.gather [hbm4b:s4+s5], $0x10, s12, s5, $0xb8;
	[tilespmem:$0x9900] =	vst v63  }
0x2a: {  	s14 =	simm.s32 $0x500;
	s15 =	simm.s32 $0x5900  }
0x2b: {  	[tilespmem:s15], [sflag:$0x1] =	stream.indirect.gather [hbm4b:s4+s5], $0x10, s14, s5, $0xb8;
	[tilespmem:$0x9900] =	vst v63  }
0x2c: {  	s16 =	simm.s32 $0x580;
	s17 =	simm.s32 $0x6100  }
0x2d: {  	[tilespmem:s17], [sflag:$0x1] =	stream.indirect.gather [hbm4b:s4+s5], $0x10, s16, s5, $0xb8;
	[tilespmem:$0x9900] =	vst v63  }
0x2e: {  	s18 =	simm.s32 $0x600;
	s19 =	simm.s32 $0x6900  }
0x2f: {  	[tilespmem:s19], [sflag:$0x1] =	stream.indirect.gather [hbm4b:s4+s5], $0x10, s18, s5, $0xb8;
	[tilespmem:$0x9900] =	vst v63  }
0x30: {  	s20 =	simm.s32 $0x680;
	s21 =	simm.s32 $0x7100  }
0x31: {  	[tilespmem:s21], [sflag:$0x1] =	stream.indirect.gather [hbm4b:s4+s5], $0x10, s20, s5, $0xb8;
	[tilespmem:$0x9900] =	vst v63  }
0x32: {  	s22 =	simm.s32 $0x700;
	s23 =	simm.s32 $0x7900  }
0x33: {  	[tilespmem:s23], [sflag:$0x1] =	stream.indirect.gather [hbm4b:s4+s5], $0x10, s22, s5, $0xb8;
	[tilespmem:$0x9900] =	vst v63  }
0x34: {  	s24 =	simm.s32 $0x780;
	s25 =	simm.s32 $0x8100  }
0x35: {  	[tilespmem:s25], [sflag:$0x1] =	stream.indirect.gather [hbm4b:s4+s5], $0x10, s24, s5, $0xb8;
	[tilespmem:$0x9900] =	vst v63  }
0x36: {  	s28 =	simm.s32 $0x8900;
	s26 =	simm.s32 $0x800  }
0x37: {  	[tilespmem:s28], [sflag:$0x1] =	stream.indirect.gather [hbm4b:s4+s5], $0x10, s26, s5, $0xb8;
	[tilespmem:$0x9900] =	vst v63  }
0x38: {  	s29 =	simm.s32 $0x880;
	s30 =	simm.s32 $0x9100;
	s31 =	simm.s32 $0x1  }
0x39: {  	[tilespmem:s30], [sflag:$0x1] =	stream.indirect.gather [hbm4b:s4+s5], $0x10, s29, s5, $0xb8;
	[tilespmem:$0x9900] =	vst v63  }
0x3a: {  	_ =	swait.ge [sflag:s31], $0x800  }
0x3b: {  	[sflag:s31] =	ssyncset.done $0x0  }
0x3c: {  	[sflag:s31] =	ssyncadd.s32 $0xFFFFF800  }
0x3d: {  	_ =	swait.ge [sflag:s31], $0x800  }
0x3e: {  	[sflag:s31] =	ssyncset.done $0x0  }
0x3f: {  	[sflag:s31] =	ssyncadd.s32 $0xFFFFF800  }
0x40: {  	_ =	swait.ge [sflag:s31], $0x800  }
0x41: {  	[sflag:s31] =	ssyncset.done $0x0  }
0x42: {  	[sflag:s31] =	ssyncadd.s32 $0xFFFFF800  }
0x43: {  	_ =	swait.ge [sflag:s31], $0x800  }
0x44: {  	[sflag:s31] =	ssyncset.done $0x0  }
0x45: {  	[sflag:s31] =	ssyncadd.s32 $0xFFFFF800  }
0x46: {  	_ =	swait.ge [sflag:s31], $0x800  }
0x47: {  	[sflag:s31] =	ssyncset.done $0x0  }
0x48: {  	[sflag:s31] =	ssyncadd.s32 $0xFFFFF800  }
0x49: {  	_ =	swait.ge [sflag:s31], $0x800  }
0x4a: {  	[sflag:s31] =	ssyncset.done $0x0  }
0x4b: {  	[sflag:s31] =	ssyncadd.s32 $0xFFFFF800  }
0x4c: {  	_ =	swait.ge [sflag:s31], $0x800  }
0x4d: {  	[sflag:s31] =	ssyncset.done $0x0  }
0x4e: {  	[sflag:s31] =	ssyncadd.s32 $0xFFFFF800  }
0x4f: {  	_ =	swait.ge [sflag:s31], $0x800  }
0x50: {  	[sflag:s31] =	ssyncset.done $0x0  }
0x51: {  	[sflag:s31] =	ssyncadd.s32 $0xFFFFF800  }
0x52: {  	_ =	swait.ge [sflag:s31], $0x800  }
0x53: {  	[sflag:s31] =	ssyncset.done $0x0  }
0x54: {  	[sflag:s31] =	ssyncadd.s32 $0xFFFFF800  }
0x55: {  	_ =	swait.ge [sflag:s31], $0x800  }
0x56: {  	[sflag:s31] =	ssyncset.done $0x0  }
0x57: {  	[sflag:s31] =	ssyncadd.s32 $0xFFFFF800  }
0x58: {  	_ =	swait.ge [sflag:s31], $0x800  }
0x59: {  	[sflag:s31] =	ssyncset.done $0x0  }
0x5a: {  	[sflag:s31] =	ssyncadd.s32 $0xFFFFF800  }
0x5b: {  	_ =	swait.ge [sflag:s31], $0x800  }
0x5c: {  	[sflag:s31] =	ssyncset.done $0x0  }
0x5d: {  	[sflag:s31] =	ssyncadd.s32 $0xFFFFF800  }
0x5e: {  	_ =	swait.ge [sflag:s31], $0x800  }
0x5f: {  	[sflag:s31] =	ssyncset.done $0x0  }
0x60: {  	[sflag:s31] =	ssyncadd.s32 $0xFFFFF800  }
0x61: {  	_ =	swait.ge [sflag:s31], $0x800  }
0x62: {  	[sflag:s31] =	ssyncset.done $0x0  }
0x63: {  	[sflag:s31] =	ssyncadd.s32 $0xFFFFF800  }
0x64: {  	_ =	swait.ge [sflag:s31], $0x800  }
0x65: {  	[sflag:s31] =	ssyncset.done $0x0  }
0x66: {  	s11 =	ssub.s32 $0x2, s1;
	[sflag:s31] =	ssyncadd.s32 $0xFFFFF800  }
0x67: {  	s1 =	sshrl.u32 s11, $0x1;
	_ =	swait.ge [sflag:s31], $0x800  }
0x68: {  	s0 =	ssub.s32 s11, s1;
	[sflag:s31] =	ssyncset.done $0x0  }
0x69: {  	s0 =	smax.u32 s0, $0x1;
	[sflag:s31] =	ssyncadd.s32 $0xFFFFF800  }
0x6a: {  	p0 =	sne.s32 s0, $0x1;
	_ =	swait.ge [sflag:s31], $0x800  }
.Ltmp0:
0x6b: {  	[sflag:s31] =	ssyncset.done $0x0;
	(pc) =	sbr.rel @!p0 .LBB2_2-.Ltmp0, $4  }
0x6c: {  	[sflag:s31] =	ssyncadd.s32 $0xFFFFF800  }
0x6d: {  	_ =	swait.ge [sflag:s31], $0x800  }
0x6e: {  	[sflag:s31] =	ssyncset.done $0x0  }
0x6f: {  	s1 =	sadd.s32 $0xFFFFFFFF, s0;
	s0 =	rddreg [dreg:$0x4];
	[sflag:s31] =	ssyncadd.s32 $0xFFFFF800  }
.LBB2_1:
0x70: {  	[hbm4b:s0+s2] =	stream.linear.scatter [tilespmem:s6], [sflag:$0x2], $0x9000, $0x38;
	[tilespmem:$0x9900] =	vst v63  }
0x71: {  	_ =	swait.ge [sflag:s3], $0x9000  }
0x72: {  	[sflag:s3] =	ssyncset.done $0x0  }
0x73: {  	s9 =	rddreg [dreg:$0x3];
	[sflag:s3] =	ssyncadd.s32 $0xFFFF7000  }
0x74: {  	[tilespmem:s2], [sflag:$0x2] =	stream.linear.gather [hbm4b:s9+s2], $0x900, $0x38;
	[tilespmem:$0x9900] =	vst v63  }
0x75: {  	_ =	swait.ge [sflag:s3], $0x900  }
0x76: {  	s0 =	rddreg [dreg:$0xd]  }
0x77: {  	s7 =	rddreg [dreg:$0xb]  }
0x78: {  	s8 =	rddreg [dreg:$0x6];
	[sflag:s3] =	ssyncset.done $0x0  }
0x79: {  	s9 =	rddreg [dreg:$0x5];
	[sflag:s3] =	ssyncadd.s32 $0xFFFFF700  }
0x7a: {  	[tilespmem:s6], [sflag:$0x1] =	stream.indirect.gather [hbm4b:s4+s5], $0x10, s2, s5, $0xb8;
	[tilespmem:$0x9900] =	vst v63  }
0x7b: {  	s10 =	rddreg [dreg:$0x7]  }
0x7c: {  	[tilespmem:s9], [sflag:$0x1] =	stream.indirect.gather [hbm4b:s4+s5], $0x10, s5, s5, $0xb8;
	[tilespmem:$0x9900] =	vst v63  }
0x7d: {  	s11 =	rddreg [dreg:$0x9]  }
0x7e: {  	[tilespmem:s10], [sflag:$0x1] =	stream.indirect.gather [hbm4b:s4+s5], $0x10, s8, s5, $0xb8;
	[tilespmem:$0x9900] =	vst v63  }
0x7f: {  	s9 =	rddreg [dreg:$0x8]  }
0x80: {  	[tilespmem:s11], [sflag:$0x1] =	stream.indirect.gather [hbm4b:s4+s5], $0x10, s9, s5, $0xb8;
	[tilespmem:$0x9900] =	vst v63  }
0x81: {  	s10 =	rddreg [dreg:$0xa]  }
0x82: {  	[tilespmem:s7], [sflag:$0x1] =	stream.indirect.gather [hbm4b:s4+s5], $0x10, s10, s5, $0xb8;
	[tilespmem:$0x9900] =	vst v63  }
0x83: {  	s11 =	rddreg [dreg:$0xc]  }
0x84: {  	[tilespmem:s0], [sflag:$0x1] =	stream.indirect.gather [hbm4b:s4+s5], $0x10, s11, s5, $0xb8;
	[tilespmem:$0x9900] =	vst v63  }
0x85: {  	s10 =	rddreg [dreg:$0xe];
	s11 =	simm.s32 $0x3900  }
0x86: {  	[tilespmem:s11], [sflag:$0x1] =	stream.indirect.gather [hbm4b:s4+s5], $0x10, s10, s5, $0xb8;
	[tilespmem:$0x9900] =	vst v63  }
0x87: {  	s8 =	simm.s32 $0x380;
	s9 =	simm.s32 $0x4100  }
0x88: {  	[tilespmem:s9], [sflag:$0x1] =	stream.indirect.gather [hbm4b:s4+s5], $0x10, s8, s5, $0xb8;
	[tilespmem:$0x9900] =	vst v63  }
0x89: {  	s10 =	simm.s32 $0x400;
	s11 =	simm.s32 $0x4900  }
0x8a: {  	[tilespmem:s11], [sflag:$0x1] =	stream.indirect.gather [hbm4b:s4+s5], $0x10, s10, s5, $0xb8;
	[tilespmem:$0x9900] =	vst v63  }
0x8b: {  	_ = 	snop  }
0x8c: {  	[tilespmem:s13], [sflag:$0x1] =	stream.indirect.gather [hbm4b:s4+s5], $0x10, s12, s5, $0xb8;
	[tilespmem:$0x9900] =	vst v63  }
0x8d: {  	_ = 	snop  }
0x8e: {  	[tilespmem:s15], [sflag:$0x1] =	stream.indirect.gather [hbm4b:s4+s5], $0x10, s14, s5, $0xb8;
	[tilespmem:$0x9900] =	vst v63  }
0x8f: {  	_ = 	snop  }
0x90: {  	[tilespmem:s17], [sflag:$0x1] =	stream.indirect.gather [hbm4b:s4+s5], $0x10, s16, s5, $0xb8;
	[tilespmem:$0x9900] =	vst v63  }
0x91: {  	_ = 	snop  }
0x92: {  	[tilespmem:s19], [sflag:$0x1] =	stream.indirect.gather [hbm4b:s4+s5], $0x10, s18, s5, $0xb8;
	[tilespmem:$0x9900] =	vst v63  }
0x93: {  	_ = 	snop  }
0x94: {  	[tilespmem:s21], [sflag:$0x1] =	stream.indirect.gather [hbm4b:s4+s5], $0x10, s20, s5, $0xb8;
	[tilespmem:$0x9900] =	vst v63  }
0x95: {  	_ = 	snop  }
0x96: {  	[tilespmem:s23], [sflag:$0x1] =	stream.indirect.gather [hbm4b:s4+s5], $0x10, s22, s5, $0xb8;
	[tilespmem:$0x9900] =	vst v63  }
0x97: {  	_ = 	snop  }
0x98: {  	[tilespmem:s25], [sflag:$0x1] =	stream.indirect.gather [hbm4b:s4+s5], $0x10, s24, s5, $0xb8;
	[tilespmem:$0x9900] =	vst v63  }
0x99: {  	_ = 	snop  }
0x9a: {  	[tilespmem:s28], [sflag:$0x1] =	stream.indirect.gather [hbm4b:s4+s5], $0x10, s26, s5, $0xb8;
	[tilespmem:$0x9900] =	vst v63  }
0x9b: {  	_ = 	snop  }
0x9c: {  	[tilespmem:s30], [sflag:$0x1] =	stream.indirect.gather [hbm4b:s4+s5], $0x10, s29, s5, $0xb8;
	[tilespmem:$0x9900] =	vst v63  }
0x9d: {  	_ =	swait.ge [sflag:s31], $0x800  }
0x9e: {  	[sflag:s31] =	ssyncset.done $0x0  }
0x9f: {  	[sflag:s31] =	ssyncadd.s32 $0xFFFFF800  }
0xa0: {  	_ =	swait.ge [sflag:s31], $0x800  }
0xa1: {  	[sflag:s31] =	ssyncset.done $0x0  }
0xa2: {  	[sflag:s31] =	ssyncadd.s32 $0xFFFFF800  }
0xa3: {  	_ =	swait.ge [sflag:s31], $0x800  }
0xa4: {  	[sflag:s31] =	ssyncset.done $0x0  }
0xa5: {  	[sflag:s31] =	ssyncadd.s32 $0xFFFFF800  }
0xa6: {  	_ =	swait.ge [sflag:s31], $0x800  }
0xa7: {  	[sflag:s31] =	ssyncset.done $0x0  }
0xa8: {  	[sflag:s31] =	ssyncadd.s32 $0xFFFFF800  }
0xa9: {  	_ =	swait.ge [sflag:s31], $0x800  }
0xaa: {  	[sflag:s31] =	ssyncset.done $0x0  }
0xab: {  	[sflag:s31] =	ssyncadd.s32 $0xFFFFF800  }
0xac: {  	_ =	swait.ge [sflag:s31], $0x800  }
0xad: {  	[sflag:s31] =	ssyncset.done $0x0  }
0xae: {  	[sflag:s31] =	ssyncadd.s32 $0xFFFFF800  }
0xaf: {  	_ =	swait.ge [sflag:s31], $0x800  }
0xb0: {  	[sflag:s31] =	ssyncset.done $0x0  }
0xb1: {  	[sflag:s31] =	ssyncadd.s32 $0xFFFFF800  }
0xb2: {  	_ =	swait.ge [sflag:s31], $0x800  }
0xb3: {  	[sflag:s31] =	ssyncset.done $0x0  }
0xb4: {  	[sflag:s31] =	ssyncadd.s32 $0xFFFFF800  }
0xb5: {  	_ =	swait.ge [sflag:s31], $0x800  }
0xb6: {  	[sflag:s31] =	ssyncset.done $0x0  }
0xb7: {  	[sflag:s31] =	ssyncadd.s32 $0xFFFFF800  }
0xb8: {  	_ =	swait.ge [sflag:s31], $0x800  }
0xb9: {  	[sflag:s31] =	ssyncset.done $0x0  }
0xba: {  	[sflag:s31] =	ssyncadd.s32 $0xFFFFF800  }
0xbb: {  	_ =	swait.ge [sflag:s31], $0x800  }
0xbc: {  	[sflag:s31] =	ssyncset.done $0x0  }
0xbd: {  	[sflag:s31] =	ssyncadd.s32 $0xFFFFF800  }
0xbe: {  	_ =	swait.ge [sflag:s31], $0x800  }
0xbf: {  	[sflag:s31] =	ssyncset.done $0x0  }
0xc0: {  	[sflag:s31] =	ssyncadd.s32 $0xFFFFF800  }
0xc1: {  	_ =	swait.ge [sflag:s31], $0x800  }
0xc2: {  	[sflag:s31] =	ssyncset.done $0x0  }
0xc3: {  	[sflag:s31] =	ssyncadd.s32 $0xFFFFF800  }
0xc4: {  	_ =	swait.ge [sflag:s31], $0x800  }
0xc5: {  	[sflag:s31] =	ssyncset.done $0x0  }
0xc6: {  	[sflag:s31] =	ssyncadd.s32 $0xFFFFF800  }
0xc7: {  	_ =	swait.ge [sflag:s31], $0x800  }
0xc8: {  	[sflag:s31] =	ssyncset.done $0x0  }
0xc9: {  	[sflag:s31] =	ssyncadd.s32 $0xFFFFF800  }
0xca: {  	_ =	swait.ge [sflag:s31], $0x800  }
0xcb: {  	[sflag:s31] =	ssyncset.done $0x0  }
0xcc: {  	[sflag:s31] =	ssyncadd.s32 $0xFFFFF800  }
0xcd: {  	p0 =	sne.s32 s1, $0x1;
	_ =	swait.ge [sflag:s31], $0x800  }
.Ltmp1:
0xce: {  	[sflag:s31] =	ssyncset.done $0x0;
	(pc) =	sbr.rel @p0 .LBB2_1-.Ltmp1, $4  }
0xcf: {  	[sflag:s31] =	ssyncadd.s32 $0xFFFFF800  }
0xd0: {  	_ =	swait.ge [sflag:s31], $0x800  }
0xd1: {  	[sflag:s31] =	ssyncset.done $0x0  }
0xd2: {  	s1 =	sadd.s32 $0xFFFFFFFF, s1;
	s0 =	rddreg [dreg:$0x4];
	[sflag:s31] =	ssyncadd.s32 $0xFFFFF800  }
.LBB2_2:
0xd3: {  	[hbm4b:s0+s2] =	stream.linear.scatter [tilespmem:s6], [sflag:$0x2], $0x9000, $0x38;
	[tilespmem:$0x9900] =	vst v63  }
0xd4: {  	_ =	swait.ge [sflag:s3], $0x9000  }
0xd5: {  	[sflag:s3] =	ssyncset.done $0x0  }
0xd6: {  	[sflag:s3] =	ssyncadd.s32 $0xFFFF7000  }
0xd7: {  	_ =	sfence.sel $0x180000  }
0xd8: {  	[bflag:$0x0] =	sbarrier.arrive $0xFFFF  }
0xd9: {  	_ =	strace $0x90000047  }
0xda: {  	s31 =	stileid.u32;
	[bflag:$0x2] =	sbarrier.arrive $0xFFFF  }
0xdb: {  	p0 =	sne.s32 s31, $0x0;
	s0 =	rddreg [dreg:$0x2]  }
0xdc: {  	s0 =	sadd.s32 @!p0 $0x100000, s0  }
0xdd: {  	[sflag:s0] =	ssyncadd.tile.s32 @!p0 $0x1;
	_ =	shalt  }
.Lfunc_end2:
_tile_overlayer_lowered:
.L_overlay_start_2:
0xde: {  	(tag) =	ssettag $0x2  }
0xdf: {  	s0 =	rddreg [dreg:$0x0];
	s2 =	stileid.u32  }
0xe0: {  	s1 =	rddreg [dreg:$0x1];
	p0 =	sne.s32 s2, $0x0  }
0xe1: {  	s3 =	rddreg [dreg:$0x2];
	[bflag:$0x3] =	sbarrier.arrive $0xFFFF;
	s2 =	simm.s32 @!p0 $0x1C02  }
0xe2: {  	[timem:s3], [sflag:s2] =	dma.local @!p0 [hbm:s0], s1  }
0xe3: {  	s0 =	simm.s32 @!p0 $0x2  }
0xe4: {  	_ =	swait.ge @!p0 [sflag:s0], s1  }
0xe5: {  	s1 =	ssub.s32 @!p0 $0x0, s1;
	[sflag:s0] =	ssyncset.done @!p0 $0x0  }
0xe6: {  	[sflag:s0] =	ssyncadd.s32 @!p0 s1  }
0xe7: {  	[bflag:$0x3] =	sbarrier.arrive $0xFFFF  }
0xe8: {  	_ =	shalt  }

</sc_bundles>
